<compile_context>
chip_gen: v7x
topology: tpu7x:2x2x1
jax: 0.10.2.dev20260603
libtpu: 0.0.44.dev20260713+nightly
codegen_flags: <defaults>
</compile_context>

<pallas_src>
import functools

import jax
import jax.numpy as jnp
from jax import lax
from jax.experimental import pallas as pl
from jax.experimental.pallas import tpu as pltpu
from jax.experimental.pallas import tpu_sc as plsc

HDIM = 128
N_G = 20
N_NODES = 10000
N_EDGES = 320000

NC = 2
NS = 16
NW = NC * NS
PER_W = N_EDGES // NW
CHUNK = 80
NCH_LO = 124
NCH_HI = 126
EDGES_LO = NCH_LO * CHUNK
EDGES_HI = NCH_HI * CHUNK
BASE_HI = 16 * EDGES_LO
N_PAD = 10240
ROWS_PER_SUB = N_PAD // NS

_LANES = HDIM // 16



def _filter_body(rbf_ref, fW1_ref, fb1_ref, fW2_ref, fb2_ref, out_ref):
    h = jnp.dot(rbf_ref[...], fW1_ref[...], preferred_element_type=jnp.float32)
    h = h + fb1_ref[...]
    h = h * jax.nn.sigmoid(h)
    o = jnp.dot(h, fW2_ref[...], preferred_element_type=jnp.float32)
    out_ref[...] = o + fb2_ref[...]


def _filter_mlp(rbf, fW1, fb1, fW2, fb2, block_e=16000):
    grid = N_EDGES // block_e
    return pl.pallas_call(
        _filter_body,
        grid=(grid,),
        in_specs=[
            pl.BlockSpec((block_e, N_G), lambda i: (i, 0)),
            pl.BlockSpec((N_G, HDIM), lambda i: (0, 0)),
            pl.BlockSpec((1, HDIM), lambda i: (0, 0)),
            pl.BlockSpec((HDIM, HDIM), lambda i: (0, 0)),
            pl.BlockSpec((1, HDIM), lambda i: (0, 0)),
        ],
        out_specs=pl.BlockSpec((block_e, HDIM), lambda i: (i, 0)),
        out_shape=jax.ShapeDtypeStruct((N_EDGES, HDIM), jnp.float32),
    )(rbf, fW1, fb1.reshape(1, HDIM), fW2, fb2.reshape(1, HDIM))



def _sc_body(col_hbm, row_hbm, x_hbm, filt_hbm, out_hbm,
             x0, x1, f0, f1, ic0, ic1, ir0, ir1,
             agg, gs0, gs1, fs0, fs1, ss0, ss1, cs0, cs1, rs0, rs1):
    cid = lax.axis_index("c")
    sid = lax.axis_index("s")
    wid = sid * NC + cid
    xb = (x0, x1)
    fb = (f0, f1)
    ic = (ic0, ic1)
    ir = (ir0, ir1)
    gs = (gs0, gs1)
    fs = (fs0, fs1)
    ss = (ss0, ss1)
    cs = (cs0, cs1)
    rs = (rs0, rs1)

    zvec = jnp.zeros((16,), jnp.float32)

    def _zero_row(r, _):
        for j in range(_LANES):
            x0[r, pl.ds(16 * j, 16)] = zvec
        return 0

    lax.fori_loop(0, CHUNK, _zero_row, 0)
    for k in range(ROWS_PER_SUB // CHUNK):
        pltpu.sync_copy(
            x0, agg.at[pl.ds(sid * ROWS_PER_SUB + k * CHUNK, CHUNK)])
    plsc.subcore_barrier()

    small = wid < 16
    ebase0 = jnp.where(small, wid * EDGES_LO,
                       BASE_HI + (wid - 16) * EDGES_HI)
    npairs = jnp.where(small, NCH_LO // 2, NCH_HI // 2)
    nch = jnp.where(small, NCH_LO, NCH_HI)

    def _issue_col(c, slot):
        pltpu.async_copy(
            col_hbm.at[pl.ds(ebase0 + c * CHUNK, CHUNK)], ic[slot], cs[slot])

    def _wait_col(c, slot):
        pltpu.make_async_copy(
            col_hbm.at[pl.ds(ebase0 + c * CHUNK, CHUNK)], ic[slot],
            cs[slot]).wait()

    def _issue_row(c, slot):
        pltpu.async_copy(
            row_hbm.at[pl.ds(ebase0 + c * CHUNK, CHUNK)], ir[slot], rs[slot])

    def _wait_row(c, slot):
        pltpu.make_async_copy(
            row_hbm.at[pl.ds(ebase0 + c * CHUNK, CHUNK)], ir[slot],
            rs[slot]).wait()

    def _issue_gf(c, slot):
        pltpu.async_copy(x_hbm.at[ic[slot]], xb[slot], gs[slot])
        pltpu.async_copy(
            filt_hbm.at[pl.ds(ebase0 + c * CHUNK, CHUNK)],
            fb[slot], fs[slot])

    def _wait_gf(c, slot):
        pltpu.make_async_copy(
            x_hbm.at[ic[slot]], xb[slot], gs[slot]).wait()
        pltpu.make_async_copy(
            filt_hbm.at[pl.ds(ebase0 + c * CHUNK, CHUNK)],
            fb[slot], fs[slot]).wait()

    def _compute(slot):
        xv = xb[slot]
        fv = fb[slot]

        @plsc.parallel_loop(0, CHUNK, 1, unroll=4)
        def _mul(r):
            for j in range(_LANES):
                sl = pl.ds(16 * j, 16)
                xv[r, sl] = xv[r, sl] * fv[r, sl]

    def _issue_scatter(slot):
        pltpu.async_copy(xb[slot], agg.at[ir[slot]], ss[slot], add=True)

    def _wait_scatter(slot):
        pltpu.make_async_copy(xb[slot], agg.at[ir[slot]], ss[slot]).wait()

    _issue_col(0, 0)
    _issue_row(0, 0)
    _issue_col(1, 1)
    _issue_row(1, 1)
    _wait_col(0, 0)
    _issue_gf(0, 0)
    _wait_col(1, 1)
    _issue_gf(1, 1)

    def _pair(p, _):
        c0 = 2 * p
        _wait_gf(c0, 0)
        _issue_col(c0 + 2, 0)
        _compute(0)
        _wait_row(c0, 0)
        _issue_scatter(0)
        _wait_gf(c0 + 1, 1)
        _issue_col(c0 + 3, 1)
        _compute(1)
        _wait_row(c0 + 1, 1)
        _issue_scatter(1)
        _wait_scatter(0)
        _issue_row(c0 + 2, 0)
        _wait_col(c0 + 2, 0)
        _issue_gf(c0 + 2, 0)
        _wait_scatter(1)
        _issue_row(c0 + 3, 1)
        _wait_col(c0 + 3, 1)
        _issue_gf(c0 + 3, 1)
        return 0

    lax.fori_loop(0, npairs - 1, _pair, 0)
    cl = nch - 2
    _wait_gf(cl, 0)
    _compute(0)
    _wait_row(cl, 0)
    _issue_scatter(0)
    _wait_gf(cl + 1, 1)
    _compute(1)
    _wait_row(cl + 1, 1)
    _issue_scatter(1)
    _wait_scatter(0)
    _wait_scatter(1)
    plsc.subcore_barrier()

    pltpu.sync_copy(
        agg.at[pl.ds(sid * ROWS_PER_SUB, ROWS_PER_SUB)],
        out_hbm.at[cid, pl.ds(sid * ROWS_PER_SUB, ROWS_PER_SUB)])


def _sc_scatter(col1d, row1d, x, filt):
    mesh = plsc.VectorSubcoreMesh(core_axis_name="c", subcore_axis_name="s")
    f = pl.kernel(
        _sc_body,
        out_type=jax.ShapeDtypeStruct((NC, N_PAD, HDIM), jnp.float32),
        mesh=mesh,
        scratch_types=[
            pltpu.VMEM((CHUNK, HDIM), jnp.float32),
            pltpu.VMEM((CHUNK, HDIM), jnp.float32),
            pltpu.VMEM((CHUNK, HDIM), jnp.float32),
            pltpu.VMEM((CHUNK, HDIM), jnp.float32),
            pltpu.VMEM((CHUNK,), jnp.int32),
            pltpu.VMEM((CHUNK,), jnp.int32),
            pltpu.VMEM((CHUNK,), jnp.int32),
            pltpu.VMEM((CHUNK,), jnp.int32),
            pltpu.VMEM_SHARED((N_PAD, HDIM), jnp.float32),
            pltpu.SemaphoreType.DMA,
            pltpu.SemaphoreType.DMA,
            pltpu.SemaphoreType.DMA,
            pltpu.SemaphoreType.DMA,
            pltpu.SemaphoreType.DMA,
            pltpu.SemaphoreType.DMA,
            pltpu.SemaphoreType.DMA,
            pltpu.SemaphoreType.DMA,
            pltpu.SemaphoreType.DMA,
            pltpu.SemaphoreType.DMA,
        ],
    )
    return f(col1d, row1d, x, filt)



def _update_body(x_ref, p_ref, uW1_ref, ub1_ref, uW2_ref, ub2_ref,
                 g_ref, b_ref, out_ref):
    agg = p_ref[0, :N_NODES, :] + p_ref[1, :N_NODES, :]
    h = jnp.dot(agg, uW1_ref[...], preferred_element_type=jnp.float32)
    h = h + ub1_ref[...]
    h = h * jax.nn.sigmoid(h)
    h = jnp.dot(h, uW2_ref[...], preferred_element_type=jnp.float32)
    h = h + ub2_ref[...]
    mean = jnp.mean(h, axis=0, keepdims=True)
    var = jnp.mean((h - mean) * (h - mean), axis=0, keepdims=True)
    bn = g_ref[...] * (h - mean) * lax.rsqrt(var + 1e-5) + b_ref[...]
    out_ref[...] = x_ref[...] + bn


def _node_update(x, partials, uW1, ub1, uW2, ub2, bn_gamma, bn_beta):
    return pl.pallas_call(
        _update_body,
        out_shape=jax.ShapeDtypeStruct((N_NODES, HDIM), jnp.float32),
    )(x, partials, uW1, ub1.reshape(1, HDIM), uW2, ub2.reshape(1, HDIM),
      bn_gamma.reshape(1, HDIM), bn_beta.reshape(1, HDIM))



def kernel(x, ei, rbf, fW1, fb1, fW2, fb2, uW1, ub1, uW2, ub2,
           bn_gamma, bn_beta):
    filt = _filter_mlp(rbf, fW1, fb1, fW2, fb2)
    partials = _sc_scatter(ei[1], ei[0], x, filt)
    return _node_update(x, partials, uW1, ub1, uW2, ub2, bn_gamma, bn_beta)

# --- scband reference (transcript-rebuilt; emitter-appended) ---
"""Pipeline reference for scband-sch-net-layer-72086731096588 (READ-ONLY COPY).

The authoritative reference and input builder live on the scoring server;
editing this copy changes nothing except your own understanding.
"""

import jax, jax.numpy as jnp
import numpy as np

HDIM = 128
N_G = 20
N_NODES = 10000
N_EDGES = 320000


def setup_inputs(seed: int = 0) -> dict:
    key = jax.random.key(seed)
    ks = jax.random.split(key, 16)
    x = jax.random.normal(ks[0], (N_NODES, HDIM), dtype=jnp.float32)
    ei = jax.random.randint(ks[1], (2, N_EDGES), 0, N_NODES, dtype=jnp.int64 if jax.config.jax_enable_x64 else jnp.int32).astype(jnp.int32)
    rbf = jax.random.uniform(ks[2], (N_EDGES, N_G), dtype=jnp.float32)
    def lin_init(k, fan_in, fan_out):
        bound = 1.0 / np.sqrt(fan_in)
        kw, kb = jax.random.split(k)
        W = jax.random.uniform(kw, (fan_in, fan_out), dtype=jnp.float32, minval=-bound, maxval=bound)
        b = jax.random.uniform(kb, (fan_out,), dtype=jnp.float32, minval=-bound, maxval=bound)
        return W, b
    fW1, fb1 = lin_init(ks[3], N_G, HDIM)
    fW2, fb2 = lin_init(ks[4], HDIM, HDIM)
    uW1, ub1 = lin_init(ks[5], HDIM, HDIM)
    uW2, ub2 = lin_init(ks[6], HDIM, HDIM)
    bn_gamma = jnp.ones((HDIM,), dtype=jnp.float32)
    bn_beta = jnp.zeros((HDIM,), dtype=jnp.float32)
    return {"x": x, "ei": ei, "rbf": rbf, "fW1": fW1, "fb1": fb1, "fW2": fW2, "fb2": fb2, "uW1": uW1, "ub1": ub1, "uW2": uW2, "ub2": ub2, "bn_gamma": bn_gamma, "bn_beta": bn_beta}


def reference(x, ei, rbf, fW1, fb1, fW2, fb2, uW1, ub1, uW2, ub2, bn_gamma, bn_beta):
    row = ei[0]
    col = ei[1]
    # filter_net: Linear -> SiLU -> Linear
    filt = jax.nn.silu(rbf @ fW1 + fb1) @ fW2 + fb2
    # message: gather source node features, modulate with filter
    msg = x[col] * filt
    # scatter-add aggregation onto destination nodes
    agg = jnp.zeros_like(x).at[row].add(msg)
    # node_update: Linear -> SiLU -> Linear
    h = jax.nn.silu(agg @ uW1 + ub1) @ uW2 + ub2
    # BatchNorm1d (training mode: batch statistics, biased variance, eps=1e-5)
    mean = jnp.mean(h, axis=0)
    var = jnp.var(h, axis=0)
    bn = bn_gamma * (h - mean) / jnp.sqrt(var + 1e-5) + bn_beta
    return x + bn

if __name__ == "__main__":
    import jax
    _d = setup_inputs()
    print(jax.jit(kernel)(*tuple(_d.values())))

</pallas_src>

<mosaic_0001>
#map = affine_map<(d0, d1) -> (0)>
#map1 = affine_map<(d0, d1) -> (0, 0)>
#map2 = affine_map<(d0, d1) -> (0, 0, 0)>
module attributes {stable_mosaic.version = 14 : i64} {
  func.func @_sc_body(%arg0: i32, %arg1: i32, %arg2: memref<320000xi32, #tpu.memory_space<hbm>>, %arg3: memref<320000xi32, #tpu.memory_space<hbm>>, %arg4: memref<10000x128xf32, #tpu.memory_space<hbm>>, %arg5: memref<320000x128xf32, #tpu.memory_space<hbm>>, %arg6: memref<2x10240x128xf32, #tpu.memory_space<hbm>>, %arg7: memref<80x128xf32, #tpu.memory_space<vmem>>, %arg8: memref<80x128xf32, #tpu.memory_space<vmem>>, %arg9: memref<80x128xf32, #tpu.memory_space<vmem>>, %arg10: memref<80x128xf32, #tpu.memory_space<vmem>>, %arg11: memref<80xi32, #tpu.memory_space<vmem>>, %arg12: memref<80xi32, #tpu.memory_space<vmem>>, %arg13: memref<80xi32, #tpu.memory_space<vmem>>, %arg14: memref<80xi32, #tpu.memory_space<vmem>>, %arg15: memref<10240x128xf32, #tpu.memory_space<vmem_shared>>, %arg16: memref<!tpu.dma_semaphore, #tpu.memory_space<semaphore_mem>>, %arg17: memref<!tpu.dma_semaphore, #tpu.memory_space<semaphore_mem>>, %arg18: memref<!tpu.dma_semaphore, #tpu.memory_space<semaphore_mem>>, %arg19: memref<!tpu.dma_semaphore, #tpu.memory_space<semaphore_mem>>, %arg20: memref<!tpu.dma_semaphore, #tpu.memory_space<semaphore_mem>>, %arg21: memref<!tpu.dma_semaphore, #tpu.memory_space<semaphore_mem>>, %arg22: memref<!tpu.dma_semaphore, #tpu.memory_space<semaphore_mem>>, %arg23: memref<!tpu.dma_semaphore, #tpu.memory_space<semaphore_mem>>, %arg24: memref<!tpu.dma_semaphore, #tpu.memory_space<semaphore_mem>>, %arg25: memref<!tpu.dma_semaphore, #tpu.memory_space<semaphore_mem>>) attributes {dimension_semantics = [#tpu.dimension_semantics<core_parallel>, #tpu.dimension_semantics<subcore_parallel>], iteration_bounds = array<i64: 2, 16>, scalar_prefetch = 0 : i64, scratch_operands = 19 : i64, tpu.core_type = #tpu.core_type<sc_vector_subcore>, window_params = [{transform_indices = #map}, {transform_indices = #map}, {transform_indices = #map1}, {transform_indices = #map1}, {transform_indices = #map2}]} {
    %mul3A = arith.constant 2 : i32
    %mul3A_0 = arith.muli %arg1, %mul3A : i32
    %add3A = arith.addi %mul3A_0, %arg0 : i32
    %broadcast_in_dim3A = arith.constant 0.000000e+00 : f32
    %broadcast_in_dim3A_1 = vector.broadcast %broadcast_in_dim3A : f32 to vector<16xf32>
    %scan3A = arith.constant 0 : i32
    %scan3A_2 = arith.constant 0 : i32
    %scan3A_3 = arith.constant 80 : i32
    %scan3A_4 = arith.addi %scan3A_2, %scan3A_3 : i32
    %scan3A_5 = arith.constant 1 : i32
    %scan3A_6 = scf.for %scan3A_164 = %scan3A_2 to %scan3A_4 step %scan3A_5 iter_args(%scan3A_165 = %scan3A) -> (i32)  : i32 {
      %swap3A = arith.index_cast %scan3A_164 : i32 to index
      %swap3A_166 = arith.constant 0 : index
      %swap3A_167 = tpu.vector_load %arg7[%swap3A, %swap3A_166] {strides = array<i32>} : memref<80x128xf32, #tpu.memory_space<vmem>>, vector<1x16xf32>,
      %swap3A_168 = vector.shape_cast %swap3A_167 : vector<1x16xf32> to vector<16xf32>
      %swap3A_169 = vector.shape_cast %broadcast_in_dim3A_1 : vector<16xf32> to vector<1x16xf32>
      tpu.vector_store %arg7[%swap3A, %swap3A_166], %swap3A_169 {strides = array<i32>} : memref<80x128xf32, #tpu.memory_space<vmem>>, vector<1x16xf32>,
      %swap3A_170 = arith.index_cast %scan3A_164 : i32 to index
      %swap3A_171 = arith.constant 16 : index
      %swap3A_172 = tpu.vector_load %arg7[%swap3A_170, %swap3A_171] {strides = array<i32>} : memref<80x128xf32, #tpu.memory_space<vmem>>, vector<1x16xf32>,
      %swap3A_173 = vector.shape_cast %swap3A_172 : vector<1x16xf32> to vector<16xf32>
      %swap3A_174 = vector.shape_cast %broadcast_in_dim3A_1 : vector<16xf32> to vector<1x16xf32>
      tpu.vector_store %arg7[%swap3A_170, %swap3A_171], %swap3A_174 {strides = array<i32>} : memref<80x128xf32, #tpu.memory_space<vmem>>, vector<1x16xf32>,
      %swap3A_175 = arith.index_cast %scan3A_164 : i32 to index
      %swap3A_176 = arith.constant 32 : index
      %swap3A_177 = tpu.vector_load %arg7[%swap3A_175, %swap3A_176] {strides = array<i32>} : memref<80x128xf32, #tpu.memory_space<vmem>>, vector<1x16xf32>,
      %swap3A_178 = vector.shape_cast %swap3A_177 : vector<1x16xf32> to vector<16xf32>
      %swap3A_179 = vector.shape_cast %broadcast_in_dim3A_1 : vector<16xf32> to vector<1x16xf32>
      tpu.vector_store %arg7[%swap3A_175, %swap3A_176], %swap3A_179 {strides = array<i32>} : memref<80x128xf32, #tpu.memory_space<vmem>>, vector<1x16xf32>,
      %swap3A_180 = arith.index_cast %scan3A_164 : i32 to index
      %swap3A_181 = arith.constant 48 : index
      %swap3A_182 = tpu.vector_load %arg7[%swap3A_180, %swap3A_181] {strides = array<i32>} : memref<80x128xf32, #tpu.memory_space<vmem>>, vector<1x16xf32>,
      %swap3A_183 = vector.shape_cast %swap3A_182 : vector<1x16xf32> to vector<16xf32>
      %swap3A_184 = vector.shape_cast %broadcast_in_dim3A_1 : vector<16xf32> to vector<1x16xf32>
      tpu.vector_store %arg7[%swap3A_180, %swap3A_181], %swap3A_184 {strides = array<i32>} : memref<80x128xf32, #tpu.memory_space<vmem>>, vector<1x16xf32>,
      %swap3A_185 = arith.index_cast %scan3A_164 : i32 to index
      %swap3A_186 = arith.constant 64 : index
      %swap3A_187 = tpu.vector_load %arg7[%swap3A_185, %swap3A_186] {strides = array<i32>} : memref<80x128xf32, #tpu.memory_space<vmem>>, vector<1x16xf32>,
      %swap3A_188 = vector.shape_cast %swap3A_187 : vector<1x16xf32> to vector<16xf32>
      %swap3A_189 = vector.shape_cast %broadcast_in_dim3A_1 : vector<16xf32> to vector<1x16xf32>
      tpu.vector_store %arg7[%swap3A_185, %swap3A_186], %swap3A_189 {strides = array<i32>} : memref<80x128xf32, #tpu.memory_space<vmem>>, vector<1x16xf32>,
      %swap3A_190 = arith.index_cast %scan3A_164 : i32 to index
      %swap3A_191 = arith.constant 80 : index
      %swap3A_192 = tpu.vector_load %arg7[%swap3A_190, %swap3A_191] {strides = array<i32>} : memref<80x128xf32, #tpu.memory_space<vmem>>, vector<1x16xf32>,
      %swap3A_193 = vector.shape_cast %swap3A_192 : vector<1x16xf32> to vector<16xf32>
      %swap3A_194 = vector.shape_cast %broadcast_in_dim3A_1 : vector<16xf32> to vector<1x16xf32>
      tpu.vector_store %arg7[%swap3A_190, %swap3A_191], %swap3A_194 {strides = array<i32>} : memref<80x128xf32, #tpu.memory_space<vmem>>, vector<1x16xf32>,
      %swap3A_195 = arith.index_cast %scan3A_164 : i32 to index
      %swap3A_196 = arith.constant 96 : index
      %swap3A_197 = tpu.vector_load %arg7[%swap3A_195, %swap3A_196] {strides = array<i32>} : memref<80x128xf32, #tpu.memory_space<vmem>>, vector<1x16xf32>,
      %swap3A_198 = vector.shape_cast %swap3A_197 : vector<1x16xf32> to vector<16xf32>
      %swap3A_199 = vector.shape_cast %broadcast_in_dim3A_1 : vector<16xf32> to vector<1x16xf32>
      tpu.vector_store %arg7[%swap3A_195, %swap3A_196], %swap3A_199 {strides = array<i32>} : memref<80x128xf32, #tpu.memory_space<vmem>>, vector<1x16xf32>,
      %swap3A_200 = arith.index_cast %scan3A_164 : i32 to index
      %swap3A_201 = arith.constant 112 : index
      %swap3A_202 = tpu.vector_load %arg7[%swap3A_200, %swap3A_201] {strides = array<i32>} : memref<80x128xf32, #tpu.memory_space<vmem>>, vector<1x16xf32>,
      %swap3A_203 = vector.shape_cast %swap3A_202 : vector<1x16xf32> to vector<16xf32>
      %swap3A_204 = vector.shape_cast %broadcast_in_dim3A_1 : vector<16xf32> to vector<1x16xf32>
      tpu.vector_store %arg7[%swap3A_200, %swap3A_201], %swap3A_204 {strides = array<i32>} : memref<80x128xf32, #tpu.memory_space<vmem>>, vector<1x16xf32>,
      %scan3A_205 = arith.constant 0 : i32
      scf.yield %scan3A_205 : i32
    }
    %scan3A_7 = arith.constant 80 : i32
    %mul3A_8 = arith.constant 640 : i32
    %mul3A_9 = arith.muli %arg1, %mul3A_8 : i32
    %add3A_10 = arith.constant 0 : i32
    %add3A_11 = arith.addi %mul3A_9, %add3A_10 : i32
    "tpu.region"() ({
      %run_scoped3A = tpu.sem_alloc : memref<!tpu.dma_semaphore, #tpu.memory_space<semaphore_mem>>
      %dma_start3A_164 = arith.constant 0 : i32
      %dma_start3A_165 = tpu.memref_slice %arg15[%add3A_11, %dma_start3A_164] : memref<10240x128xf32, #tpu.memory_space<vmem_shared>> -> memref<80x128xf32, #tpu.memory_space<vmem_shared>>
      %dma_start3A_166 = arith.constant 0 : i32
      %dma_start3A_167 = tpu.memref_slice %arg15[%add3A_11, %dma_start3A_166] : memref<10240x128xf32, #tpu.memory_space<vmem_shared>> -> memref<80x128xf32, #tpu.memory_space<vmem_shared>>
      tpu.enqueue_dma source(%arg7 : memref<80x128xf32, #tpu.memory_space<vmem>>) target(%dma_start3A_167 : memref<80x128xf32, #tpu.memory_space<vmem_shared>>) target_semaphore(%run_scoped3A : memref<!tpu.dma_semaphore, #tpu.memory_space<semaphore_mem>>)
      %dma_wait3A_168 = arith.constant 0 : i32
      %dma_wait3A_169 = tpu.memref_slice %arg15[%add3A_11, %dma_wait3A_168] : memref<10240x128xf32, #tpu.memory_space<vmem_shared>> -> memref<80x128xf32, #tpu.memory_space<vmem_shared>>
      %dma_wait3A_170 = arith.constant 0 : i32
      %dma_wait3A_171 = tpu.memref_slice %arg15[%add3A_11, %dma_wait3A_170] : memref<10240x128xf32, #tpu.memory_space<vmem_shared>> -> memref<80x128xf32, #tpu.memory_space<vmem_shared>>
      tpu.wait_dma2 semaphore(%run_scoped3A : memref<!tpu.dma_semaphore, #tpu.memory_space<semaphore_mem>>) src(%arg7 : memref<80x128xf32, #tpu.memory_space<vmem>>) dst(%dma_wait3A_171 : memref<80x128xf32, #tpu.memory_space<vmem_shared>>)
      tpu.yield
    }) : () -> ()
    %mul3A_12 = arith.constant 640 : i32
    %mul3A_13 = arith.muli %arg1, %mul3A_12 : i32
    %add3A_14 = arith.constant 80 : i32
    %add3A_15 = arith.addi %mul3A_13, %add3A_14 : i32
    "tpu.region"() ({
      %run_scoped3A = tpu.sem_alloc : memref<!tpu.dma_semaphore, #tpu.memory_space<semaphore_mem>>
      %dma_start3A_164 = arith.constant 0 : i32
      %dma_start3A_165 = tpu.memref_slice %arg15[%add3A_15, %dma_start3A_164] : memref<10240x128xf32, #tpu.memory_space<vmem_shared>> -> memref<80x128xf32, #tpu.memory_space<vmem_shared>>
      %dma_start3A_166 = arith.constant 0 : i32
      %dma_start3A_167 = tpu.memref_slice %arg15[%add3A_15, %dma_start3A_166] : memref<10240x128xf32, #tpu.memory_space<vmem_shared>> -> memref<80x128xf32, #tpu.memory_space<vmem_shared>>
      tpu.enqueue_dma source(%arg7 : memref<80x128xf32, #tpu.memory_space<vmem>>) target(%dma_start3A_167 : memref<80x128xf32, #tpu.memory_space<vmem_shared>>) target_semaphore(%run_scoped3A : memref<!tpu.dma_semaphore, #tpu.memory_space<semaphore_mem>>)
      %dma_wait3A_168 = arith.constant 0 : i32
      %dma_wait3A_169 = tpu.memref_slice %arg15[%add3A_15, %dma_wait3A_168] : memref<10240x128xf32, #tpu.memory_space<vmem_shared>> -> memref<80x128xf32, #tpu.memory_space<vmem_shared>>
      %dma_wait3A_170 = arith.constant 0 : i32
      %dma_wait3A_171 = tpu.memref_slice %arg15[%add3A_15, %dma_wait3A_170] : memref<10240x128xf32, #tpu.memory_space<vmem_shared>> -> memref<80x128xf32, #tpu.memory_space<vmem_shared>>
      tpu.wait_dma2 semaphore(%run_scoped3A : memref<!tpu.dma_semaphore, #tpu.memory_space<semaphore_mem>>) src(%arg7 : memref<80x128xf32, #tpu.memory_space<vmem>>) dst(%dma_wait3A_171 : memref<80x128xf32, #tpu.memory_space<vmem_shared>>)
      tpu.yield
    }) : () -> ()
    %mul3A_16 = arith.constant 640 : i32
    %mul3A_17 = arith.muli %arg1, %mul3A_16 : i32
    %add3A_18 = arith.constant 160 : i32
    %add3A_19 = arith.addi %mul3A_17, %add3A_18 : i32
    "tpu.region"() ({
      %run_scoped3A = tpu.sem_alloc : memref<!tpu.dma_semaphore, #tpu.memory_space<semaphore_mem>>
      %dma_start3A_164 = arith.constant 0 : i32
      %dma_start3A_165 = tpu.memref_slice %arg15[%add3A_19, %dma_start3A_164] : memref<10240x128xf32, #tpu.memory_space<vmem_shared>> -> memref<80x128xf32, #tpu.memory_space<vmem_shared>>
      %dma_start3A_166 = arith.constant 0 : i32
      %dma_start3A_167 = tpu.memref_slice %arg15[%add3A_19, %dma_start3A_166] : memref<10240x128xf32, #tpu.memory_space<vmem_shared>> -> memref<80x128xf32, #tpu.memory_space<vmem_shared>>
      tpu.enqueue_dma source(%arg7 : memref<80x128xf32, #tpu.memory_space<vmem>>) target(%dma_start3A_167 : memref<80x128xf32, #tpu.memory_space<vmem_shared>>) target_semaphore(%run_scoped3A : memref<!tpu.dma_semaphore, #tpu.memory_space<semaphore_mem>>)
      %dma_wait3A_168 = arith.constant 0 : i32
      %dma_wait3A_169 = tpu.memref_slice %arg15[%add3A_19, %dma_wait3A_168] : memref<10240x128xf32, #tpu.memory_space<vmem_shared>> -> memref<80x128xf32, #tpu.memory_space<vmem_shared>>
      %dma_wait3A_170 = arith.constant 0 : i32
      %dma_wait3A_171 = tpu.memref_slice %arg15[%add3A_19, %dma_wait3A_170] : memref<10240x128xf32, #tpu.memory_space<vmem_shared>> -> memref<80x128xf32, #tpu.memory_space<vmem_shared>>
      tpu.wait_dma2 semaphore(%run_scoped3A : memref<!tpu.dma_semaphore, #tpu.memory_space<semaphore_mem>>) src(%arg7 : memref<80x128xf32, #tpu.memory_space<vmem>>) dst(%dma_wait3A_171 : memref<80x128xf32, #tpu.memory_space<vmem_shared>>)
      tpu.yield
    }) : () -> ()
    %mul3A_20 = arith.constant 640 : i32
    %mul3A_21 = arith.muli %arg1, %mul3A_20 : i32
    %add3A_22 = arith.constant 240 : i32
    %add3A_23 = arith.addi %mul3A_21, %add3A_22 : i32
    "tpu.region"() ({
      %run_scoped3A = tpu.sem_alloc : memref<!tpu.dma_semaphore, #tpu.memory_space<semaphore_mem>>
      %dma_start3A_164 = arith.constant 0 : i32
      %dma_start3A_165 = tpu.memref_slice %arg15[%add3A_23, %dma_start3A_164] : memref<10240x128xf32, #tpu.memory_space<vmem_shared>> -> memref<80x128xf32, #tpu.memory_space<vmem_shared>>
      %dma_start3A_166 = arith.constant 0 : i32
      %dma_start3A_167 = tpu.memref_slice %arg15[%add3A_23, %dma_start3A_166] : memref<10240x128xf32, #tpu.memory_space<vmem_shared>> -> memref<80x128xf32, #tpu.memory_space<vmem_shared>>
      tpu.enqueue_dma source(%arg7 : memref<80x128xf32, #tpu.memory_space<vmem>>) target(%dma_start3A_167 : memref<80x128xf32, #tpu.memory_space<vmem_shared>>) target_semaphore(%run_scoped3A : memref<!tpu.dma_semaphore, #tpu.memory_space<semaphore_mem>>)
      %dma_wait3A_168 = arith.constant 0 : i32
      %dma_wait3A_169 = tpu.memref_slice %arg15[%add3A_23, %dma_wait3A_168] : memref<10240x128xf32, #tpu.memory_space<vmem_shared>> -> memref<80x128xf32, #tpu.memory_space<vmem_shared>>
      %dma_wait3A_170 = arith.constant 0 : i32
      %dma_wait3A_171 = tpu.memref_slice %arg15[%add3A_23, %dma_wait3A_170] : memref<10240x128xf32, #tpu.memory_space<vmem_shared>> -> memref<80x128xf32, #tpu.memory_space<vmem_shared>>
      tpu.wait_dma2 semaphore(%run_scoped3A : memref<!tpu.dma_semaphore, #tpu.memory_space<semaphore_mem>>) src(%arg7 : memref<80x128xf32, #tpu.memory_space<vmem>>) dst(%dma_wait3A_171 : memref<80x128xf32, #tpu.memory_space<vmem_shared>>)
      tpu.yield
    }) : () -> ()
    %mul3A_24 = arith.constant 640 : i32
    %mul3A_25 = arith.muli %arg1, %mul3A_24 : i32
    %add3A_26 = arith.constant 320 : i32
    %add3A_27 = arith.addi %mul3A_25, %add3A_26 : i32
    "tpu.region"() ({
      %run_scoped3A = tpu.sem_alloc : memref<!tpu.dma_semaphore, #tpu.memory_space<semaphore_mem>>
      %dma_start3A_164 = arith.constant 0 : i32
      %dma_start3A_165 = tpu.memref_slice %arg15[%add3A_27, %dma_start3A_164] : memref<10240x128xf32, #tpu.memory_space<vmem_shared>> -> memref<80x128xf32, #tpu.memory_space<vmem_shared>>
      %dma_start3A_166 = arith.constant 0 : i32
      %dma_start3A_167 = tpu.memref_slice %arg15[%add3A_27, %dma_start3A_166] : memref<10240x128xf32, #tpu.memory_space<vmem_shared>> -> memref<80x128xf32, #tpu.memory_space<vmem_shared>>
      tpu.enqueue_dma source(%arg7 : memref<80x128xf32, #tpu.memory_space<vmem>>) target(%dma_start3A_167 : memref<80x128xf32, #tpu.memory_space<vmem_shared>>) target_semaphore(%run_scoped3A : memref<!tpu.dma_semaphore, #tpu.memory_space<semaphore_mem>>)
      %dma_wait3A_168 = arith.constant 0 : i32
      %dma_wait3A_169 = tpu.memref_slice %arg15[%add3A_27, %dma_wait3A_168] : memref<10240x128xf32, #tpu.memory_space<vmem_shared>> -> memref<80x128xf32, #tpu.memory_space<vmem_shared>>
      %dma_wait3A_170 = arith.constant 0 : i32
      %dma_wait3A_171 = tpu.memref_slice %arg15[%add3A_27, %dma_wait3A_170] : memref<10240x128xf32, #tpu.memory_space<vmem_shared>> -> memref<80x128xf32, #tpu.memory_space<vmem_shared>>
      tpu.wait_dma2 semaphore(%run_scoped3A : memref<!tpu.dma_semaphore, #tpu.memory_space<semaphore_mem>>) src(%arg7 : memref<80x128xf32, #tpu.memory_space<vmem>>) dst(%dma_wait3A_171 : memref<80x128xf32, #tpu.memory_space<vmem_shared>>)
      tpu.yield
    }) : () -> ()
    %mul3A_28 = arith.constant 640 : i32
    %mul3A_29 = arith.muli %arg1, %mul3A_28 : i32
    %add3A_30 = arith.constant 400 : i32
    %add3A_31 = arith.addi %mul3A_29, %add3A_30 : i32
    "tpu.region"() ({
      %run_scoped3A = tpu.sem_alloc : memref<!tpu.dma_semaphore, #tpu.memory_space<semaphore_mem>>
      %dma_start3A_164 = arith.constant 0 : i32
      %dma_start3A_165 = tpu.memref_slice %arg15[%add3A_31, %dma_start3A_164] : memref<10240x128xf32, #tpu.memory_space<vmem_shared>> -> memref<80x128xf32, #tpu.memory_space<vmem_shared>>
      %dma_start3A_166 = arith.constant 0 : i32
      %dma_start3A_167 = tpu.memref_slice %arg15[%add3A_31, %dma_start3A_166] : memref<10240x128xf32, #tpu.memory_space<vmem_shared>> -> memref<80x128xf32, #tpu.memory_space<vmem_shared>>
      tpu.enqueue_dma source(%arg7 : memref<80x128xf32, #tpu.memory_space<vmem>>) target(%dma_start3A_167 : memref<80x128xf32, #tpu.memory_space<vmem_shared>>) target_semaphore(%run_scoped3A : memref<!tpu.dma_semaphore, #tpu.memory_space<semaphore_mem>>)
      %dma_wait3A_168 = arith.constant 0 : i32
      %dma_wait3A_169 = tpu.memref_slice %arg15[%add3A_31, %dma_wait3A_168] : memref<10240x128xf32, #tpu.memory_space<vmem_shared>> -> memref<80x128xf32, #tpu.memory_space<vmem_shared>>
      %dma_wait3A_170 = arith.constant 0 : i32
      %dma_wait3A_171 = tpu.memref_slice %arg15[%add3A_31, %dma_wait3A_170] : memref<10240x128xf32, #tpu.memory_space<vmem_shared>> -> memref<80x128xf32, #tpu.memory_space<vmem_shared>>
      tpu.wait_dma2 semaphore(%run_scoped3A : memref<!tpu.dma_semaphore, #tpu.memory_space<semaphore_mem>>) src(%arg7 : memref<80x128xf32, #tpu.memory_space<vmem>>) dst(%dma_wait3A_171 : memref<80x128xf32, #tpu.memory_space<vmem_shared>>)
      tpu.yield
    }) : () -> ()
    %mul3A_32 = arith.constant 640 : i32
    %mul3A_33 = arith.muli %arg1, %mul3A_32 : i32
    %add3A_34 = arith.constant 480 : i32
    %add3A_35 = arith.addi %mul3A_33, %add3A_34 : i32
    "tpu.region"() ({
      %run_scoped3A = tpu.sem_alloc : memref<!tpu.dma_semaphore, #tpu.memory_space<semaphore_mem>>
      %dma_start3A_164 = arith.constant 0 : i32
      %dma_start3A_165 = tpu.memref_slice %arg15[%add3A_35, %dma_start3A_164] : memref<10240x128xf32, #tpu.memory_space<vmem_shared>> -> memref<80x128xf32, #tpu.memory_space<vmem_shared>>
      %dma_start3A_166 = arith.constant 0 : i32
      %dma_start3A_167 = tpu.memref_slice %arg15[%add3A_35, %dma_start3A_166] : memref<10240x128xf32, #tpu.memory_space<vmem_shared>> -> memref<80x128xf32, #tpu.memory_space<vmem_shared>>
      tpu.enqueue_dma source(%arg7 : memref<80x128xf32, #tpu.memory_space<vmem>>) target(%dma_start3A_167 : memref<80x128xf32, #tpu.memory_space<vmem_shared>>) target_semaphore(%run_scoped3A : memref<!tpu.dma_semaphore, #tpu.memory_space<semaphore_mem>>)
      %dma_wait3A_168 = arith.constant 0 : i32
      %dma_wait3A_169 = tpu.memref_slice %arg15[%add3A_35, %dma_wait3A_168] : memref<10240x128xf32, #tpu.memory_space<vmem_shared>> -> memref<80x128xf32, #tpu.memory_space<vmem_shared>>
      %dma_wait3A_170 = arith.constant 0 : i32
      %dma_wait3A_171 = tpu.memref_slice %arg15[%add3A_35, %dma_wait3A_170] : memref<10240x128xf32, #tpu.memory_space<vmem_shared>> -> memref<80x128xf32, #tpu.memory_space<vmem_shared>>
      tpu.wait_dma2 semaphore(%run_scoped3A : memref<!tpu.dma_semaphore, #tpu.memory_space<semaphore_mem>>) src(%arg7 : memref<80x128xf32, #tpu.memory_space<vmem>>) dst(%dma_wait3A_171 : memref<80x128xf32, #tpu.memory_space<vmem_shared>>)
      tpu.yield
    }) : () -> ()
    %mul3A_36 = arith.constant 640 : i32
    %mul3A_37 = arith.muli %arg1, %mul3A_36 : i32
    %add3A_38 = arith.constant 560 : i32
    %add3A_39 = arith.addi %mul3A_37, %add3A_38 : i32
    "tpu.region"() ({
      %run_scoped3A = tpu.sem_alloc : memref<!tpu.dma_semaphore, #tpu.memory_space<semaphore_mem>>
      %dma_start3A_164 = arith.constant 0 : i32
      %dma_start3A_165 = tpu.memref_slice %arg15[%add3A_39, %dma_start3A_164] : memref<10240x128xf32, #tpu.memory_space<vmem_shared>> -> memref<80x128xf32, #tpu.memory_space<vmem_shared>>
      %dma_start3A_166 = arith.constant 0 : i32
      %dma_start3A_167 = tpu.memref_slice %arg15[%add3A_39, %dma_start3A_166] : memref<10240x128xf32, #tpu.memory_space<vmem_shared>> -> memref<80x128xf32, #tpu.memory_space<vmem_shared>>
      tpu.enqueue_dma source(%arg7 : memref<80x128xf32, #tpu.memory_space<vmem>>) target(%dma_start3A_167 : memref<80x128xf32, #tpu.memory_space<vmem_shared>>) target_semaphore(%run_scoped3A : memref<!tpu.dma_semaphore, #tpu.memory_space<semaphore_mem>>)
      %dma_wait3A_168 = arith.constant 0 : i32
      %dma_wait3A_169 = tpu.memref_slice %arg15[%add3A_39, %dma_wait3A_168] : memref<10240x128xf32, #tpu.memory_space<vmem_shared>> -> memref<80x128xf32, #tpu.memory_space<vmem_shared>>
      %dma_wait3A_170 = arith.constant 0 : i32
      %dma_wait3A_171 = tpu.memref_slice %arg15[%add3A_39, %dma_wait3A_170] : memref<10240x128xf32, #tpu.memory_space<vmem_shared>> -> memref<80x128xf32, #tpu.memory_space<vmem_shared>>
      tpu.wait_dma2 semaphore(%run_scoped3A : memref<!tpu.dma_semaphore, #tpu.memory_space<semaphore_mem>>) src(%arg7 : memref<80x128xf32, #tpu.memory_space<vmem>>) dst(%dma_wait3A_171 : memref<80x128xf32, #tpu.memory_space<vmem_shared>>)
      tpu.yield
    }) : () -> ()
    %barrier3A = arith.constant 0 : index
    tpu.barrier barrier_id(%barrier3A)
    %lt3A = arith.constant 16 : i32
    %lt3A_40 = arith.cmpi slt, %add3A, %lt3A : i32
    %mul3A_41 = arith.constant 9920 : i32
    %mul3A_42 = arith.muli %add3A, %mul3A_41 : i32
    %sub3A = arith.constant 16 : i32
    %sub3A_43 = arith.subi %add3A, %sub3A : i32
    %mul3A_44 = arith.constant 10080 : i32
    %mul3A_45 = arith.muli %sub3A_43, %mul3A_44 : i32
    %add3A_46 = arith.constant 158720 : i32
    %add3A_47 = arith.addi %add3A_46, %mul3A_45 : i32
    %select_n3A = arith.select %lt3A_40, %mul3A_42, %add3A_47 : i32
    %jit3A = arith.constant 62 : i32
    %jit3A_48 = arith.constant 63 : i32
    %select_n3A_49 = arith.select %lt3A_40, %jit3A, %jit3A_48 : i32
    %jit3A_50 = arith.constant 124 : i32
    %jit3A_51 = arith.constant 126 : i32
    %select_n3A_52 = arith.select %lt3A_40, %jit3A_50, %jit3A_51 : i32
    %add3A_53 = arith.constant 0 : i32
    %add3A_54 = arith.addi %select_n3A, %add3A_53 : i32
    %dma_start3A = tpu.memref_slice %arg2[%add3A_54] : memref<320000xi32, #tpu.memory_space<hbm>> -> memref<80xi32, #tpu.memory_space<hbm>>
    %dma_start3A_55 = tpu.memref_slice %arg2[%add3A_54] : memref<320000xi32, #tpu.memory_space<hbm>> -> memref<80xi32, #tpu.memory_space<hbm>>
    tpu.enqueue_dma source(%dma_start3A_55 : memref<80xi32, #tpu.memory_space<hbm>>) target(%arg11 : memref<80xi32, #tpu.memory_space<vmem>>) target_semaphore(%arg22 : memref<!tpu.dma_semaphore, #tpu.memory_space<semaphore_mem>>)
    %add3A_56 = arith.constant 0 : i32
    %add3A_57 = arith.addi %select_n3A, %add3A_56 : i32
    %dma_start3A_58 = tpu.memref_slice %arg3[%add3A_57] : memref<320000xi32, #tpu.memory_space<hbm>> -> memref<80xi32, #tpu.memory_space<hbm>>
    %dma_start3A_59 = tpu.memref_slice %arg3[%add3A_57] : memref<320000xi32, #tpu.memory_space<hbm>> -> memref<80xi32, #tpu.memory_space<hbm>>
    tpu.enqueue_dma source(%dma_start3A_59 : memref<80xi32, #tpu.memory_space<hbm>>) target(%arg13 : memref<80xi32, #tpu.memory_space<vmem>>) target_semaphore(%arg24 : memref<!tpu.dma_semaphore, #tpu.memory_space<semaphore_mem>>)
    %add3A_60 = arith.constant 80 : i32
    %add3A_61 = arith.addi %select_n3A, %add3A_60 : i32
    %dma_start3A_62 = tpu.memref_slice %arg2[%add3A_61] : memref<320000xi32, #tpu.memory_space<hbm>> -> memref<80xi32, #tpu.memory_space<hbm>>
    %dma_start3A_63 = tpu.memref_slice %arg2[%add3A_61] : memref<320000xi32, #tpu.memory_space<hbm>> -> memref<80xi32, #tpu.memory_space<hbm>>
    tpu.enqueue_dma source(%dma_start3A_63 : memref<80xi32, #tpu.memory_space<hbm>>) target(%arg12 : memref<80xi32, #tpu.memory_space<vmem>>) target_semaphore(%arg23 : memref<!tpu.dma_semaphore, #tpu.memory_space<semaphore_mem>>)
    %add3A_64 = arith.constant 80 : i32
    %add3A_65 = arith.addi %select_n3A, %add3A_64 : i32
    %dma_start3A_66 = tpu.memref_slice %arg3[%add3A_65] : memref<320000xi32, #tpu.memory_space<hbm>> -> memref<80xi32, #tpu.memory_space<hbm>>
    %dma_start3A_67 = tpu.memref_slice %arg3[%add3A_65] : memref<320000xi32, #tpu.memory_space<hbm>> -> memref<80xi32, #tpu.memory_space<hbm>>
    tpu.enqueue_dma source(%dma_start3A_67 : memref<80xi32, #tpu.memory_space<hbm>>) target(%arg14 : memref<80xi32, #tpu.memory_space<vmem>>) target_semaphore(%arg25 : memref<!tpu.dma_semaphore, #tpu.memory_space<semaphore_mem>>)
    %add3A_68 = arith.constant 0 : i32
    %add3A_69 = arith.addi %select_n3A, %add3A_68 : i32
    %dma_wait3A = tpu.memref_slice %arg2[%add3A_69] : memref<320000xi32, #tpu.memory_space<hbm>> -> memref<80xi32, #tpu.memory_space<hbm>>
    %dma_wait3A_70 = tpu.memref_slice %arg2[%add3A_69] : memref<320000xi32, #tpu.memory_space<hbm>> -> memref<80xi32, #tpu.memory_space<hbm>>
    tpu.wait_dma2 semaphore(%arg22 : memref<!tpu.dma_semaphore, #tpu.memory_space<semaphore_mem>>) src(%dma_wait3A_70 : memref<80xi32, #tpu.memory_space<hbm>>) dst(%arg11 : memref<80xi32, #tpu.memory_space<vmem>>)
    %dma_start3A_71 = arith.constant 0 : i32
    %dma_start3A_72 = arith.constant 0 : i32
    %dma_start3A_73 = tpu.memref_slice %arg4[%dma_start3A_71, %dma_start3A_72] : memref<10000x128xf32, #tpu.memory_space<hbm>> -> memref<10000x128xf32, #tpu.memory_space<hbm>>
    tpu.enqueue_indirect_dma source(%dma_start3A_73 : memref<10000x128xf32, #tpu.memory_space<hbm>>) target(%arg7 : memref<80x128xf32, #tpu.memory_space<vmem>>) offsets(%arg11 : memref<80xi32, #tpu.memory_space<vmem>>) semaphore(%arg16 : memref<!tpu.dma_semaphore, #tpu.memory_space<semaphore_mem>>)
    %add3A_74 = arith.constant 0 : i32
    %add3A_75 = arith.addi %select_n3A, %add3A_74 : i32
    %dma_start3A_76 = arith.constant 0 : i32
    %dma_start3A_77 = tpu.memref_slice %arg5[%add3A_75, %dma_start3A_76] : memref<320000x128xf32, #tpu.memory_space<hbm>> -> memref<80x128xf32, #tpu.memory_space<hbm>>
    %dma_start3A_78 = arith.constant 0 : i32
    %dma_start3A_79 = tpu.memref_slice %arg5[%add3A_75, %dma_start3A_78] : memref<320000x128xf32, #tpu.memory_space<hbm>> -> memref<80x128xf32, #tpu.memory_space<hbm>>
    tpu.enqueue_dma source(%dma_start3A_79 : memref<80x128xf32, #tpu.memory_space<hbm>>) target(%arg9 : memref<80x128xf32, #tpu.memory_space<vmem>>) target_semaphore(%arg18 : memref<!tpu.dma_semaphore, #tpu.memory_space<semaphore_mem>>)
    %add3A_80 = arith.constant 80 : i32
    %add3A_81 = arith.addi %select_n3A, %add3A_80 : i32
    %dma_wait3A_82 = tpu.memref_slice %arg2[%add3A_81] : memref<320000xi32, #tpu.memory_space<hbm>> -> memref<80xi32, #tpu.memory_space<hbm>>
    %dma_wait3A_83 = tpu.memref_slice %arg2[%add3A_81] : memref<320000xi32, #tpu.memory_space<hbm>> -> memref<80xi32, #tpu.memory_space<hbm>>
    tpu.wait_dma2 semaphore(%arg23 : memref<!tpu.dma_semaphore, #tpu.memory_space<semaphore_mem>>) src(%dma_wait3A_83 : memref<80xi32, #tpu.memory_space<hbm>>) dst(%arg12 : memref<80xi32, #tpu.memory_space<vmem>>)
    %dma_start3A_84 = arith.constant 0 : i32
    %dma_start3A_85 = arith.constant 0 : i32
    %dma_start3A_86 = tpu.memref_slice %arg4[%dma_start3A_84, %dma_start3A_85] : memref<10000x128xf32, #tpu.memory_space<hbm>> -> memref<10000x128xf32, #tpu.memory_space<hbm>>
    tpu.enqueue_indirect_dma source(%dma_start3A_86 : memref<10000x128xf32, #tpu.memory_space<hbm>>) target(%arg8 : memref<80x128xf32, #tpu.memory_space<vmem>>) offsets(%arg12 : memref<80xi32, #tpu.memory_space<vmem>>) semaphore(%arg17 : memref<!tpu.dma_semaphore, #tpu.memory_space<semaphore_mem>>)
    %add3A_87 = arith.constant 80 : i32
    %add3A_88 = arith.addi %select_n3A, %add3A_87 : i32
    %dma_start3A_89 = arith.constant 0 : i32
    %dma_start3A_90 = tpu.memref_slice %arg5[%add3A_88, %dma_start3A_89] : memref<320000x128xf32, #tpu.memory_space<hbm>> -> memref<80x128xf32, #tpu.memory_space<hbm>>
    %dma_start3A_91 = arith.constant 0 : i32
    %dma_start3A_92 = tpu.memref_slice %arg5[%add3A_88, %dma_start3A_91] : memref<320000x128xf32, #tpu.memory_space<hbm>> -> memref<80x128xf32, #tpu.memory_space<hbm>>
    tpu.enqueue_dma source(%dma_start3A_92 : memref<80x128xf32, #tpu.memory_space<hbm>>) target(%arg10 : memref<80x128xf32, #tpu.memory_space<vmem>>) target_semaphore(%arg19 : memref<!tpu.dma_semaphore, #tpu.memory_space<semaphore_mem>>)
    %sub3A_93 = arith.constant 1 : i32
    %sub3A_94 = arith.subi %select_n3A_49, %sub3A_93 : i32
    %while3A = arith.constant 0 : i32
    %while3A_95 = arith.constant 0 : i32
    %while3A_96 = arith.subi %sub3A_94, %while3A : i32
    %while3A_97 = arith.addi %while3A, %while3A_96 : i32
    %while3A_98 = arith.constant 1 : i32
    %while3A_99 = arith.divsi %while3A_96, %while3A_98 : i32
    %while3A_100 = arith.muli %while3A_99, %while3A_98 : i32
    %while3A_101 = arith.addi %while3A, %while3A_100 : i32
    %while3A_102 = arith.constant 1 : i32
    %while3A_103 = scf.for %while3A_164 = %while3A to %while3A_101 step %while3A_102 iter_args(%while3A_165 = %while3A_95) -> (i32)  : i32 {
      %mul3A_166 = arith.constant 2 : i32
      %mul3A_167 = arith.muli %mul3A_166, %while3A_164 : i32
      %dma_wait3A_168 = arith.constant 0 : i32
      %dma_wait3A_169 = arith.constant 0 : i32
      %dma_wait3A_170 = tpu.memref_slice %arg4[%dma_wait3A_168, %dma_wait3A_169] : memref<10000x128xf32, #tpu.memory_space<hbm>> -> memref<10000x128xf32, #tpu.memory_space<hbm>>
      tpu.wait_indirect_dma semaphore(%arg16 : memref<!tpu.dma_semaphore, #tpu.memory_space<semaphore_mem>>) src(%dma_wait3A_170 : memref<10000x128xf32, #tpu.memory_space<hbm>>) dst(%arg7 : memref<80x128xf32, #tpu.memory_space<vmem>>)
      %mul3A_171 = arith.constant 80 : i32
      %mul3A_172 = arith.muli %mul3A_167, %mul3A_171 : i32
      %add3A_173 = arith.addi %select_n3A, %mul3A_172 : i32
      %dma_wait3A_174 = arith.constant 0 : i32
      %dma_wait3A_175 = tpu.memref_slice %arg5[%add3A_173, %dma_wait3A_174] : memref<320000x128xf32, #tpu.memory_space<hbm>> -> memref<80x128xf32, #tpu.memory_space<hbm>>
      %dma_wait3A_176 = arith.constant 0 : i32
      %dma_wait3A_177 = tpu.memref_slice %arg5[%add3A_173, %dma_wait3A_176] : memref<320000x128xf32, #tpu.memory_space<hbm>> -> memref<80x128xf32, #tpu.memory_space<hbm>>
      tpu.wait_dma2 semaphore(%arg18 : memref<!tpu.dma_semaphore, #tpu.memory_space<semaphore_mem>>) src(%dma_wait3A_177 : memref<80x128xf32, #tpu.memory_space<hbm>>) dst(%arg9 : memref<80x128xf32, #tpu.memory_space<vmem>>)
      %add3A_178 = arith.constant 2 : i32
      %add3A_179 = arith.addi %mul3A_167, %add3A_178 : i32
      %mul3A_180 = arith.constant 80 : i32
      %mul3A_181 = arith.muli %add3A_179, %mul3A_180 : i32
      %add3A_182 = arith.addi %select_n3A, %mul3A_181 : i32
      %dma_start3A_183 = tpu.memref_slice %arg2[%add3A_182] : memref<320000xi32, #tpu.memory_space<hbm>> -> memref<80xi32, #tpu.memory_space<hbm>>
      %dma_start3A_184 = tpu.memref_slice %arg2[%add3A_182] : memref<320000xi32, #tpu.memory_space<hbm>> -> memref<80xi32, #tpu.memory_space<hbm>>
      tpu.enqueue_dma source(%dma_start3A_184 : memref<80xi32, #tpu.memory_space<hbm>>) target(%arg11 : memref<80xi32, #tpu.memory_space<vmem>>) target_semaphore(%arg22 : memref<!tpu.dma_semaphore, #tpu.memory_space<semaphore_mem>>)
      %parallel_loop3A_185 = arith.constant 0 : i32
      %parallel_loop3A_186 = arith.constant 80 : i32
      %parallel_loop3A_187 = arith.constant 1 : i32
      scf.for %parallel_loop3A_287 = %parallel_loop3A_185 to %parallel_loop3A_186 step %parallel_loop3A_187  : i32 {
        %parallel_loop3A_288 = arith.index_cast %parallel_loop3A_287 : i32 to index
        %parallel_loop3A_289 = arith.constant 0 : index
        %parallel_loop3A_290 = tpu.vector_load %arg7[%parallel_loop3A_288, %parallel_loop3A_289] {strides = array<i32>} : memref<80x128xf32, #tpu.memory_space<vmem>>, vector<1x16xf32>,
        %parallel_loop3A_291 = vector.shape_cast %parallel_loop3A_290 : vector<1x16xf32> to vector<16xf32>
        %parallel_loop3A_292 = arith.index_cast %parallel_loop3A_287 : i32 to index
        %parallel_loop3A_293 = arith.constant 0 : index
        %parallel_loop3A_294 = tpu.vector_load %arg9[%parallel_loop3A_292, %parallel_loop3A_293] {strides = array<i32>} : memref<80x128xf32, #tpu.memory_space<vmem>>, vector<1x16xf32>,
        %parallel_loop3A_295 = vector.shape_cast %parallel_loop3A_294 : vector<1x16xf32> to vector<16xf32>
        %parallel_loop3A_296 = arith.mulf %parallel_loop3A_291, %parallel_loop3A_295 : vector<16xf32>
        %parallel_loop3A_297 = arith.index_cast %parallel_loop3A_287 : i32 to index
        %parallel_loop3A_298 = arith.constant 0 : index
        %parallel_loop3A_299 = tpu.vector_load %arg7[%parallel_loop3A_297, %parallel_loop3A_298] {strides = array<i32>} : memref<80x128xf32, #tpu.memory_space<vmem>>, vector<1x16xf32>,
        %parallel_loop3A_300 = vector.shape_cast %parallel_loop3A_299 : vector<1x16xf32> to vector<16xf32>
        %parallel_loop3A_301 = vector.shape_cast %parallel_loop3A_296 : vector<16xf32> to vector<1x16xf32>
        tpu.vector_store %arg7[%parallel_loop3A_297, %parallel_loop3A_298], %parallel_loop3A_301 {strides = array<i32>} : memref<80x128xf32, #tpu.memory_space<vmem>>, vector<1x16xf32>,
        %parallel_loop3A_302 = arith.index_cast %parallel_loop3A_287 : i32 to index
        %parallel_loop3A_303 = arith.constant 16 : index
        %parallel_loop3A_304 = tpu.vector_load %arg7[%parallel_loop3A_302, %parallel_loop3A_303] {strides = array<i32>} : memref<80x128xf32, #tpu.memory_space<vmem>>, vector<1x16xf32>,
        %parallel_loop3A_305 = vector.shape_cast %parallel_loop3A_304 : vector<1x16xf32> to vector<16xf32>
        %parallel_loop3A_306 = arith.index_cast %parallel_loop3A_287 : i32 to index
        %parallel_loop3A_307 = arith.constant 16 : index
        %parallel_loop3A_308 = tpu.vector_load %arg9[%parallel_loop3A_306, %parallel_loop3A_307] {strides = array<i32>} : memref<80x128xf32, #tpu.memory_space<vmem>>, vector<1x16xf32>,
        %parallel_loop3A_309 = vector.shape_cast %parallel_loop3A_308 : vector<1x16xf32> to vector<16xf32>
        %parallel_loop3A_310 = arith.mulf %parallel_loop3A_305, %parallel_loop3A_309 : vector<16xf32>
        %parallel_loop3A_311 = arith.index_cast %parallel_loop3A_287 : i32 to index
        %parallel_loop3A_312 = arith.constant 16 : index
        %parallel_loop3A_313 = tpu.vector_load %arg7[%parallel_loop3A_311, %parallel_loop3A_312] {strides = array<i32>} : memref<80x128xf32, #tpu.memory_space<vmem>>, vector<1x16xf32>,
        %parallel_loop3A_314 = vector.shape_cast %parallel_loop3A_313 : vector<1x16xf32> to vector<16xf32>
        %parallel_loop3A_315 = vector.shape_cast %parallel_loop3A_310 : vector<16xf32> to vector<1x16xf32>
        tpu.vector_store %arg7[%parallel_loop3A_311, %parallel_loop3A_312], %parallel_loop3A_315 {strides = array<i32>} : memref<80x128xf32, #tpu.memory_space<vmem>>, vector<1x16xf32>,
        %parallel_loop3A_316 = arith.index_cast %parallel_loop3A_287 : i32 to index
        %parallel_loop3A_317 = arith.constant 32 : index
        %parallel_loop3A_318 = tpu.vector_load %arg7[%parallel_loop3A_316, %parallel_loop3A_317] {strides = array<i32>} : memref<80x128xf32, #tpu.memory_space<vmem>>, vector<1x16xf32>,
        %parallel_loop3A_319 = vector.shape_cast %parallel_loop3A_318 : vector<1x16xf32> to vector<16xf32>
        %parallel_loop3A_320 = arith.index_cast %parallel_loop3A_287 : i32 to index
        %parallel_loop3A_321 = arith.constant 32 : index
        %parallel_loop3A_322 = tpu.vector_load %arg9[%parallel_loop3A_320, %parallel_loop3A_321] {strides = array<i32>} : memref<80x128xf32, #tpu.memory_space<vmem>>, vector<1x16xf32>,
        %parallel_loop3A_323 = vector.shape_cast %parallel_loop3A_322 : vector<1x16xf32> to vector<16xf32>
        %parallel_loop3A_324 = arith.mulf %parallel_loop3A_319, %parallel_loop3A_323 : vector<16xf32>
        %parallel_loop3A_325 = arith.index_cast %parallel_loop3A_287 : i32 to index
        %parallel_loop3A_326 = arith.constant 32 : index
        %parallel_loop3A_327 = tpu.vector_load %arg7[%parallel_loop3A_325, %parallel_loop3A_326] {strides = array<i32>} : memref<80x128xf32, #tpu.memory_space<vmem>>, vector<1x16xf32>,
        %parallel_loop3A_328 = vector.shape_cast %parallel_loop3A_327 : vector<1x16xf32> to vector<16xf32>
        %parallel_loop3A_329 = vector.shape_cast %parallel_loop3A_324 : vector<16xf32> to vector<1x16xf32>
        tpu.vector_store %arg7[%parallel_loop3A_325, %parallel_loop3A_326], %parallel_loop3A_329 {strides = array<i32>} : memref<80x128xf32, #tpu.memory_space<vmem>>, vector<1x16xf32>,
        %parallel_loop3A_330 = arith.index_cast %parallel_loop3A_287 : i32 to index
        %parallel_loop3A_331 = arith.constant 48 : index
        %parallel_loop3A_332 = tpu.vector_load %arg7[%parallel_loop3A_330, %parallel_loop3A_331] {strides = array<i32>} : memref<80x128xf32, #tpu.memory_space<vmem>>, vector<1x16xf32>,
        %parallel_loop3A_333 = vector.shape_cast %parallel_loop3A_332 : vector<1x16xf32> to vector<16xf32>
        %parallel_loop3A_334 = arith.index_cast %parallel_loop3A_287 : i32 to index
        %parallel_loop3A_335 = arith.constant 48 : index
        %parallel_loop3A_336 = tpu.vector_load %arg9[%parallel_loop3A_334, %parallel_loop3A_335] {strides = array<i32>} : memref<80x128xf32, #tpu.memory_space<vmem>>, vector<1x16xf32>,
        %parallel_loop3A_337 = vector.shape_cast %parallel_loop3A_336 : vector<1x16xf32> to vector<16xf32>
        %parallel_loop3A_338 = arith.mulf %parallel_loop3A_333, %parallel_loop3A_337 : vector<16xf32>
        %parallel_loop3A_339 = arith.index_cast %parallel_loop3A_287 : i32 to index
        %parallel_loop3A_340 = arith.constant 48 : index
        %parallel_loop3A_341 = tpu.vector_load %arg7[%parallel_loop3A_339, %parallel_loop3A_340] {strides = array<i32>} : memref<80x128xf32, #tpu.memory_space<vmem>>, vector<1x16xf32>,
        %parallel_loop3A_342 = vector.shape_cast %parallel_loop3A_341 : vector<1x16xf32> to vector<16xf32>
        %parallel_loop3A_343 = vector.shape_cast %parallel_loop3A_338 : vector<16xf32> to vector<1x16xf32>
        tpu.vector_store %arg7[%parallel_loop3A_339, %parallel_loop3A_340], %parallel_loop3A_343 {strides = array<i32>} : memref<80x128xf32, #tpu.memory_space<vmem>>, vector<1x16xf32>,
        %parallel_loop3A_344 = arith.index_cast %parallel_loop3A_287 : i32 to index
        %parallel_loop3A_345 = arith.constant 64 : index
        %parallel_loop3A_346 = tpu.vector_load %arg7[%parallel_loop3A_344, %parallel_loop3A_345] {strides = array<i32>} : memref<80x128xf32, #tpu.memory_space<vmem>>, vector<1x16xf32>,
        %parallel_loop3A_347 = vector.shape_cast %parallel_loop3A_346 : vector<1x16xf32> to vector<16xf32>
        %parallel_loop3A_348 = arith.index_cast %parallel_loop3A_287 : i32 to index
        %parallel_loop3A_349 = arith.constant 64 : index
        %parallel_loop3A_350 = tpu.vector_load %arg9[%parallel_loop3A_348, %parallel_loop3A_349] {strides = array<i32>} : memref<80x128xf32, #tpu.memory_space<vmem>>, vector<1x16xf32>,
        %parallel_loop3A_351 = vector.shape_cast %parallel_loop3A_350 : vector<1x16xf32> to vector<16xf32>
        %parallel_loop3A_352 = arith.mulf %parallel_loop3A_347, %parallel_loop3A_351 : vector<16xf32>
        %parallel_loop3A_353 = arith.index_cast %parallel_loop3A_287 : i32 to index
        %parallel_loop3A_354 = arith.constant 64 : index
        %parallel_loop3A_355 = tpu.vector_load %arg7[%parallel_loop3A_353, %parallel_loop3A_354] {strides = array<i32>} : memref<80x128xf32, #tpu.memory_space<vmem>>, vector<1x16xf32>,
        %parallel_loop3A_356 = vector.shape_cast %parallel_loop3A_355 : vector<1x16xf32> to vector<16xf32>
        %parallel_loop3A_357 = vector.shape_cast %parallel_loop3A_352 : vector<16xf32> to vector<1x16xf32>
        tpu.vector_store %arg7[%parallel_loop3A_353, %parallel_loop3A_354], %parallel_loop3A_357 {strides = array<i32>} : memref<80x128xf32, #tpu.memory_space<vmem>>, vector<1x16xf32>,
        %parallel_loop3A_358 = arith.index_cast %parallel_loop3A_287 : i32 to index
        %parallel_loop3A_359 = arith.constant 80 : index
        %parallel_loop3A_360 = tpu.vector_load %arg7[%parallel_loop3A_358, %parallel_loop3A_359] {strides = array<i32>} : memref<80x128xf32, #tpu.memory_space<vmem>>, vector<1x16xf32>,
        %parallel_loop3A_361 = vector.shape_cast %parallel_loop3A_360 : vector<1x16xf32> to vector<16xf32>
        %parallel_loop3A_362 = arith.index_cast %parallel_loop3A_287 : i32 to index
        %parallel_loop3A_363 = arith.constant 80 : index
        %parallel_loop3A_364 = tpu.vector_load %arg9[%parallel_loop3A_362, %parallel_loop3A_363] {strides = array<i32>} : memref<80x128xf32, #tpu.memory_space<vmem>>, vector<1x16xf32>,
        %parallel_loop3A_365 = vector.shape_cast %parallel_loop3A_364 : vector<1x16xf32> to vector<16xf32>
        %parallel_loop3A_366 = arith.mulf %parallel_loop3A_361, %parallel_loop3A_365 : vector<16xf32>
        %parallel_loop3A_367 = arith.index_cast %parallel_loop3A_287 : i32 to index
        %parallel_loop3A_368 = arith.constant 80 : index
        %parallel_loop3A_369 = tpu.vector_load %arg7[%parallel_loop3A_367, %parallel_loop3A_368] {strides = array<i32>} : memref<80x128xf32, #tpu.memory_space<vmem>>, vector<1x16xf32>,
        %parallel_loop3A_370 = vector.shape_cast %parallel_loop3A_369 : vector<1x16xf32> to vector<16xf32>
        %parallel_loop3A_371 = vector.shape_cast %parallel_loop3A_366 : vector<16xf32> to vector<1x16xf32>
        tpu.vector_store %arg7[%parallel_loop3A_367, %parallel_loop3A_368], %parallel_loop3A_371 {strides = array<i32>} : memref<80x128xf32, #tpu.memory_space<vmem>>, vector<1x16xf32>,
        %parallel_loop3A_372 = arith.index_cast %parallel_loop3A_287 : i32 to index
        %parallel_loop3A_373 = arith.constant 96 : index
        %parallel_loop3A_374 = tpu.vector_load %arg7[%parallel_loop3A_372, %parallel_loop3A_373] {strides = array<i32>} : memref<80x128xf32, #tpu.memory_space<vmem>>, vector<1x16xf32>,
        %parallel_loop3A_375 = vector.shape_cast %parallel_loop3A_374 : vector<1x16xf32> to vector<16xf32>
        %parallel_loop3A_376 = arith.index_cast %parallel_loop3A_287 : i32 to index
        %parallel_loop3A_377 = arith.constant 96 : index
        %parallel_loop3A_378 = tpu.vector_load %arg9[%parallel_loop3A_376, %parallel_loop3A_377] {strides = array<i32>} : memref<80x128xf32, #tpu.memory_space<vmem>>, vector<1x16xf32>,
        %parallel_loop3A_379 = vector.shape_cast %parallel_loop3A_378 : vector<1x16xf32> to vector<16xf32>
        %parallel_loop3A_380 = arith.mulf %parallel_loop3A_375, %parallel_loop3A_379 : vector<16xf32>
        %parallel_loop3A_381 = arith.index_cast %parallel_loop3A_287 : i32 to index
        %parallel_loop3A_382 = arith.constant 96 : index
        %parallel_loop3A_383 = tpu.vector_load %arg7[%parallel_loop3A_381, %parallel_loop3A_382] {strides = array<i32>} : memref<80x128xf32, #tpu.memory_space<vmem>>, vector<1x16xf32>,
        %parallel_loop3A_384 = vector.shape_cast %parallel_loop3A_383 : vector<1x16xf32> to vector<16xf32>
        %parallel_loop3A_385 = vector.shape_cast %parallel_loop3A_380 : vector<16xf32> to vector<1x16xf32>
        tpu.vector_store %arg7[%parallel_loop3A_381, %parallel_loop3A_382], %parallel_loop3A_385 {strides = array<i32>} : memref<80x128xf32, #tpu.memory_space<vmem>>, vector<1x16xf32>,
        %parallel_loop3A_386 = arith.index_cast %parallel_loop3A_287 : i32 to index
        %parallel_loop3A_387 = arith.constant 112 : index
        %parallel_loop3A_388 = tpu.vector_load %arg7[%parallel_loop3A_386, %parallel_loop3A_387] {strides = array<i32>} : memref<80x128xf32, #tpu.memory_space<vmem>>, vector<1x16xf32>,
        %parallel_loop3A_389 = vector.shape_cast %parallel_loop3A_388 : vector<1x16xf32> to vector<16xf32>
        %parallel_loop3A_390 = arith.index_cast %parallel_loop3A_287 : i32 to index
        %parallel_loop3A_391 = arith.constant 112 : index
        %parallel_loop3A_392 = tpu.vector_load %arg9[%parallel_loop3A_390, %parallel_loop3A_391] {strides = array<i32>} : memref<80x128xf32, #tpu.memory_space<vmem>>, vector<1x16xf32>,
        %parallel_loop3A_393 = vector.shape_cast %parallel_loop3A_392 : vector<1x16xf32> to vector<16xf32>
        %parallel_loop3A_394 = arith.mulf %parallel_loop3A_389, %parallel_loop3A_393 : vector<16xf32>
        %parallel_loop3A_395 = arith.index_cast %parallel_loop3A_287 : i32 to index
        %parallel_loop3A_396 = arith.constant 112 : index
        %parallel_loop3A_397 = tpu.vector_load %arg7[%parallel_loop3A_395, %parallel_loop3A_396] {strides = array<i32>} : memref<80x128xf32, #tpu.memory_space<vmem>>, vector<1x16xf32>,
        %parallel_loop3A_398 = vector.shape_cast %parallel_loop3A_397 : vector<1x16xf32> to vector<16xf32>
        %parallel_loop3A_399 = vector.shape_cast %parallel_loop3A_394 : vector<16xf32> to vector<1x16xf32>
        tpu.vector_store %arg7[%parallel_loop3A_395, %parallel_loop3A_396], %parallel_loop3A_399 {strides = array<i32>} : memref<80x128xf32, #tpu.memory_space<vmem>>, vector<1x16xf32>,
      } {sc.loop_unroll_factor = 4 : i64, sc.parallel_access}
      %mul3A_188 = arith.constant 80 : i32
      %mul3A_189 = arith.muli %mul3A_167, %mul3A_188 : i32
      %add3A_190 = arith.addi %select_n3A, %mul3A_189 : i32
      %dma_wait3A_191 = tpu.memref_slice %arg3[%add3A_190] : memref<320000xi32, #tpu.memory_space<hbm>> -> memref<80xi32, #tpu.memory_space<hbm>>
      %dma_wait3A_192 = tpu.memref_slice %arg3[%add3A_190] : memref<320000xi32, #tpu.memory_space<hbm>> -> memref<80xi32, #tpu.memory_space<hbm>>
      tpu.wait_dma2 semaphore(%arg24 : memref<!tpu.dma_semaphore, #tpu.memory_space<semaphore_mem>>) src(%dma_wait3A_192 : memref<80xi32, #tpu.memory_space<hbm>>) dst(%arg13 : memref<80xi32, #tpu.memory_space<vmem>>)
      %dma_start3A_193 = arith.constant 0 : i32
      %dma_start3A_194 = arith.constant 0 : i32
      %dma_start3A_195 = tpu.memref_slice %arg15[%dma_start3A_193, %dma_start3A_194] : memref<10240x128xf32, #tpu.memory_space<vmem_shared>> -> memref<10240x128xf32, #tpu.memory_space<vmem_shared>>
      tpu.enqueue_indirect_dma source(%arg7 : memref<80x128xf32, #tpu.memory_space<vmem>>) target(%dma_start3A_195 : memref<10240x128xf32, #tpu.memory_space<vmem_shared>>) offsets(%arg13 : memref<80xi32, #tpu.memory_space<vmem>>) semaphore(%arg20 : memref<!tpu.dma_semaphore, #tpu.memory_space<semaphore_mem>>) {add = true}
      %add3A_196 = arith.constant 1 : i32
      %add3A_197 = arith.addi %mul3A_167, %add3A_196 : i32
      %dma_wait3A_198 = arith.constant 0 : i32
      %dma_wait3A_199 = arith.constant 0 : i32
      %dma_wait3A_200 = tpu.memref_slice %arg4[%dma_wait3A_198, %dma_wait3A_199] : memref<10000x128xf32, #tpu.memory_space<hbm>> -> memref<10000x128xf32, #tpu.memory_space<hbm>>
      tpu.wait_indirect_dma semaphore(%arg17 : memref<!tpu.dma_semaphore, #tpu.memory_space<semaphore_mem>>) src(%dma_wait3A_200 : memref<10000x128xf32, #tpu.memory_space<hbm>>) dst(%arg8 : memref<80x128xf32, #tpu.memory_space<vmem>>)
      %mul3A_201 = arith.constant 80 : i32
      %mul3A_202 = arith.muli %add3A_197, %mul3A_201 : i32
      %add3A_203 = arith.addi %select_n3A, %mul3A_202 : i32
      %dma_wait3A_204 = arith.constant 0 : i32
      %dma_wait3A_205 = tpu.memref_slice %arg5[%add3A_203, %dma_wait3A_204] : memref<320000x128xf32, #tpu.memory_space<hbm>> -> memref<80x128xf32, #tpu.memory_space<hbm>>
      %dma_wait3A_206 = arith.constant 0 : i32
      %dma_wait3A_207 = tpu.memref_slice %arg5[%add3A_203, %dma_wait3A_206] : memref<320000x128xf32, #tpu.memory_space<hbm>> -> memref<80x128xf32, #tpu.memory_space<hbm>>
      tpu.wait_dma2 semaphore(%arg19 : memref<!tpu.dma_semaphore, #tpu.memory_space<semaphore_mem>>) src(%dma_wait3A_207 : memref<80x128xf32, #tpu.memory_space<hbm>>) dst(%arg10 : memref<80x128xf32, #tpu.memory_space<vmem>>)
      %add3A_208 = arith.constant 3 : i32
      %add3A_209 = arith.addi %mul3A_167, %add3A_208 : i32
      %mul3A_210 = arith.constant 80 : i32
      %mul3A_211 = arith.muli %add3A_209, %mul3A_210 : i32
      %add3A_212 = arith.addi %select_n3A, %mul3A_211 : i32
      %dma_start3A_213 = tpu.memref_slice %arg2[%add3A_212] : memref<320000xi32, #tpu.memory_space<hbm>> -> memref<80xi32, #tpu.memory_space<hbm>>
      %dma_start3A_214 = tpu.memref_slice %arg2[%add3A_212] : memref<320000xi32, #tpu.memory_space<hbm>> -> memref<80xi32, #tpu.memory_space<hbm>>
      tpu.enqueue_dma source(%dma_start3A_214 : memref<80xi32, #tpu.memory_space<hbm>>) target(%arg12 : memref<80xi32, #tpu.memory_space<vmem>>) target_semaphore(%arg23 : memref<!tpu.dma_semaphore, #tpu.memory_space<semaphore_mem>>)
      %parallel_loop3A_215 = arith.constant 0 : i32
      %parallel_loop3A_216 = arith.constant 80 : i32
      %parallel_loop3A_217 = arith.constant 1 : i32
      scf.for %parallel_loop3A_287 = %parallel_loop3A_215 to %parallel_loop3A_216 step %parallel_loop3A_217  : i32 {
        %parallel_loop3A_288 = arith.index_cast %parallel_loop3A_287 : i32 to index
        %parallel_loop3A_289 = arith.constant 0 : index
        %parallel_loop3A_290 = tpu.vector_load %arg8[%parallel_loop3A_288, %parallel_loop3A_289] {strides = array<i32>} : memref<80x128xf32, #tpu.memory_space<vmem>>, vector<1x16xf32>,
        %parallel_loop3A_291 = vector.shape_cast %parallel_loop3A_290 : vector<1x16xf32> to vector<16xf32>
        %parallel_loop3A_292 = arith.index_cast %parallel_loop3A_287 : i32 to index
        %parallel_loop3A_293 = arith.constant 0 : index
        %parallel_loop3A_294 = tpu.vector_load %arg10[%parallel_loop3A_292, %parallel_loop3A_293] {strides = array<i32>} : memref<80x128xf32, #tpu.memory_space<vmem>>, vector<1x16xf32>,
        %parallel_loop3A_295 = vector.shape_cast %parallel_loop3A_294 : vector<1x16xf32> to vector<16xf32>
        %parallel_loop3A_296 = arith.mulf %parallel_loop3A_291, %parallel_loop3A_295 : vector<16xf32>
        %parallel_loop3A_297 = arith.index_cast %parallel_loop3A_287 : i32 to index
        %parallel_loop3A_298 = arith.constant 0 : index
        %parallel_loop3A_299 = tpu.vector_load %arg8[%parallel_loop3A_297, %parallel_loop3A_298] {strides = array<i32>} : memref<80x128xf32, #tpu.memory_space<vmem>>, vector<1x16xf32>,
        %parallel_loop3A_300 = vector.shape_cast %parallel_loop3A_299 : vector<1x16xf32> to vector<16xf32>
        %parallel_loop3A_301 = vector.shape_cast %parallel_loop3A_296 : vector<16xf32> to vector<1x16xf32>
        tpu.vector_store %arg8[%parallel_loop3A_297, %parallel_loop3A_298], %parallel_loop3A_301 {strides = array<i32>} : memref<80x128xf32, #tpu.memory_space<vmem>>, vector<1x16xf32>,
        %parallel_loop3A_302 = arith.index_cast %parallel_loop3A_287 : i32 to index
        %parallel_loop3A_303 = arith.constant 16 : index
        %parallel_loop3A_304 = tpu.vector_load %arg8[%parallel_loop3A_302, %parallel_loop3A_303] {strides = array<i32>} : memref<80x128xf32, #tpu.memory_space<vmem>>, vector<1x16xf32>,
        %parallel_loop3A_305 = vector.shape_cast %parallel_loop3A_304 : vector<1x16xf32> to vector<16xf32>
        %parallel_loop3A_306 = arith.index_cast %parallel_loop3A_287 : i32 to index
        %parallel_loop3A_307 = arith.constant 16 : index
        %parallel_loop3A_308 = tpu.vector_load %arg10[%parallel_loop3A_306, %parallel_loop3A_307] {strides = array<i32>} : memref<80x128xf32, #tpu.memory_space<vmem>>, vector<1x16xf32>,
        %parallel_loop3A_309 = vector.shape_cast %parallel_loop3A_308 : vector<1x16xf32> to vector<16xf32>
        %parallel_loop3A_310 = arith.mulf %parallel_loop3A_305, %parallel_loop3A_309 : vector<16xf32>
        %parallel_loop3A_311 = arith.index_cast %parallel_loop3A_287 : i32 to index
        %parallel_loop3A_312 = arith.constant 16 : index
        %parallel_loop3A_313 = tpu.vector_load %arg8[%parallel_loop3A_311, %parallel_loop3A_312] {strides = array<i32>} : memref<80x128xf32, #tpu.memory_space<vmem>>, vector<1x16xf32>,
        %parallel_loop3A_314 = vector.shape_cast %parallel_loop3A_313 : vector<1x16xf32> to vector<16xf32>
        %parallel_loop3A_315 = vector.shape_cast %parallel_loop3A_310 : vector<16xf32> to vector<1x16xf32>
        tpu.vector_store %arg8[%parallel_loop3A_311, %parallel_loop3A_312], %parallel_loop3A_315 {strides = array<i32>} : memref<80x128xf32, #tpu.memory_space<vmem>>, vector<1x16xf32>,
        %parallel_loop3A_316 = arith.index_cast %parallel_loop3A_287 : i32 to index
        %parallel_loop3A_317 = arith.constant 32 : index
        %parallel_loop3A_318 = tpu.vector_load %arg8[%parallel_loop3A_316, %parallel_loop3A_317] {strides = array<i32>} : memref<80x128xf32, #tpu.memory_space<vmem>>, vector<1x16xf32>,
        %parallel_loop3A_319 = vector.shape_cast %parallel_loop3A_318 : vector<1x16xf32> to vector<16xf32>
        %parallel_loop3A_320 = arith.index_cast %parallel_loop3A_287 : i32 to index
        %parallel_loop3A_321 = arith.constant 32 : index
        %parallel_loop3A_322 = tpu.vector_load %arg10[%parallel_loop3A_320, %parallel_loop3A_321] {strides = array<i32>} : memref<80x128xf32, #tpu.memory_space<vmem>>, vector<1x16xf32>,
        %parallel_loop3A_323 = vector.shape_cast %parallel_loop3A_322 : vector<1x16xf32> to vector<16xf32>
        %parallel_loop3A_324 = arith.mulf %parallel_loop3A_319, %parallel_loop3A_323 : vector<16xf32>
        %parallel_loop3A_325 = arith.index_cast %parallel_loop3A_287 : i32 to index
        %parallel_loop3A_326 = arith.constant 32 : index
        %parallel_loop3A_327 = tpu.vector_load %arg8[%parallel_loop3A_325, %parallel_loop3A_326] {strides = array<i32>} : memref<80x128xf32, #tpu.memory_space<vmem>>, vector<1x16xf32>,
        %parallel_loop3A_328 = vector.shape_cast %parallel_loop3A_327 : vector<1x16xf32> to vector<16xf32>
        %parallel_loop3A_329 = vector.shape_cast %parallel_loop3A_324 : vector<16xf32> to vector<1x16xf32>
        tpu.vector_store %arg8[%parallel_loop3A_325, %parallel_loop3A_326], %parallel_loop3A_329 {strides = array<i32>} : memref<80x128xf32, #tpu.memory_space<vmem>>, vector<1x16xf32>,
        %parallel_loop3A_330 = arith.index_cast %parallel_loop3A_287 : i32 to index
        %parallel_loop3A_331 = arith.constant 48 : index
        %parallel_loop3A_332 = tpu.vector_load %arg8[%parallel_loop3A_330, %parallel_loop3A_331] {strides = array<i32>} : memref<80x128xf32, #tpu.memory_space<vmem>>, vector<1x16xf32>,
        %parallel_loop3A_333 = vector.shape_cast %parallel_loop3A_332 : vector<1x16xf32> to vector<16xf32>
        %parallel_loop3A_334 = arith.index_cast %parallel_loop3A_287 : i32 to index
        %parallel_loop3A_335 = arith.constant 48 : index
        %parallel_loop3A_336 = tpu.vector_load %arg10[%parallel_loop3A_334, %parallel_loop3A_335] {strides = array<i32>} : memref<80x128xf32, #tpu.memory_space<vmem>>, vector<1x16xf32>,
        %parallel_loop3A_337 = vector.shape_cast %parallel_loop3A_336 : vector<1x16xf32> to vector<16xf32>
        %parallel_loop3A_338 = arith.mulf %parallel_loop3A_333, %parallel_loop3A_337 : vector<16xf32>
        %parallel_loop3A_339 = arith.index_cast %parallel_loop3A_287 : i32 to index
        %parallel_loop3A_340 = arith.constant 48 : index
        %parallel_loop3A_341 = tpu.vector_load %arg8[%parallel_loop3A_339, %parallel_loop3A_340] {strides = array<i32>} : memref<80x128xf32, #tpu.memory_space<vmem>>, vector<1x16xf32>,
        %parallel_loop3A_342 = vector.shape_cast %parallel_loop3A_341 : vector<1x16xf32> to vector<16xf32>
        %parallel_loop3A_343 = vector.shape_cast %parallel_loop3A_338 : vector<16xf32> to vector<1x16xf32>
        tpu.vector_store %arg8[%parallel_loop3A_339, %parallel_loop3A_340], %parallel_loop3A_343 {strides = array<i32>} : memref<80x128xf32, #tpu.memory_space<vmem>>, vector<1x16xf32>,
        %parallel_loop3A_344 = arith.index_cast %parallel_loop3A_287 : i32 to index
        %parallel_loop3A_345 = arith.constant 64 : index
        %parallel_loop3A_346 = tpu.vector_load %arg8[%parallel_loop3A_344, %parallel_loop3A_345] {strides = array<i32>} : memref<80x128xf32, #tpu.memory_space<vmem>>, vector<1x16xf32>,
        %parallel_loop3A_347 = vector.shape_cast %parallel_loop3A_346 : vector<1x16xf32> to vector<16xf32>
        %parallel_loop3A_348 = arith.index_cast %parallel_loop3A_287 : i32 to index
        %parallel_loop3A_349 = arith.constant 64 : index
        %parallel_loop3A_350 = tpu.vector_load %arg10[%parallel_loop3A_348, %parallel_loop3A_349] {strides = array<i32>} : memref<80x128xf32, #tpu.memory_space<vmem>>, vector<1x16xf32>,
        %parallel_loop3A_351 = vector.shape_cast %parallel_loop3A_350 : vector<1x16xf32> to vector<16xf32>
        %parallel_loop3A_352 = arith.mulf %parallel_loop3A_347, %parallel_loop3A_351 : vector<16xf32>
        %parallel_loop3A_353 = arith.index_cast %parallel_loop3A_287 : i32 to index
        %parallel_loop3A_354 = arith.constant 64 : index
        %parallel_loop3A_355 = tpu.vector_load %arg8[%parallel_loop3A_353, %parallel_loop3A_354] {strides = array<i32>} : memref<80x128xf32, #tpu.memory_space<vmem>>, vector<1x16xf32>,
        %parallel_loop3A_356 = vector.shape_cast %parallel_loop3A_355 : vector<1x16xf32> to vector<16xf32>
        %parallel_loop3A_357 = vector.shape_cast %parallel_loop3A_352 : vector<16xf32> to vector<1x16xf32>
        tpu.vector_store %arg8[%parallel_loop3A_353, %parallel_loop3A_354], %parallel_loop3A_357 {strides = array<i32>} : memref<80x128xf32, #tpu.memory_space<vmem>>, vector<1x16xf32>,
        %parallel_loop3A_358 = arith.index_cast %parallel_loop3A_287 : i32 to index
        %parallel_loop3A_359 = arith.constant 80 : index
        %parallel_loop3A_360 = tpu.vector_load %arg8[%parallel_loop3A_358, %parallel_loop3A_359] {strides = array<i32>} : memref<80x128xf32, #tpu.memory_space<vmem>>, vector<1x16xf32>,
        %parallel_loop3A_361 = vector.shape_cast %parallel_loop3A_360 : vector<1x16xf32> to vector<16xf32>
        %parallel_loop3A_362 = arith.index_cast %parallel_loop3A_287 : i32 to index
        %parallel_loop3A_363 = arith.constant 80 : index
        %parallel_loop3A_364 = tpu.vector_load %arg10[%parallel_loop3A_362, %parallel_loop3A_363] {strides = array<i32>} : memref<80x128xf32, #tpu.memory_space<vmem>>, vector<1x16xf32>,
        %parallel_loop3A_365 = vector.shape_cast %parallel_loop3A_364 : vector<1x16xf32> to vector<16xf32>
        %parallel_loop3A_366 = arith.mulf %parallel_loop3A_361, %parallel_loop3A_365 : vector<16xf32>
        %parallel_loop3A_367 = arith.index_cast %parallel_loop3A_287 : i32 to index
        %parallel_loop3A_368 = arith.constant 80 : index
        %parallel_loop3A_369 = tpu.vector_load %arg8[%parallel_loop3A_367, %parallel_loop3A_368] {strides = array<i32>} : memref<80x128xf32, #tpu.memory_space<vmem>>, vector<1x16xf32>,
        %parallel_loop3A_370 = vector.shape_cast %parallel_loop3A_369 : vector<1x16xf32> to vector<16xf32>
        %parallel_loop3A_371 = vector.shape_cast %parallel_loop3A_366 : vector<16xf32> to vector<1x16xf32>
        tpu.vector_store %arg8[%parallel_loop3A_367, %parallel_loop3A_368], %parallel_loop3A_371 {strides = array<i32>} : memref<80x128xf32, #tpu.memory_space<vmem>>, vector<1x16xf32>,
        %parallel_loop3A_372 = arith.index_cast %parallel_loop3A_287 : i32 to index
        %parallel_loop3A_373 = arith.constant 96 : index
        %parallel_loop3A_374 = tpu.vector_load %arg8[%parallel_loop3A_372, %parallel_loop3A_373] {strides = array<i32>} : memref<80x128xf32, #tpu.memory_space<vmem>>, vector<1x16xf32>,
        %parallel_loop3A_375 = vector.shape_cast %parallel_loop3A_374 : vector<1x16xf32> to vector<16xf32>
        %parallel_loop3A_376 = arith.index_cast %parallel_loop3A_287 : i32 to index
        %parallel_loop3A_377 = arith.constant 96 : index
        %parallel_loop3A_378 = tpu.vector_load %arg10[%parallel_loop3A_376, %parallel_loop3A_377] {strides = array<i32>} : memref<80x128xf32, #tpu.memory_space<vmem>>, vector<1x16xf32>,
        %parallel_loop3A_379 = vector.shape_cast %parallel_loop3A_378 : vector<1x16xf32> to vector<16xf32>
        %parallel_loop3A_380 = arith.mulf %parallel_loop3A_375, %parallel_loop3A_379 : vector<16xf32>
        %parallel_loop3A_381 = arith.index_cast %parallel_loop3A_287 : i32 to index
        %parallel_loop3A_382 = arith.constant 96 : index
        %parallel_loop3A_383 = tpu.vector_load %arg8[%parallel_loop3A_381, %parallel_loop3A_382] {strides = array<i32>} : memref<80x128xf32, #tpu.memory_space<vmem>>, vector<1x16xf32>,
        %parallel_loop3A_384 = vector.shape_cast %parallel_loop3A_383 : vector<1x16xf32> to vector<16xf32>
        %parallel_loop3A_385 = vector.shape_cast %parallel_loop3A_380 : vector<16xf32> to vector<1x16xf32>
        tpu.vector_store %arg8[%parallel_loop3A_381, %parallel_loop3A_382], %parallel_loop3A_385 {strides = array<i32>} : memref<80x128xf32, #tpu.memory_space<vmem>>, vector<1x16xf32>,
        %parallel_loop3A_386 = arith.index_cast %parallel_loop3A_287 : i32 to index
        %parallel_loop3A_387 = arith.constant 112 : index
        %parallel_loop3A_388 = tpu.vector_load %arg8[%parallel_loop3A_386, %parallel_loop3A_387] {strides = array<i32>} : memref<80x128xf32, #tpu.memory_space<vmem>>, vector<1x16xf32>,
        %parallel_loop3A_389 = vector.shape_cast %parallel_loop3A_388 : vector<1x16xf32> to vector<16xf32>
        %parallel_loop3A_390 = arith.index_cast %parallel_loop3A_287 : i32 to index
        %parallel_loop3A_391 = arith.constant 112 : index
        %parallel_loop3A_392 = tpu.vector_load %arg10[%parallel_loop3A_390, %parallel_loop3A_391] {strides = array<i32>} : memref<80x128xf32, #tpu.memory_space<vmem>>, vector<1x16xf32>,
        %parallel_loop3A_393 = vector.shape_cast %parallel_loop3A_392 : vector<1x16xf32> to vector<16xf32>
        %parallel_loop3A_394 = arith.mulf %parallel_loop3A_389, %parallel_loop3A_393 : vector<16xf32>
        %parallel_loop3A_395 = arith.index_cast %parallel_loop3A_287 : i32 to index
        %parallel_loop3A_396 = arith.constant 112 : index
        %parallel_loop3A_397 = tpu.vector_load %arg8[%parallel_loop3A_395, %parallel_loop3A_396] {strides = array<i32>} : memref<80x128xf32, #tpu.memory_space<vmem>>, vector<1x16xf32>,
        %parallel_loop3A_398 = vector.shape_cast %parallel_loop3A_397 : vector<1x16xf32> to vector<16xf32>
        %parallel_loop3A_399 = vector.shape_cast %parallel_loop3A_394 : vector<16xf32> to vector<1x16xf32>
        tpu.vector_store %arg8[%parallel_loop3A_395, %parallel_loop3A_396], %parallel_loop3A_399 {strides = array<i32>} : memref<80x128xf32, #tpu.memory_space<vmem>>, vector<1x16xf32>,
      } {sc.loop_unroll_factor = 4 : i64, sc.parallel_access}
      %add3A_218 = arith.constant 1 : i32
      %add3A_219 = arith.addi %mul3A_167, %add3A_218 : i32
      %mul3A_220 = arith.constant 80 : i32
      %mul3A_221 = arith.muli %add3A_219, %mul3A_220 : i32
      %add3A_222 = arith.addi %select_n3A, %mul3A_221 : i32
      %dma_wait3A_223 = tpu.memref_slice %arg3[%add3A_222] : memref<320000xi32, #tpu.memory_space<hbm>> -> memref<80xi32, #tpu.memory_space<hbm>>
      %dma_wait3A_224 = tpu.memref_slice %arg3[%add3A_222] : memref<320000xi32, #tpu.memory_space<hbm>> -> memref<80xi32, #tpu.memory_space<hbm>>
      tpu.wait_dma2 semaphore(%arg25 : memref<!tpu.dma_semaphore, #tpu.memory_space<semaphore_mem>>) src(%dma_wait3A_224 : memref<80xi32, #tpu.memory_space<hbm>>) dst(%arg14 : memref<80xi32, #tpu.memory_space<vmem>>)
      %dma_start3A_225 = arith.constant 0 : i32
      %dma_start3A_226 = arith.constant 0 : i32
      %dma_start3A_227 = tpu.memref_slice %arg15[%dma_start3A_225, %dma_start3A_226] : memref<10240x128xf32, #tpu.memory_space<vmem_shared>> -> memref<10240x128xf32, #tpu.memory_space<vmem_shared>>
      tpu.enqueue_indirect_dma source(%arg8 : memref<80x128xf32, #tpu.memory_space<vmem>>) target(%dma_start3A_227 : memref<10240x128xf32, #tpu.memory_space<vmem_shared>>) offsets(%arg14 : memref<80xi32, #tpu.memory_space<vmem>>) semaphore(%arg21 : memref<!tpu.dma_semaphore, #tpu.memory_space<semaphore_mem>>) {add = true}
      %dma_wait3A_228 = arith.constant 0 : i32
      %dma_wait3A_229 = arith.constant 0 : i32
      %dma_wait3A_230 = tpu.memref_slice %arg15[%dma_wait3A_228, %dma_wait3A_229] : memref<10240x128xf32, #tpu.memory_space<vmem_shared>> -> memref<10240x128xf32, #tpu.memory_space<vmem_shared>>
      tpu.wait_indirect_dma semaphore(%arg20 : memref<!tpu.dma_semaphore, #tpu.memory_space<semaphore_mem>>) src(%arg7 : memref<80x128xf32, #tpu.memory_space<vmem>>) dst(%dma_wait3A_230 : memref<10240x128xf32, #tpu.memory_space<vmem_shared>>)
      %add3A_231 = arith.constant 2 : i32
      %add3A_232 = arith.addi %mul3A_167, %add3A_231 : i32
      %mul3A_233 = arith.constant 80 : i32
      %mul3A_234 = arith.muli %add3A_232, %mul3A_233 : i32
      %add3A_235 = arith.addi %select_n3A, %mul3A_234 : i32
      %dma_start3A_236 = tpu.memref_slice %arg3[%add3A_235] : memref<320000xi32, #tpu.memory_space<hbm>> -> memref<80xi32, #tpu.memory_space<hbm>>
      %dma_start3A_237 = tpu.memref_slice %arg3[%add3A_235] : memref<320000xi32, #tpu.memory_space<hbm>> -> memref<80xi32, #tpu.memory_space<hbm>>
      tpu.enqueue_dma source(%dma_start3A_237 : memref<80xi32, #tpu.memory_space<hbm>>) target(%arg13 : memref<80xi32, #tpu.memory_space<vmem>>) target_semaphore(%arg24 : memref<!tpu.dma_semaphore, #tpu.memory_space<semaphore_mem>>)
      %add3A_238 = arith.constant 2 : i32
      %add3A_239 = arith.addi %mul3A_167, %add3A_238 : i32
      %mul3A_240 = arith.constant 80 : i32
      %mul3A_241 = arith.muli %add3A_239, %mul3A_240 : i32
      %add3A_242 = arith.addi %select_n3A, %mul3A_241 : i32
      %dma_wait3A_243 = tpu.memref_slice %arg2[%add3A_242] : memref<320000xi32, #tpu.memory_space<hbm>> -> memref<80xi32, #tpu.memory_space<hbm>>
      %dma_wait3A_244 = tpu.memref_slice %arg2[%add3A_242] : memref<320000xi32, #tpu.memory_space<hbm>> -> memref<80xi32, #tpu.memory_space<hbm>>
      tpu.wait_dma2 semaphore(%arg22 : memref<!tpu.dma_semaphore, #tpu.memory_space<semaphore_mem>>) src(%dma_wait3A_244 : memref<80xi32, #tpu.memory_space<hbm>>) dst(%arg11 : memref<80xi32, #tpu.memory_space<vmem>>)
      %add3A_245 = arith.constant 2 : i32
      %add3A_246 = arith.addi %mul3A_167, %add3A_245 : i32
      %dma_start3A_247 = arith.constant 0 : i32
      %dma_start3A_248 = arith.constant 0 : i32
      %dma_start3A_249 = tpu.memref_slice %arg4[%dma_start3A_247, %dma_start3A_248] : memref<10000x128xf32, #tpu.memory_space<hbm>> -> memref<10000x128xf32, #tpu.memory_space<hbm>>
      tpu.enqueue_indirect_dma source(%dma_start3A_249 : memref<10000x128xf32, #tpu.memory_space<hbm>>) target(%arg7 : memref<80x128xf32, #tpu.memory_space<vmem>>) offsets(%arg11 : memref<80xi32, #tpu.memory_space<vmem>>) semaphore(%arg16 : memref<!tpu.dma_semaphore, #tpu.memory_space<semaphore_mem>>)
      %mul3A_250 = arith.constant 80 : i32
      %mul3A_251 = arith.muli %add3A_246, %mul3A_250 : i32
      %add3A_252 = arith.addi %select_n3A, %mul3A_251 : i32
      %dma_start3A_253 = arith.constant 0 : i32
      %dma_start3A_254 = tpu.memref_slice %arg5[%add3A_252, %dma_start3A_253] : memref<320000x128xf32, #tpu.memory_space<hbm>> -> memref<80x128xf32, #tpu.memory_space<hbm>>
      %dma_start3A_255 = arith.constant 0 : i32
      %dma_start3A_256 = tpu.memref_slice %arg5[%add3A_252, %dma_start3A_255] : memref<320000x128xf32, #tpu.memory_space<hbm>> -> memref<80x128xf32, #tpu.memory_space<hbm>>
      tpu.enqueue_dma source(%dma_start3A_256 : memref<80x128xf32, #tpu.memory_space<hbm>>) target(%arg9 : memref<80x128xf32, #tpu.memory_space<vmem>>) target_semaphore(%arg18 : memref<!tpu.dma_semaphore, #tpu.memory_space<semaphore_mem>>)
      %dma_wait3A_257 = arith.constant 0 : i32
      %dma_wait3A_258 = arith.constant 0 : i32
      %dma_wait3A_259 = tpu.memref_slice %arg15[%dma_wait3A_257, %dma_wait3A_258] : memref<10240x128xf32, #tpu.memory_space<vmem_shared>> -> memref<10240x128xf32, #tpu.memory_space<vmem_shared>>
      tpu.wait_indirect_dma semaphore(%arg21 : memref<!tpu.dma_semaphore, #tpu.memory_space<semaphore_mem>>) src(%arg8 : memref<80x128xf32, #tpu.memory_space<vmem>>) dst(%dma_wait3A_259 : memref<10240x128xf32, #tpu.memory_space<vmem_shared>>)
      %add3A_260 = arith.constant 3 : i32
      %add3A_261 = arith.addi %mul3A_167, %add3A_260 : i32
      %mul3A_262 = arith.constant 80 : i32
      %mul3A_263 = arith.muli %add3A_261, %mul3A_262 : i32
      %add3A_264 = arith.addi %select_n3A, %mul3A_263 : i32
      %dma_start3A_265 = tpu.memref_slice %arg3[%add3A_264] : memref<320000xi32, #tpu.memory_space<hbm>> -> memref<80xi32, #tpu.memory_space<hbm>>
      %dma_start3A_266 = tpu.memref_slice %arg3[%add3A_264] : memref<320000xi32, #tpu.memory_space<hbm>> -> memref<80xi32, #tpu.memory_space<hbm>>
      tpu.enqueue_dma source(%dma_start3A_266 : memref<80xi32, #tpu.memory_space<hbm>>) target(%arg14 : memref<80xi32, #tpu.memory_space<vmem>>) target_semaphore(%arg25 : memref<!tpu.dma_semaphore, #tpu.memory_space<semaphore_mem>>)
      %add3A_267 = arith.constant 3 : i32
      %add3A_268 = arith.addi %mul3A_167, %add3A_267 : i32
      %mul3A_269 = arith.constant 80 : i32
      %mul3A_270 = arith.muli %add3A_268, %mul3A_269 : i32
      %add3A_271 = arith.addi %select_n3A, %mul3A_270 : i32
      %dma_wait3A_272 = tpu.memref_slice %arg2[%add3A_271] : memref<320000xi32, #tpu.memory_space<hbm>> -> memref<80xi32, #tpu.memory_space<hbm>>
      %dma_wait3A_273 = tpu.memref_slice %arg2[%add3A_271] : memref<320000xi32, #tpu.memory_space<hbm>> -> memref<80xi32, #tpu.memory_space<hbm>>
      tpu.wait_dma2 semaphore(%arg23 : memref<!tpu.dma_semaphore, #tpu.memory_space<semaphore_mem>>) src(%dma_wait3A_273 : memref<80xi32, #tpu.memory_space<hbm>>) dst(%arg12 : memref<80xi32, #tpu.memory_space<vmem>>)
      %add3A_274 = arith.constant 3 : i32
      %add3A_275 = arith.addi %mul3A_167, %add3A_274 : i32
      %dma_start3A_276 = arith.constant 0 : i32
      %dma_start3A_277 = arith.constant 0 : i32
      %dma_start3A_278 = tpu.memref_slice %arg4[%dma_start3A_276, %dma_start3A_277] : memref<10000x128xf32, #tpu.memory_space<hbm>> -> memref<10000x128xf32, #tpu.memory_space<hbm>>
      tpu.enqueue_indirect_dma source(%dma_start3A_278 : memref<10000x128xf32, #tpu.memory_space<hbm>>) target(%arg8 : memref<80x128xf32, #tpu.memory_space<vmem>>) offsets(%arg12 : memref<80xi32, #tpu.memory_space<vmem>>) semaphore(%arg17 : memref<!tpu.dma_semaphore, #tpu.memory_space<semaphore_mem>>)
      %mul3A_279 = arith.constant 80 : i32
      %mul3A_280 = arith.muli %add3A_275, %mul3A_279 : i32
      %add3A_281 = arith.addi %select_n3A, %mul3A_280 : i32
      %dma_start3A_282 = arith.constant 0 : i32
      %dma_start3A_283 = tpu.memref_slice %arg5[%add3A_281, %dma_start3A_282] : memref<320000x128xf32, #tpu.memory_space<hbm>> -> memref<80x128xf32, #tpu.memory_space<hbm>>
      %dma_start3A_284 = arith.constant 0 : i32
      %dma_start3A_285 = tpu.memref_slice %arg5[%add3A_281, %dma_start3A_284] : memref<320000x128xf32, #tpu.memory_space<hbm>> -> memref<80x128xf32, #tpu.memory_space<hbm>>
      tpu.enqueue_dma source(%dma_start3A_285 : memref<80x128xf32, #tpu.memory_space<hbm>>) target(%arg10 : memref<80x128xf32, #tpu.memory_space<vmem>>) target_semaphore(%arg19 : memref<!tpu.dma_semaphore, #tpu.memory_space<semaphore_mem>>)
      %while3A_286 = arith.constant 0 : i32
      scf.yield %while3A_286 : i32
    }
    %while3A_104 = arith.constant 1 : i32
    %while3A_105 = scf.for %while3A_164 = %while3A_101 to %while3A_97 step %while3A_104 iter_args(%while3A_165 = %while3A_103) -> (i32)  : i32 {
      %mul3A_166 = arith.constant 2 : i32
      %mul3A_167 = arith.muli %mul3A_166, %while3A_164 : i32
      %dma_wait3A_168 = arith.constant 0 : i32
      %dma_wait3A_169 = arith.constant 0 : i32
      %dma_wait3A_170 = tpu.memref_slice %arg4[%dma_wait3A_168, %dma_wait3A_169] : memref<10000x128xf32, #tpu.memory_space<hbm>> -> memref<10000x128xf32, #tpu.memory_space<hbm>>
      tpu.wait_indirect_dma semaphore(%arg16 : memref<!tpu.dma_semaphore, #tpu.memory_space<semaphore_mem>>) src(%dma_wait3A_170 : memref<10000x128xf32, #tpu.memory_space<hbm>>) dst(%arg7 : memref<80x128xf32, #tpu.memory_space<vmem>>)
      %mul3A_171 = arith.constant 80 : i32
      %mul3A_172 = arith.muli %mul3A_167, %mul3A_171 : i32
      %add3A_173 = arith.addi %select_n3A, %mul3A_172 : i32
      %dma_wait3A_174 = arith.constant 0 : i32
      %dma_wait3A_175 = tpu.memref_slice %arg5[%add3A_173, %dma_wait3A_174] : memref<320000x128xf32, #tpu.memory_space<hbm>> -> memref<80x128xf32, #tpu.memory_space<hbm>>
      %dma_wait3A_176 = arith.constant 0 : i32
      %dma_wait3A_177 = tpu.memref_slice %arg5[%add3A_173, %dma_wait3A_176] : memref<320000x128xf32, #tpu.memory_space<hbm>> -> memref<80x128xf32, #tpu.memory_space<hbm>>
      tpu.wait_dma2 semaphore(%arg18 : memref<!tpu.dma_semaphore, #tpu.memory_space<semaphore_mem>>) src(%dma_wait3A_177 : memref<80x128xf32, #tpu.memory_space<hbm>>) dst(%arg9 : memref<80x128xf32, #tpu.memory_space<vmem>>)
      %add3A_178 = arith.constant 2 : i32
      %add3A_179 = arith.addi %mul3A_167, %add3A_178 : i32
      %mul3A_180 = arith.constant 80 : i32
      %mul3A_181 = arith.muli %add3A_179, %mul3A_180 : i32
      %add3A_182 = arith.addi %select_n3A, %mul3A_181 : i32
      %dma_start3A_183 = tpu.memref_slice %arg2[%add3A_182] : memref<320000xi32, #tpu.memory_space<hbm>> -> memref<80xi32, #tpu.memory_space<hbm>>
      %dma_start3A_184 = tpu.memref_slice %arg2[%add3A_182] : memref<320000xi32, #tpu.memory_space<hbm>> -> memref<80xi32, #tpu.memory_space<hbm>>
      tpu.enqueue_dma source(%dma_start3A_184 : memref<80xi32, #tpu.memory_space<hbm>>) target(%arg11 : memref<80xi32, #tpu.memory_space<vmem>>) target_semaphore(%arg22 : memref<!tpu.dma_semaphore, #tpu.memory_space<semaphore_mem>>)
      %parallel_loop3A_185 = arith.constant 0 : i32
      %parallel_loop3A_186 = arith.constant 80 : i32
      %parallel_loop3A_187 = arith.constant 1 : i32
      scf.for %parallel_loop3A_287 = %parallel_loop3A_185 to %parallel_loop3A_186 step %parallel_loop3A_187  : i32 {
        %parallel_loop3A_288 = arith.index_cast %parallel_loop3A_287 : i32 to index
        %parallel_loop3A_289 = arith.constant 0 : index
        %parallel_loop3A_290 = tpu.vector_load %arg7[%parallel_loop3A_288, %parallel_loop3A_289] {strides = array<i32>} : memref<80x128xf32, #tpu.memory_space<vmem>>, vector<1x16xf32>,
        %parallel_loop3A_291 = vector.shape_cast %parallel_loop3A_290 : vector<1x16xf32> to vector<16xf32>
        %parallel_loop3A_292 = arith.index_cast %parallel_loop3A_287 : i32 to index
        %parallel_loop3A_293 = arith.constant 0 : index
        %parallel_loop3A_294 = tpu.vector_load %arg9[%parallel_loop3A_292, %parallel_loop3A_293] {strides = array<i32>} : memref<80x128xf32, #tpu.memory_space<vmem>>, vector<1x16xf32>,
        %parallel_loop3A_295 = vector.shape_cast %parallel_loop3A_294 : vector<1x16xf32> to vector<16xf32>
        %parallel_loop3A_296 = arith.mulf %parallel_loop3A_291, %parallel_loop3A_295 : vector<16xf32>
        %parallel_loop3A_297 = arith.index_cast %parallel_loop3A_287 : i32 to index
        %parallel_loop3A_298 = arith.constant 0 : index
        %parallel_loop3A_299 = tpu.vector_load %arg7[%parallel_loop3A_297, %parallel_loop3A_298] {strides = array<i32>} : memref<80x128xf32, #tpu.memory_space<vmem>>, vector<1x16xf32>,
        %parallel_loop3A_300 = vector.shape_cast %parallel_loop3A_299 : vector<1x16xf32> to vector<16xf32>
        %parallel_loop3A_301 = vector.shape_cast %parallel_loop3A_296 : vector<16xf32> to vector<1x16xf32>
        tpu.vector_store %arg7[%parallel_loop3A_297, %parallel_loop3A_298], %parallel_loop3A_301 {strides = array<i32>} : memref<80x128xf32, #tpu.memory_space<vmem>>, vector<1x16xf32>,
        %parallel_loop3A_302 = arith.index_cast %parallel_loop3A_287 : i32 to index
        %parallel_loop3A_303 = arith.constant 16 : index
        %parallel_loop3A_304 = tpu.vector_load %arg7[%parallel_loop3A_302, %parallel_loop3A_303] {strides = array<i32>} : memref<80x128xf32, #tpu.memory_space<vmem>>, vector<1x16xf32>,
        %parallel_loop3A_305 = vector.shape_cast %parallel_loop3A_304 : vector<1x16xf32> to vector<16xf32>
        %parallel_loop3A_306 = arith.index_cast %parallel_loop3A_287 : i32 to index
        %parallel_loop3A_307 = arith.constant 16 : index
        %parallel_loop3A_308 = tpu.vector_load %arg9[%parallel_loop3A_306, %parallel_loop3A_307] {strides = array<i32>} : memref<80x128xf32, #tpu.memory_space<vmem>>, vector<1x16xf32>,
        %parallel_loop3A_309 = vector.shape_cast %parallel_loop3A_308 : vector<1x16xf32> to vector<16xf32>
        %parallel_loop3A_310 = arith.mulf %parallel_loop3A_305, %parallel_loop3A_309 : vector<16xf32>
        %parallel_loop3A_311 = arith.index_cast %parallel_loop3A_287 : i32 to index
        %parallel_loop3A_312 = arith.constant 16 : index
        %parallel_loop3A_313 = tpu.vector_load %arg7[%parallel_loop3A_311, %parallel_loop3A_312] {strides = array<i32>} : memref<80x128xf32, #tpu.memory_space<vmem>>, vector<1x16xf32>,
        %parallel_loop3A_314 = vector.shape_cast %parallel_loop3A_313 : vector<1x16xf32> to vector<16xf32>
        %parallel_loop3A_315 = vector.shape_cast %parallel_loop3A_310 : vector<16xf32> to vector<1x16xf32>
        tpu.vector_store %arg7[%parallel_loop3A_311, %parallel_loop3A_312], %parallel_loop3A_315 {strides = array<i32>} : memref<80x128xf32, #tpu.memory_space<vmem>>, vector<1x16xf32>,
        %parallel_loop3A_316 = arith.index_cast %parallel_loop3A_287 : i32 to index
        %parallel_loop3A_317 = arith.constant 32 : index
        %parallel_loop3A_318 = tpu.vector_load %arg7[%parallel_loop3A_316, %parallel_loop3A_317] {strides = array<i32>} : memref<80x128xf32, #tpu.memory_space<vmem>>, vector<1x16xf32>,
        %parallel_loop3A_319 = vector.shape_cast %parallel_loop3A_318 : vector<1x16xf32> to vector<16xf32>
        %parallel_loop3A_320 = arith.index_cast %parallel_loop3A_287 : i32 to index
        %parallel_loop3A_321 = arith.constant 32 : index
        %parallel_loop3A_322 = tpu.vector_load %arg9[%parallel_loop3A_320, %parallel_loop3A_321] {strides = array<i32>} : memref<80x128xf32, #tpu.memory_space<vmem>>, vector<1x16xf32>,
        %parallel_loop3A_323 = vector.shape_cast %parallel_loop3A_322 : vector<1x16xf32> to vector<16xf32>
        %parallel_loop3A_324 = arith.mulf %parallel_loop3A_319, %parallel_loop3A_323 : vector<16xf32>
        %parallel_loop3A_325 = arith.index_cast %parallel_loop3A_287 : i32 to index
        %parallel_loop3A_326 = arith.constant 32 : index
        %parallel_loop3A_327 = tpu.vector_load %arg7[%parallel_loop3A_325, %parallel_loop3A_326] {strides = array<i32>} : memref<80x128xf32, #tpu.memory_space<vmem>>, vector<1x16xf32>,
        %parallel_loop3A_328 = vector.shape_cast %parallel_loop3A_327 : vector<1x16xf32> to vector<16xf32>
        %parallel_loop3A_329 = vector.shape_cast %parallel_loop3A_324 : vector<16xf32> to vector<1x16xf32>
        tpu.vector_store %arg7[%parallel_loop3A_325, %parallel_loop3A_326], %parallel_loop3A_329 {strides = array<i32>} : memref<80x128xf32, #tpu.memory_space<vmem>>, vector<1x16xf32>,
        %parallel_loop3A_330 = arith.index_cast %parallel_loop3A_287 : i32 to index
        %parallel_loop3A_331 = arith.constant 48 : index
        %parallel_loop3A_332 = tpu.vector_load %arg7[%parallel_loop3A_330, %parallel_loop3A_331] {strides = array<i32>} : memref<80x128xf32, #tpu.memory_space<vmem>>, vector<1x16xf32>,
        %parallel_loop3A_333 = vector.shape_cast %parallel_loop3A_332 : vector<1x16xf32> to vector<16xf32>
        %parallel_loop3A_334 = arith.index_cast %parallel_loop3A_287 : i32 to index
        %parallel_loop3A_335 = arith.constant 48 : index
        %parallel_loop3A_336 = tpu.vector_load %arg9[%parallel_loop3A_334, %parallel_loop3A_335] {strides = array<i32>} : memref<80x128xf32, #tpu.memory_space<vmem>>, vector<1x16xf32>,
        %parallel_loop3A_337 = vector.shape_cast %parallel_loop3A_336 : vector<1x16xf32> to vector<16xf32>
        %parallel_loop3A_338 = arith.mulf %parallel_loop3A_333, %parallel_loop3A_337 : vector<16xf32>
        %parallel_loop3A_339 = arith.index_cast %parallel_loop3A_287 : i32 to index
        %parallel_loop3A_340 = arith.constant 48 : index
        %parallel_loop3A_341 = tpu.vector_load %arg7[%parallel_loop3A_339, %parallel_loop3A_340] {strides = array<i32>} : memref<80x128xf32, #tpu.memory_space<vmem>>, vector<1x16xf32>,
        %parallel_loop3A_342 = vector.shape_cast %parallel_loop3A_341 : vector<1x16xf32> to vector<16xf32>
        %parallel_loop3A_343 = vector.shape_cast %parallel_loop3A_338 : vector<16xf32> to vector<1x16xf32>
        tpu.vector_store %arg7[%parallel_loop3A_339, %parallel_loop3A_340], %parallel_loop3A_343 {strides = array<i32>} : memref<80x128xf32, #tpu.memory_space<vmem>>, vector<1x16xf32>,
        %parallel_loop3A_344 = arith.index_cast %parallel_loop3A_287 : i32 to index
        %parallel_loop3A_345 = arith.constant 64 : index
        %parallel_loop3A_346 = tpu.vector_load %arg7[%parallel_loop3A_344, %parallel_loop3A_345] {strides = array<i32>} : memref<80x128xf32, #tpu.memory_space<vmem>>, vector<1x16xf32>,
        %parallel_loop3A_347 = vector.shape_cast %parallel_loop3A_346 : vector<1x16xf32> to vector<16xf32>
        %parallel_loop3A_348 = arith.index_cast %parallel_loop3A_287 : i32 to index
        %parallel_loop3A_349 = arith.constant 64 : index
        %parallel_loop3A_350 = tpu.vector_load %arg9[%parallel_loop3A_348, %parallel_loop3A_349] {strides = array<i32>} : memref<80x128xf32, #tpu.memory_space<vmem>>, vector<1x16xf32>,
        %parallel_loop3A_351 = vector.shape_cast %parallel_loop3A_350 : vector<1x16xf32> to vector<16xf32>
        %parallel_loop3A_352 = arith.mulf %parallel_loop3A_347, %parallel_loop3A_351 : vector<16xf32>
        %parallel_loop3A_353 = arith.index_cast %parallel_loop3A_287 : i32 to index
        %parallel_loop3A_354 = arith.constant 64 : index
        %parallel_loop3A_355 = tpu.vector_load %arg7[%parallel_loop3A_353, %parallel_loop3A_354] {strides = array<i32>} : memref<80x128xf32, #tpu.memory_space<vmem>>, vector<1x16xf32>,
        %parallel_loop3A_356 = vector.shape_cast %parallel_loop3A_355 : vector<1x16xf32> to vector<16xf32>
        %parallel_loop3A_357 = vector.shape_cast %parallel_loop3A_352 : vector<16xf32> to vector<1x16xf32>
        tpu.vector_store %arg7[%parallel_loop3A_353, %parallel_loop3A_354], %parallel_loop3A_357 {strides = array<i32>} : memref<80x128xf32, #tpu.memory_space<vmem>>, vector<1x16xf32>,
        %parallel_loop3A_358 = arith.index_cast %parallel_loop3A_287 : i32 to index
        %parallel_loop3A_359 = arith.constant 80 : index
        %parallel_loop3A_360 = tpu.vector_load %arg7[%parallel_loop3A_358, %parallel_loop3A_359] {strides = array<i32>} : memref<80x128xf32, #tpu.memory_space<vmem>>, vector<1x16xf32>,
        %parallel_loop3A_361 = vector.shape_cast %parallel_loop3A_360 : vector<1x16xf32> to vector<16xf32>
        %parallel_loop3A_362 = arith.index_cast %parallel_loop3A_287 : i32 to index
        %parallel_loop3A_363 = arith.constant 80 : index
        %parallel_loop3A_364 = tpu.vector_load %arg9[%parallel_loop3A_362, %parallel_loop3A_363] {strides = array<i32>} : memref<80x128xf32, #tpu.memory_space<vmem>>, vector<1x16xf32>,
        %parallel_loop3A_365 = vector.shape_cast %parallel_loop3A_364 : vector<1x16xf32> to vector<16xf32>
        %parallel_loop3A_366 = arith.mulf %parallel_loop3A_361, %parallel_loop3A_365 : vector<16xf32>
        %parallel_loop3A_367 = arith.index_cast %parallel_loop3A_287 : i32 to index
        %parallel_loop3A_368 = arith.constant 80 : index
        %parallel_loop3A_369 = tpu.vector_load %arg7[%parallel_loop3A_367, %parallel_loop3A_368] {strides = array<i32>} : memref<80x128xf32, #tpu.memory_space<vmem>>, vector<1x16xf32>,
        %parallel_loop3A_370 = vector.shape_cast %parallel_loop3A_369 : vector<1x16xf32> to vector<16xf32>
        %parallel_loop3A_371 = vector.shape_cast %parallel_loop3A_366 : vector<16xf32> to vector<1x16xf32>
        tpu.vector_store %arg7[%parallel_loop3A_367, %parallel_loop3A_368], %parallel_loop3A_371 {strides = array<i32>} : memref<80x128xf32, #tpu.memory_space<vmem>>, vector<1x16xf32>,
        %parallel_loop3A_372 = arith.index_cast %parallel_loop3A_287 : i32 to index
        %parallel_loop3A_373 = arith.constant 96 : index
        %parallel_loop3A_374 = tpu.vector_load %arg7[%parallel_loop3A_372, %parallel_loop3A_373] {strides = array<i32>} : memref<80x128xf32, #tpu.memory_space<vmem>>, vector<1x16xf32>,
        %parallel_loop3A_375 = vector.shape_cast %parallel_loop3A_374 : vector<1x16xf32> to vector<16xf32>
        %parallel_loop3A_376 = arith.index_cast %parallel_loop3A_287 : i32 to index
        %parallel_loop3A_377 = arith.constant 96 : index
        %parallel_loop3A_378 = tpu.vector_load %arg9[%parallel_loop3A_376, %parallel_loop3A_377] {strides = array<i32>} : memref<80x128xf32, #tpu.memory_space<vmem>>, vector<1x16xf32>,
        %parallel_loop3A_379 = vector.shape_cast %parallel_loop3A_378 : vector<1x16xf32> to vector<16xf32>
        %parallel_loop3A_380 = arith.mulf %parallel_loop3A_375, %parallel_loop3A_379 : vector<16xf32>
        %parallel_loop3A_381 = arith.index_cast %parallel_loop3A_287 : i32 to index
        %parallel_loop3A_382 = arith.constant 96 : index
        %parallel_loop3A_383 = tpu.vector_load %arg7[%parallel_loop3A_381, %parallel_loop3A_382] {strides = array<i32>} : memref<80x128xf32, #tpu.memory_space<vmem>>, vector<1x16xf32>,
        %parallel_loop3A_384 = vector.shape_cast %parallel_loop3A_383 : vector<1x16xf32> to vector<16xf32>
        %parallel_loop3A_385 = vector.shape_cast %parallel_loop3A_380 : vector<16xf32> to vector<1x16xf32>
        tpu.vector_store %arg7[%parallel_loop3A_381, %parallel_loop3A_382], %parallel_loop3A_385 {strides = array<i32>} : memref<80x128xf32, #tpu.memory_space<vmem>>, vector<1x16xf32>,
        %parallel_loop3A_386 = arith.index_cast %parallel_loop3A_287 : i32 to index
        %parallel_loop3A_387 = arith.constant 112 : index
        %parallel_loop3A_388 = tpu.vector_load %arg7[%parallel_loop3A_386, %parallel_loop3A_387] {strides = array<i32>} : memref<80x128xf32, #tpu.memory_space<vmem>>, vector<1x16xf32>,
        %parallel_loop3A_389 = vector.shape_cast %parallel_loop3A_388 : vector<1x16xf32> to vector<16xf32>
        %parallel_loop3A_390 = arith.index_cast %parallel_loop3A_287 : i32 to index
        %parallel_loop3A_391 = arith.constant 112 : index
        %parallel_loop3A_392 = tpu.vector_load %arg9[%parallel_loop3A_390, %parallel_loop3A_391] {strides = array<i32>} : memref<80x128xf32, #tpu.memory_space<vmem>>, vector<1x16xf32>,
        %parallel_loop3A_393 = vector.shape_cast %parallel_loop3A_392 : vector<1x16xf32> to vector<16xf32>
        %parallel_loop3A_394 = arith.mulf %parallel_loop3A_389, %parallel_loop3A_393 : vector<16xf32>
        %parallel_loop3A_395 = arith.index_cast %parallel_loop3A_287 : i32 to index
        %parallel_loop3A_396 = arith.constant 112 : index
        %parallel_loop3A_397 = tpu.vector_load %arg7[%parallel_loop3A_395, %parallel_loop3A_396] {strides = array<i32>} : memref<80x128xf32, #tpu.memory_space<vmem>>, vector<1x16xf32>,
        %parallel_loop3A_398 = vector.shape_cast %parallel_loop3A_397 : vector<1x16xf32> to vector<16xf32>
        %parallel_loop3A_399 = vector.shape_cast %parallel_loop3A_394 : vector<16xf32> to vector<1x16xf32>
        tpu.vector_store %arg7[%parallel_loop3A_395, %parallel_loop3A_396], %parallel_loop3A_399 {strides = array<i32>} : memref<80x128xf32, #tpu.memory_space<vmem>>, vector<1x16xf32>,
      } {sc.loop_unroll_factor = 4 : i64, sc.parallel_access}
      %mul3A_188 = arith.constant 80 : i32
      %mul3A_189 = arith.muli %mul3A_167, %mul3A_188 : i32
      %add3A_190 = arith.addi %select_n3A, %mul3A_189 : i32
      %dma_wait3A_191 = tpu.memref_slice %arg3[%add3A_190] : memref<320000xi32, #tpu.memory_space<hbm>> -> memref<80xi32, #tpu.memory_space<hbm>>
      %dma_wait3A_192 = tpu.memref_slice %arg3[%add3A_190] : memref<320000xi32, #tpu.memory_space<hbm>> -> memref<80xi32, #tpu.memory_space<hbm>>
      tpu.wait_dma2 semaphore(%arg24 : memref<!tpu.dma_semaphore, #tpu.memory_space<semaphore_mem>>) src(%dma_wait3A_192 : memref<80xi32, #tpu.memory_space<hbm>>) dst(%arg13 : memref<80xi32, #tpu.memory_space<vmem>>)
      %dma_start3A_193 = arith.constant 0 : i32
      %dma_start3A_194 = arith.constant 0 : i32
      %dma_start3A_195 = tpu.memref_slice %arg15[%dma_start3A_193, %dma_start3A_194] : memref<10240x128xf32, #tpu.memory_space<vmem_shared>> -> memref<10240x128xf32, #tpu.memory_space<vmem_shared>>
      tpu.enqueue_indirect_dma source(%arg7 : memref<80x128xf32, #tpu.memory_space<vmem>>) target(%dma_start3A_195 : memref<10240x128xf32, #tpu.memory_space<vmem_shared>>) offsets(%arg13 : memref<80xi32, #tpu.memory_space<vmem>>) semaphore(%arg20 : memref<!tpu.dma_semaphore, #tpu.memory_space<semaphore_mem>>) {add = true}
      %add3A_196 = arith.constant 1 : i32
      %add3A_197 = arith.addi %mul3A_167, %add3A_196 : i32
      %dma_wait3A_198 = arith.constant 0 : i32
      %dma_wait3A_199 = arith.constant 0 : i32
      %dma_wait3A_200 = tpu.memref_slice %arg4[%dma_wait3A_198, %dma_wait3A_199] : memref<10000x128xf32, #tpu.memory_space<hbm>> -> memref<10000x128xf32, #tpu.memory_space<hbm>>
      tpu.wait_indirect_dma semaphore(%arg17 : memref<!tpu.dma_semaphore, #tpu.memory_space<semaphore_mem>>) src(%dma_wait3A_200 : memref<10000x128xf32, #tpu.memory_space<hbm>>) dst(%arg8 : memref<80x128xf32, #tpu.memory_space<vmem>>)
      %mul3A_201 = arith.constant 80 : i32
      %mul3A_202 = arith.muli %add3A_197, %mul3A_201 : i32
      %add3A_203 = arith.addi %select_n3A, %mul3A_202 : i32
      %dma_wait3A_204 = arith.constant 0 : i32
      %dma_wait3A_205 = tpu.memref_slice %arg5[%add3A_203, %dma_wait3A_204] : memref<320000x128xf32, #tpu.memory_space<hbm>> -> memref<80x128xf32, #tpu.memory_space<hbm>>
      %dma_wait3A_206 = arith.constant 0 : i32
      %dma_wait3A_207 = tpu.memref_slice %arg5[%add3A_203, %dma_wait3A_206] : memref<320000x128xf32, #tpu.memory_space<hbm>> -> memref<80x128xf32, #tpu.memory_space<hbm>>
      tpu.wait_dma2 semaphore(%arg19 : memref<!tpu.dma_semaphore, #tpu.memory_space<semaphore_mem>>) src(%dma_wait3A_207 : memref<80x128xf32, #tpu.memory_space<hbm>>) dst(%arg10 : memref<80x128xf32, #tpu.memory_space<vmem>>)
      %add3A_208 = arith.constant 3 : i32
      %add3A_209 = arith.addi %mul3A_167, %add3A_208 : i32
      %mul3A_210 = arith.constant 80 : i32
      %mul3A_211 = arith.muli %add3A_209, %mul3A_210 : i32
      %add3A_212 = arith.addi %select_n3A, %mul3A_211 : i32
      %dma_start3A_213 = tpu.memref_slice %arg2[%add3A_212] : memref<320000xi32, #tpu.memory_space<hbm>> -> memref<80xi32, #tpu.memory_space<hbm>>
      %dma_start3A_214 = tpu.memref_slice %arg2[%add3A_212] : memref<320000xi32, #tpu.memory_space<hbm>> -> memref<80xi32, #tpu.memory_space<hbm>>
      tpu.enqueue_dma source(%dma_start3A_214 : memref<80xi32, #tpu.memory_space<hbm>>) target(%arg12 : memref<80xi32, #tpu.memory_space<vmem>>) target_semaphore(%arg23 : memref<!tpu.dma_semaphore, #tpu.memory_space<semaphore_mem>>)
      %parallel_loop3A_215 = arith.constant 0 : i32
      %parallel_loop3A_216 = arith.constant 80 : i32
      %parallel_loop3A_217 = arith.constant 1 : i32
      scf.for %parallel_loop3A_287 = %parallel_loop3A_215 to %parallel_loop3A_216 step %parallel_loop3A_217  : i32 {
        %parallel_loop3A_288 = arith.index_cast %parallel_loop3A_287 : i32 to index
        %parallel_loop3A_289 = arith.constant 0 : index
        %parallel_loop3A_290 = tpu.vector_load %arg8[%parallel_loop3A_288, %parallel_loop3A_289] {strides = array<i32>} : memref<80x128xf32, #tpu.memory_space<vmem>>, vector<1x16xf32>,
        %parallel_loop3A_291 = vector.shape_cast %parallel_loop3A_290 : vector<1x16xf32> to vector<16xf32>
        %parallel_loop3A_292 = arith.index_cast %parallel_loop3A_287 : i32 to index
        %parallel_loop3A_293 = arith.constant 0 : index
        %parallel_loop3A_294 = tpu.vector_load %arg10[%parallel_loop3A_292, %parallel_loop3A_293] {strides = array<i32>} : memref<80x128xf32, #tpu.memory_space<vmem>>, vector<1x16xf32>,
        %parallel_loop3A_295 = vector.shape_cast %parallel_loop3A_294 : vector<1x16xf32> to vector<16xf32>
        %parallel_loop3A_296 = arith.mulf %parallel_loop3A_291, %parallel_loop3A_295 : vector<16xf32>
        %parallel_loop3A_297 = arith.index_cast %parallel_loop3A_287 : i32 to index
        %parallel_loop3A_298 = arith.constant 0 : index
        %parallel_loop3A_299 = tpu.vector_load %arg8[%parallel_loop3A_297, %parallel_loop3A_298] {strides = array<i32>} : memref<80x128xf32, #tpu.memory_space<vmem>>, vector<1x16xf32>,
        %parallel_loop3A_300 = vector.shape_cast %parallel_loop3A_299 : vector<1x16xf32> to vector<16xf32>
        %parallel_loop3A_301 = vector.shape_cast %parallel_loop3A_296 : vector<16xf32> to vector<1x16xf32>
        tpu.vector_store %arg8[%parallel_loop3A_297, %parallel_loop3A_298], %parallel_loop3A_301 {strides = array<i32>} : memref<80x128xf32, #tpu.memory_space<vmem>>, vector<1x16xf32>,
        %parallel_loop3A_302 = arith.index_cast %parallel_loop3A_287 : i32 to index
        %parallel_loop3A_303 = arith.constant 16 : index
        %parallel_loop3A_304 = tpu.vector_load %arg8[%parallel_loop3A_302, %parallel_loop3A_303] {strides = array<i32>} : memref<80x128xf32, #tpu.memory_space<vmem>>, vector<1x16xf32>,
        %parallel_loop3A_305 = vector.shape_cast %parallel_loop3A_304 : vector<1x16xf32> to vector<16xf32>
        %parallel_loop3A_306 = arith.index_cast %parallel_loop3A_287 : i32 to index
        %parallel_loop3A_307 = arith.constant 16 : index
        %parallel_loop3A_308 = tpu.vector_load %arg10[%parallel_loop3A_306, %parallel_loop3A_307] {strides = array<i32>} : memref<80x128xf32, #tpu.memory_space<vmem>>, vector<1x16xf32>,
        %parallel_loop3A_309 = vector.shape_cast %parallel_loop3A_308 : vector<1x16xf32> to vector<16xf32>
        %parallel_loop3A_310 = arith.mulf %parallel_loop3A_305, %parallel_loop3A_309 : vector<16xf32>
        %parallel_loop3A_311 = arith.index_cast %parallel_loop3A_287 : i32 to index
        %parallel_loop3A_312 = arith.constant 16 : index
        %parallel_loop3A_313 = tpu.vector_load %arg8[%parallel_loop3A_311, %parallel_loop3A_312] {strides = array<i32>} : memref<80x128xf32, #tpu.memory_space<vmem>>, vector<1x16xf32>,
        %parallel_loop3A_314 = vector.shape_cast %parallel_loop3A_313 : vector<1x16xf32> to vector<16xf32>
        %parallel_loop3A_315 = vector.shape_cast %parallel_loop3A_310 : vector<16xf32> to vector<1x16xf32>
        tpu.vector_store %arg8[%parallel_loop3A_311, %parallel_loop3A_312], %parallel_loop3A_315 {strides = array<i32>} : memref<80x128xf32, #tpu.memory_space<vmem>>, vector<1x16xf32>,
        %parallel_loop3A_316 = arith.index_cast %parallel_loop3A_287 : i32 to index
        %parallel_loop3A_317 = arith.constant 32 : index
        %parallel_loop3A_318 = tpu.vector_load %arg8[%parallel_loop3A_316, %parallel_loop3A_317] {strides = array<i32>} : memref<80x128xf32, #tpu.memory_space<vmem>>, vector<1x16xf32>,
        %parallel_loop3A_319 = vector.shape_cast %parallel_loop3A_318 : vector<1x16xf32> to vector<16xf32>
        %parallel_loop3A_320 = arith.index_cast %parallel_loop3A_287 : i32 to index
        %parallel_loop3A_321 = arith.constant 32 : index
        %parallel_loop3A_322 = tpu.vector_load %arg10[%parallel_loop3A_320, %parallel_loop3A_321] {strides = array<i32>} : memref<80x128xf32, #tpu.memory_space<vmem>>, vector<1x16xf32>,
        %parallel_loop3A_323 = vector.shape_cast %parallel_loop3A_322 : vector<1x16xf32> to vector<16xf32>
        %parallel_loop3A_324 = arith.mulf %parallel_loop3A_319, %parallel_loop3A_323 : vector<16xf32>
        %parallel_loop3A_325 = arith.index_cast %parallel_loop3A_287 : i32 to index
        %parallel_loop3A_326 = arith.constant 32 : index
        %parallel_loop3A_327 = tpu.vector_load %arg8[%parallel_loop3A_325, %parallel_loop3A_326] {strides = array<i32>} : memref<80x128xf32, #tpu.memory_space<vmem>>, vector<1x16xf32>,
        %parallel_loop3A_328 = vector.shape_cast %parallel_loop3A_327 : vector<1x16xf32> to vector<16xf32>
        %parallel_loop3A_329 = vector.shape_cast %parallel_loop3A_324 : vector<16xf32> to vector<1x16xf32>
        tpu.vector_store %arg8[%parallel_loop3A_325, %parallel_loop3A_326], %parallel_loop3A_329 {strides = array<i32>} : memref<80x128xf32, #tpu.memory_space<vmem>>, vector<1x16xf32>,
        %parallel_loop3A_330 = arith.index_cast %parallel_loop3A_287 : i32 to index
        %parallel_loop3A_331 = arith.constant 48 : index
        %parallel_loop3A_332 = tpu.vector_load %arg8[%parallel_loop3A_330, %parallel_loop3A_331] {strides = array<i32>} : memref<80x128xf32, #tpu.memory_space<vmem>>, vector<1x16xf32>,
        %parallel_loop3A_333 = vector.shape_cast %parallel_loop3A_332 : vector<1x16xf32> to vector<16xf32>
        %parallel_loop3A_334 = arith.index_cast %parallel_loop3A_287 : i32 to index
        %parallel_loop3A_335 = arith.constant 48 : index
        %parallel_loop3A_336 = tpu.vector_load %arg10[%parallel_loop3A_334, %parallel_loop3A_335] {strides = array<i32>} : memref<80x128xf32, #tpu.memory_space<vmem>>, vector<1x16xf32>,
        %parallel_loop3A_337 = vector.shape_cast %parallel_loop3A_336 : vector<1x16xf32> to vector<16xf32>
        %parallel_loop3A_338 = arith.mulf %parallel_loop3A_333, %parallel_loop3A_337 : vector<16xf32>
        %parallel_loop3A_339 = arith.index_cast %parallel_loop3A_287 : i32 to index
        %parallel_loop3A_340 = arith.constant 48 : index
        %parallel_loop3A_341 = tpu.vector_load %arg8[%parallel_loop3A_339, %parallel_loop3A_340] {strides = array<i32>} : memref<80x128xf32, #tpu.memory_space<vmem>>, vector<1x16xf32>,
        %parallel_loop3A_342 = vector.shape_cast %parallel_loop3A_341 : vector<1x16xf32> to vector<16xf32>
        %parallel_loop3A_343 = vector.shape_cast %parallel_loop3A_338 : vector<16xf32> to vector<1x16xf32>
        tpu.vector_store %arg8[%parallel_loop3A_339, %parallel_loop3A_340], %parallel_loop3A_343 {strides = array<i32>} : memref<80x128xf32, #tpu.memory_space<vmem>>, vector<1x16xf32>,
        %parallel_loop3A_344 = arith.index_cast %parallel_loop3A_287 : i32 to index
        %parallel_loop3A_345 = arith.constant 64 : index
        %parallel_loop3A_346 = tpu.vector_load %arg8[%parallel_loop3A_344, %parallel_loop3A_345] {strides = array<i32>} : memref<80x128xf32, #tpu.memory_space<vmem>>, vector<1x16xf32>,
        %parallel_loop3A_347 = vector.shape_cast %parallel_loop3A_346 : vector<1x16xf32> to vector<16xf32>
        %parallel_loop3A_348 = arith.index_cast %parallel_loop3A_287 : i32 to index
        %parallel_loop3A_349 = arith.constant 64 : index
        %parallel_loop3A_350 = tpu.vector_load %arg10[%parallel_loop3A_348, %parallel_loop3A_349] {strides = array<i32>} : memref<80x128xf32, #tpu.memory_space<vmem>>, vector<1x16xf32>,
        %parallel_loop3A_351 = vector.shape_cast %parallel_loop3A_350 : vector<1x16xf32> to vector<16xf32>
        %parallel_loop3A_352 = arith.mulf %parallel_loop3A_347, %parallel_loop3A_351 : vector<16xf32>
        %parallel_loop3A_353 = arith.index_cast %parallel_loop3A_287 : i32 to index
        %parallel_loop3A_354 = arith.constant 64 : index
        %parallel_loop3A_355 = tpu.vector_load %arg8[%parallel_loop3A_353, %parallel_loop3A_354] {strides = array<i32>} : memref<80x128xf32, #tpu.memory_space<vmem>>, vector<1x16xf32>,
        %parallel_loop3A_356 = vector.shape_cast %parallel_loop3A_355 : vector<1x16xf32> to vector<16xf32>
        %parallel_loop3A_357 = vector.shape_cast %parallel_loop3A_352 : vector<16xf32> to vector<1x16xf32>
        tpu.vector_store %arg8[%parallel_loop3A_353, %parallel_loop3A_354], %parallel_loop3A_357 {strides = array<i32>} : memref<80x128xf32, #tpu.memory_space<vmem>>, vector<1x16xf32>,
        %parallel_loop3A_358 = arith.index_cast %parallel_loop3A_287 : i32 to index
        %parallel_loop3A_359 = arith.constant 80 : index
        %parallel_loop3A_360 = tpu.vector_load %arg8[%parallel_loop3A_358, %parallel_loop3A_359] {strides = array<i32>} : memref<80x128xf32, #tpu.memory_space<vmem>>, vector<1x16xf32>,
        %parallel_loop3A_361 = vector.shape_cast %parallel_loop3A_360 : vector<1x16xf32> to vector<16xf32>
        %parallel_loop3A_362 = arith.index_cast %parallel_loop3A_287 : i32 to index
        %parallel_loop3A_363 = arith.constant 80 : index
        %parallel_loop3A_364 = tpu.vector_load %arg10[%parallel_loop3A_362, %parallel_loop3A_363] {strides = array<i32>} : memref<80x128xf32, #tpu.memory_space<vmem>>, vector<1x16xf32>,
        %parallel_loop3A_365 = vector.shape_cast %parallel_loop3A_364 : vector<1x16xf32> to vector<16xf32>
        %parallel_loop3A_366 = arith.mulf %parallel_loop3A_361, %parallel_loop3A_365 : vector<16xf32>
        %parallel_loop3A_367 = arith.index_cast %parallel_loop3A_287 : i32 to index
        %parallel_loop3A_368 = arith.constant 80 : index
        %parallel_loop3A_369 = tpu.vector_load %arg8[%parallel_loop3A_367, %parallel_loop3A_368] {strides = array<i32>} : memref<80x128xf32, #tpu.memory_space<vmem>>, vector<1x16xf32>,
        %parallel_loop3A_370 = vector.shape_cast %parallel_loop3A_369 : vector<1x16xf32> to vector<16xf32>
        %parallel_loop3A_371 = vector.shape_cast %parallel_loop3A_366 : vector<16xf32> to vector<1x16xf32>
        tpu.vector_store %arg8[%parallel_loop3A_367, %parallel_loop3A_368], %parallel_loop3A_371 {strides = array<i32>} : memref<80x128xf32, #tpu.memory_space<vmem>>, vector<1x16xf32>,
        %parallel_loop3A_372 = arith.index_cast %parallel_loop3A_287 : i32 to index
        %parallel_loop3A_373 = arith.constant 96 : index
        %parallel_loop3A_374 = tpu.vector_load %arg8[%parallel_loop3A_372, %parallel_loop3A_373] {strides = array<i32>} : memref<80x128xf32, #tpu.memory_space<vmem>>, vector<1x16xf32>,
        %parallel_loop3A_375 = vector.shape_cast %parallel_loop3A_374 : vector<1x16xf32> to vector<16xf32>
        %parallel_loop3A_376 = arith.index_cast %parallel_loop3A_287 : i32 to index
        %parallel_loop3A_377 = arith.constant 96 : index
        %parallel_loop3A_378 = tpu.vector_load %arg10[%parallel_loop3A_376, %parallel_loop3A_377] {strides = array<i32>} : memref<80x128xf32, #tpu.memory_space<vmem>>, vector<1x16xf32>,
        %parallel_loop3A_379 = vector.shape_cast %parallel_loop3A_378 : vector<1x16xf32> to vector<16xf32>
        %parallel_loop3A_380 = arith.mulf %parallel_loop3A_375, %parallel_loop3A_379 : vector<16xf32>
        %parallel_loop3A_381 = arith.index_cast %parallel_loop3A_287 : i32 to index
        %parallel_loop3A_382 = arith.constant 96 : index
        %parallel_loop3A_383 = tpu.vector_load %arg8[%parallel_loop3A_381, %parallel_loop3A_382] {strides = array<i32>} : memref<80x128xf32, #tpu.memory_space<vmem>>, vector<1x16xf32>,
        %parallel_loop3A_384 = vector.shape_cast %parallel_loop3A_383 : vector<1x16xf32> to vector<16xf32>
        %parallel_loop3A_385 = vector.shape_cast %parallel_loop3A_380 : vector<16xf32> to vector<1x16xf32>
        tpu.vector_store %arg8[%parallel_loop3A_381, %parallel_loop3A_382], %parallel_loop3A_385 {strides = array<i32>} : memref<80x128xf32, #tpu.memory_space<vmem>>, vector<1x16xf32>,
        %parallel_loop3A_386 = arith.index_cast %parallel_loop3A_287 : i32 to index
        %parallel_loop3A_387 = arith.constant 112 : index
        %parallel_loop3A_388 = tpu.vector_load %arg8[%parallel_loop3A_386, %parallel_loop3A_387] {strides = array<i32>} : memref<80x128xf32, #tpu.memory_space<vmem>>, vector<1x16xf32>,
        %parallel_loop3A_389 = vector.shape_cast %parallel_loop3A_388 : vector<1x16xf32> to vector<16xf32>
        %parallel_loop3A_390 = arith.index_cast %parallel_loop3A_287 : i32 to index
        %parallel_loop3A_391 = arith.constant 112 : index
        %parallel_loop3A_392 = tpu.vector_load %arg10[%parallel_loop3A_390, %parallel_loop3A_391] {strides = array<i32>} : memref<80x128xf32, #tpu.memory_space<vmem>>, vector<1x16xf32>,
        %parallel_loop3A_393 = vector.shape_cast %parallel_loop3A_392 : vector<1x16xf32> to vector<16xf32>
        %parallel_loop3A_394 = arith.mulf %parallel_loop3A_389, %parallel_loop3A_393 : vector<16xf32>
        %parallel_loop3A_395 = arith.index_cast %parallel_loop3A_287 : i32 to index
        %parallel_loop3A_396 = arith.constant 112 : index
        %parallel_loop3A_397 = tpu.vector_load %arg8[%parallel_loop3A_395, %parallel_loop3A_396] {strides = array<i32>} : memref<80x128xf32, #tpu.memory_space<vmem>>, vector<1x16xf32>,
        %parallel_loop3A_398 = vector.shape_cast %parallel_loop3A_397 : vector<1x16xf32> to vector<16xf32>
        %parallel_loop3A_399 = vector.shape_cast %parallel_loop3A_394 : vector<16xf32> to vector<1x16xf32>
        tpu.vector_store %arg8[%parallel_loop3A_395, %parallel_loop3A_396], %parallel_loop3A_399 {strides = array<i32>} : memref<80x128xf32, #tpu.memory_space<vmem>>, vector<1x16xf32>,
      } {sc.loop_unroll_factor = 4 : i64, sc.parallel_access}
      %add3A_218 = arith.constant 1 : i32
      %add3A_219 = arith.addi %mul3A_167, %add3A_218 : i32
      %mul3A_220 = arith.constant 80 : i32
      %mul3A_221 = arith.muli %add3A_219, %mul3A_220 : i32
      %add3A_222 = arith.addi %select_n3A, %mul3A_221 : i32
      %dma_wait3A_223 = tpu.memref_slice %arg3[%add3A_222] : memref<320000xi32, #tpu.memory_space<hbm>> -> memref<80xi32, #tpu.memory_space<hbm>>
      %dma_wait3A_224 = tpu.memref_slice %arg3[%add3A_222] : memref<320000xi32, #tpu.memory_space<hbm>> -> memref<80xi32, #tpu.memory_space<hbm>>
      tpu.wait_dma2 semaphore(%arg25 : memref<!tpu.dma_semaphore, #tpu.memory_space<semaphore_mem>>) src(%dma_wait3A_224 : memref<80xi32, #tpu.memory_space<hbm>>) dst(%arg14 : memref<80xi32, #tpu.memory_space<vmem>>)
      %dma_start3A_225 = arith.constant 0 : i32
      %dma_start3A_226 = arith.constant 0 : i32
      %dma_start3A_227 = tpu.memref_slice %arg15[%dma_start3A_225, %dma_start3A_226] : memref<10240x128xf32, #tpu.memory_space<vmem_shared>> -> memref<10240x128xf32, #tpu.memory_space<vmem_shared>>
      tpu.enqueue_indirect_dma source(%arg8 : memref<80x128xf32, #tpu.memory_space<vmem>>) target(%dma_start3A_227 : memref<10240x128xf32, #tpu.memory_space<vmem_shared>>) offsets(%arg14 : memref<80xi32, #tpu.memory_space<vmem>>) semaphore(%arg21 : memref<!tpu.dma_semaphore, #tpu.memory_space<semaphore_mem>>) {add = true}
      %dma_wait3A_228 = arith.constant 0 : i32
      %dma_wait3A_229 = arith.constant 0 : i32
      %dma_wait3A_230 = tpu.memref_slice %arg15[%dma_wait3A_228, %dma_wait3A_229] : memref<10240x128xf32, #tpu.memory_space<vmem_shared>> -> memref<10240x128xf32, #tpu.memory_space<vmem_shared>>
      tpu.wait_indirect_dma semaphore(%arg20 : memref<!tpu.dma_semaphore, #tpu.memory_space<semaphore_mem>>) src(%arg7 : memref<80x128xf32, #tpu.memory_space<vmem>>) dst(%dma_wait3A_230 : memref<10240x128xf32, #tpu.memory_space<vmem_shared>>)
      %add3A_231 = arith.constant 2 : i32
      %add3A_232 = arith.addi %mul3A_167, %add3A_231 : i32
      %mul3A_233 = arith.constant 80 : i32
      %mul3A_234 = arith.muli %add3A_232, %mul3A_233 : i32
      %add3A_235 = arith.addi %select_n3A, %mul3A_234 : i32
      %dma_start3A_236 = tpu.memref_slice %arg3[%add3A_235] : memref<320000xi32, #tpu.memory_space<hbm>> -> memref<80xi32, #tpu.memory_space<hbm>>
      %dma_start3A_237 = tpu.memref_slice %arg3[%add3A_235] : memref<320000xi32, #tpu.memory_space<hbm>> -> memref<80xi32, #tpu.memory_space<hbm>>
      tpu.enqueue_dma source(%dma_start3A_237 : memref<80xi32, #tpu.memory_space<hbm>>) target(%arg13 : memref<80xi32, #tpu.memory_space<vmem>>) target_semaphore(%arg24 : memref<!tpu.dma_semaphore, #tpu.memory_space<semaphore_mem>>)
      %add3A_238 = arith.constant 2 : i32
      %add3A_239 = arith.addi %mul3A_167, %add3A_238 : i32
      %mul3A_240 = arith.constant 80 : i32
      %mul3A_241 = arith.muli %add3A_239, %mul3A_240 : i32
      %add3A_242 = arith.addi %select_n3A, %mul3A_241 : i32
      %dma_wait3A_243 = tpu.memref_slice %arg2[%add3A_242] : memref<320000xi32, #tpu.memory_space<hbm>> -> memref<80xi32, #tpu.memory_space<hbm>>
      %dma_wait3A_244 = tpu.memref_slice %arg2[%add3A_242] : memref<320000xi32, #tpu.memory_space<hbm>> -> memref<80xi32, #tpu.memory_space<hbm>>
      tpu.wait_dma2 semaphore(%arg22 : memref<!tpu.dma_semaphore, #tpu.memory_space<semaphore_mem>>) src(%dma_wait3A_244 : memref<80xi32, #tpu.memory_space<hbm>>) dst(%arg11 : memref<80xi32, #tpu.memory_space<vmem>>)
      %add3A_245 = arith.constant 2 : i32
      %add3A_246 = arith.addi %mul3A_167, %add3A_245 : i32
      %dma_start3A_247 = arith.constant 0 : i32
      %dma_start3A_248 = arith.constant 0 : i32
      %dma_start3A_249 = tpu.memref_slice %arg4[%dma_start3A_247, %dma_start3A_248] : memref<10000x128xf32, #tpu.memory_space<hbm>> -> memref<10000x128xf32, #tpu.memory_space<hbm>>
      tpu.enqueue_indirect_dma source(%dma_start3A_249 : memref<10000x128xf32, #tpu.memory_space<hbm>>) target(%arg7 : memref<80x128xf32, #tpu.memory_space<vmem>>) offsets(%arg11 : memref<80xi32, #tpu.memory_space<vmem>>) semaphore(%arg16 : memref<!tpu.dma_semaphore, #tpu.memory_space<semaphore_mem>>)
      %mul3A_250 = arith.constant 80 : i32
      %mul3A_251 = arith.muli %add3A_246, %mul3A_250 : i32
      %add3A_252 = arith.addi %select_n3A, %mul3A_251 : i32
      %dma_start3A_253 = arith.constant 0 : i32
      %dma_start3A_254 = tpu.memref_slice %arg5[%add3A_252, %dma_start3A_253] : memref<320000x128xf32, #tpu.memory_space<hbm>> -> memref<80x128xf32, #tpu.memory_space<hbm>>
      %dma_start3A_255 = arith.constant 0 : i32
      %dma_start3A_256 = tpu.memref_slice %arg5[%add3A_252, %dma_start3A_255] : memref<320000x128xf32, #tpu.memory_space<hbm>> -> memref<80x128xf32, #tpu.memory_space<hbm>>
      tpu.enqueue_dma source(%dma_start3A_256 : memref<80x128xf32, #tpu.memory_space<hbm>>) target(%arg9 : memref<80x128xf32, #tpu.memory_space<vmem>>) target_semaphore(%arg18 : memref<!tpu.dma_semaphore, #tpu.memory_space<semaphore_mem>>)
      %dma_wait3A_257 = arith.constant 0 : i32
      %dma_wait3A_258 = arith.constant 0 : i32
      %dma_wait3A_259 = tpu.memref_slice %arg15[%dma_wait3A_257, %dma_wait3A_258] : memref<10240x128xf32, #tpu.memory_space<vmem_shared>> -> memref<10240x128xf32, #tpu.memory_space<vmem_shared>>
      tpu.wait_indirect_dma semaphore(%arg21 : memref<!tpu.dma_semaphore, #tpu.memory_space<semaphore_mem>>) src(%arg8 : memref<80x128xf32, #tpu.memory_space<vmem>>) dst(%dma_wait3A_259 : memref<10240x128xf32, #tpu.memory_space<vmem_shared>>)
      %add3A_260 = arith.constant 3 : i32
      %add3A_261 = arith.addi %mul3A_167, %add3A_260 : i32
      %mul3A_262 = arith.constant 80 : i32
      %mul3A_263 = arith.muli %add3A_261, %mul3A_262 : i32
      %add3A_264 = arith.addi %select_n3A, %mul3A_263 : i32
      %dma_start3A_265 = tpu.memref_slice %arg3[%add3A_264] : memref<320000xi32, #tpu.memory_space<hbm>> -> memref<80xi32, #tpu.memory_space<hbm>>
      %dma_start3A_266 = tpu.memref_slice %arg3[%add3A_264] : memref<320000xi32, #tpu.memory_space<hbm>> -> memref<80xi32, #tpu.memory_space<hbm>>
      tpu.enqueue_dma source(%dma_start3A_266 : memref<80xi32, #tpu.memory_space<hbm>>) target(%arg14 : memref<80xi32, #tpu.memory_space<vmem>>) target_semaphore(%arg25 : memref<!tpu.dma_semaphore, #tpu.memory_space<semaphore_mem>>)
      %add3A_267 = arith.constant 3 : i32
      %add3A_268 = arith.addi %mul3A_167, %add3A_267 : i32
      %mul3A_269 = arith.constant 80 : i32
      %mul3A_270 = arith.muli %add3A_268, %mul3A_269 : i32
      %add3A_271 = arith.addi %select_n3A, %mul3A_270 : i32
      %dma_wait3A_272 = tpu.memref_slice %arg2[%add3A_271] : memref<320000xi32, #tpu.memory_space<hbm>> -> memref<80xi32, #tpu.memory_space<hbm>>
      %dma_wait3A_273 = tpu.memref_slice %arg2[%add3A_271] : memref<320000xi32, #tpu.memory_space<hbm>> -> memref<80xi32, #tpu.memory_space<hbm>>
      tpu.wait_dma2 semaphore(%arg23 : memref<!tpu.dma_semaphore, #tpu.memory_space<semaphore_mem>>) src(%dma_wait3A_273 : memref<80xi32, #tpu.memory_space<hbm>>) dst(%arg12 : memref<80xi32, #tpu.memory_space<vmem>>)
      %add3A_274 = arith.constant 3 : i32
      %add3A_275 = arith.addi %mul3A_167, %add3A_274 : i32
      %dma_start3A_276 = arith.constant 0 : i32
      %dma_start3A_277 = arith.constant 0 : i32
      %dma_start3A_278 = tpu.memref_slice %arg4[%dma_start3A_276, %dma_start3A_277] : memref<10000x128xf32, #tpu.memory_space<hbm>> -> memref<10000x128xf32, #tpu.memory_space<hbm>>
      tpu.enqueue_indirect_dma source(%dma_start3A_278 : memref<10000x128xf32, #tpu.memory_space<hbm>>) target(%arg8 : memref<80x128xf32, #tpu.memory_space<vmem>>) offsets(%arg12 : memref<80xi32, #tpu.memory_space<vmem>>) semaphore(%arg17 : memref<!tpu.dma_semaphore, #tpu.memory_space<semaphore_mem>>)
      %mul3A_279 = arith.constant 80 : i32
      %mul3A_280 = arith.muli %add3A_275, %mul3A_279 : i32
      %add3A_281 = arith.addi %select_n3A, %mul3A_280 : i32
      %dma_start3A_282 = arith.constant 0 : i32
      %dma_start3A_283 = tpu.memref_slice %arg5[%add3A_281, %dma_start3A_282] : memref<320000x128xf32, #tpu.memory_space<hbm>> -> memref<80x128xf32, #tpu.memory_space<hbm>>
      %dma_start3A_284 = arith.constant 0 : i32
      %dma_start3A_285 = tpu.memref_slice %arg5[%add3A_281, %dma_start3A_284] : memref<320000x128xf32, #tpu.memory_space<hbm>> -> memref<80x128xf32, #tpu.memory_space<hbm>>
      tpu.enqueue_dma source(%dma_start3A_285 : memref<80x128xf32, #tpu.memory_space<hbm>>) target(%arg10 : memref<80x128xf32, #tpu.memory_space<vmem>>) target_semaphore(%arg19 : memref<!tpu.dma_semaphore, #tpu.memory_space<semaphore_mem>>)
      %while3A_286 = arith.constant 0 : i32
      scf.yield %while3A_286 : i32
    }
    %sub3A_106 = arith.constant 2 : i32
    %sub3A_107 = arith.subi %select_n3A_52, %sub3A_106 : i32
    %dma_wait3A_108 = arith.constant 0 : i32
    %dma_wait3A_109 = arith.constant 0 : i32
    %dma_wait3A_110 = tpu.memref_slice %arg4[%dma_wait3A_108, %dma_wait3A_109] : memref<10000x128xf32, #tpu.memory_space<hbm>> -> memref<10000x128xf32, #tpu.memory_space<hbm>>
    tpu.wait_indirect_dma semaphore(%arg16 : memref<!tpu.dma_semaphore, #tpu.memory_space<semaphore_mem>>) src(%dma_wait3A_110 : memref<10000x128xf32, #tpu.memory_space<hbm>>) dst(%arg7 : memref<80x128xf32, #tpu.memory_space<vmem>>)
    %mul3A_111 = arith.constant 80 : i32
    %mul3A_112 = arith.muli %sub3A_107, %mul3A_111 : i32
    %add3A_113 = arith.addi %select_n3A, %mul3A_112 : i32
    %dma_wait3A_114 = arith.constant 0 : i32
    %dma_wait3A_115 = tpu.memref_slice %arg5[%add3A_113, %dma_wait3A_114] : memref<320000x128xf32, #tpu.memory_space<hbm>> -> memref<80x128xf32, #tpu.memory_space<hbm>>
    %dma_wait3A_116 = arith.constant 0 : i32
    %dma_wait3A_117 = tpu.memref_slice %arg5[%add3A_113, %dma_wait3A_116] : memref<320000x128xf32, #tpu.memory_space<hbm>> -> memref<80x128xf32, #tpu.memory_space<hbm>>
    tpu.wait_dma2 semaphore(%arg18 : memref<!tpu.dma_semaphore, #tpu.memory_space<semaphore_mem>>) src(%dma_wait3A_117 : memref<80x128xf32, #tpu.memory_space<hbm>>) dst(%arg9 : memref<80x128xf32, #tpu.memory_space<vmem>>)
    %parallel_loop3A = arith.constant 0 : i32
    %parallel_loop3A_118 = arith.constant 80 : i32
    %parallel_loop3A_119 = arith.constant 1 : i32
    scf.for %parallel_loop3A_164 = %parallel_loop3A to %parallel_loop3A_118 step %parallel_loop3A_119  : i32 {
      %parallel_loop3A_165 = arith.index_cast %parallel_loop3A_164 : i32 to index
      %parallel_loop3A_166 = arith.constant 0 : index
      %parallel_loop3A_167 = tpu.vector_load %arg7[%parallel_loop3A_165, %parallel_loop3A_166] {strides = array<i32>} : memref<80x128xf32, #tpu.memory_space<vmem>>, vector<1x16xf32>,
      %parallel_loop3A_168 = vector.shape_cast %parallel_loop3A_167 : vector<1x16xf32> to vector<16xf32>
      %parallel_loop3A_169 = arith.index_cast %parallel_loop3A_164 : i32 to index
      %parallel_loop3A_170 = arith.constant 0 : index
      %parallel_loop3A_171 = tpu.vector_load %arg9[%parallel_loop3A_169, %parallel_loop3A_170] {strides = array<i32>} : memref<80x128xf32, #tpu.memory_space<vmem>>, vector<1x16xf32>,
      %parallel_loop3A_172 = vector.shape_cast %parallel_loop3A_171 : vector<1x16xf32> to vector<16xf32>
      %parallel_loop3A_173 = arith.mulf %parallel_loop3A_168, %parallel_loop3A_172 : vector<16xf32>
      %parallel_loop3A_174 = arith.index_cast %parallel_loop3A_164 : i32 to index
      %parallel_loop3A_175 = arith.constant 0 : index
      %parallel_loop3A_176 = tpu.vector_load %arg7[%parallel_loop3A_174, %parallel_loop3A_175] {strides = array<i32>} : memref<80x128xf32, #tpu.memory_space<vmem>>, vector<1x16xf32>,
      %parallel_loop3A_177 = vector.shape_cast %parallel_loop3A_176 : vector<1x16xf32> to vector<16xf32>
      %parallel_loop3A_178 = vector.shape_cast %parallel_loop3A_173 : vector<16xf32> to vector<1x16xf32>
      tpu.vector_store %arg7[%parallel_loop3A_174, %parallel_loop3A_175], %parallel_loop3A_178 {strides = array<i32>} : memref<80x128xf32, #tpu.memory_space<vmem>>, vector<1x16xf32>,
      %parallel_loop3A_179 = arith.index_cast %parallel_loop3A_164 : i32 to index
      %parallel_loop3A_180 = arith.constant 16 : index
      %parallel_loop3A_181 = tpu.vector_load %arg7[%parallel_loop3A_179, %parallel_loop3A_180] {strides = array<i32>} : memref<80x128xf32, #tpu.memory_space<vmem>>, vector<1x16xf32>,
      %parallel_loop3A_182 = vector.shape_cast %parallel_loop3A_181 : vector<1x16xf32> to vector<16xf32>
      %parallel_loop3A_183 = arith.index_cast %parallel_loop3A_164 : i32 to index
      %parallel_loop3A_184 = arith.constant 16 : index
      %parallel_loop3A_185 = tpu.vector_load %arg9[%parallel_loop3A_183, %parallel_loop3A_184] {strides = array<i32>} : memref<80x128xf32, #tpu.memory_space<vmem>>, vector<1x16xf32>,
      %parallel_loop3A_186 = vector.shape_cast %parallel_loop3A_185 : vector<1x16xf32> to vector<16xf32>
      %parallel_loop3A_187 = arith.mulf %parallel_loop3A_182, %parallel_loop3A_186 : vector<16xf32>
      %parallel_loop3A_188 = arith.index_cast %parallel_loop3A_164 : i32 to index
      %parallel_loop3A_189 = arith.constant 16 : index
      %parallel_loop3A_190 = tpu.vector_load %arg7[%parallel_loop3A_188, %parallel_loop3A_189] {strides = array<i32>} : memref<80x128xf32, #tpu.memory_space<vmem>>, vector<1x16xf32>,
      %parallel_loop3A_191 = vector.shape_cast %parallel_loop3A_190 : vector<1x16xf32> to vector<16xf32>
      %parallel_loop3A_192 = vector.shape_cast %parallel_loop3A_187 : vector<16xf32> to vector<1x16xf32>
      tpu.vector_store %arg7[%parallel_loop3A_188, %parallel_loop3A_189], %parallel_loop3A_192 {strides = array<i32>} : memref<80x128xf32, #tpu.memory_space<vmem>>, vector<1x16xf32>,
      %parallel_loop3A_193 = arith.index_cast %parallel_loop3A_164 : i32 to index
      %parallel_loop3A_194 = arith.constant 32 : index
      %parallel_loop3A_195 = tpu.vector_load %arg7[%parallel_loop3A_193, %parallel_loop3A_194] {strides = array<i32>} : memref<80x128xf32, #tpu.memory_space<vmem>>, vector<1x16xf32>,
      %parallel_loop3A_196 = vector.shape_cast %parallel_loop3A_195 : vector<1x16xf32> to vector<16xf32>
      %parallel_loop3A_197 = arith.index_cast %parallel_loop3A_164 : i32 to index
      %parallel_loop3A_198 = arith.constant 32 : index
      %parallel_loop3A_199 = tpu.vector_load %arg9[%parallel_loop3A_197, %parallel_loop3A_198] {strides = array<i32>} : memref<80x128xf32, #tpu.memory_space<vmem>>, vector<1x16xf32>,
      %parallel_loop3A_200 = vector.shape_cast %parallel_loop3A_199 : vector<1x16xf32> to vector<16xf32>
      %parallel_loop3A_201 = arith.mulf %parallel_loop3A_196, %parallel_loop3A_200 : vector<16xf32>
      %parallel_loop3A_202 = arith.index_cast %parallel_loop3A_164 : i32 to index
      %parallel_loop3A_203 = arith.constant 32 : index
      %parallel_loop3A_204 = tpu.vector_load %arg7[%parallel_loop3A_202, %parallel_loop3A_203] {strides = array<i32>} : memref<80x128xf32, #tpu.memory_space<vmem>>, vector<1x16xf32>,
      %parallel_loop3A_205 = vector.shape_cast %parallel_loop3A_204 : vector<1x16xf32> to vector<16xf32>
      %parallel_loop3A_206 = vector.shape_cast %parallel_loop3A_201 : vector<16xf32> to vector<1x16xf32>
      tpu.vector_store %arg7[%parallel_loop3A_202, %parallel_loop3A_203], %parallel_loop3A_206 {strides = array<i32>} : memref<80x128xf32, #tpu.memory_space<vmem>>, vector<1x16xf32>,
      %parallel_loop3A_207 = arith.index_cast %parallel_loop3A_164 : i32 to index
      %parallel_loop3A_208 = arith.constant 48 : index
      %parallel_loop3A_209 = tpu.vector_load %arg7[%parallel_loop3A_207, %parallel_loop3A_208] {strides = array<i32>} : memref<80x128xf32, #tpu.memory_space<vmem>>, vector<1x16xf32>,
      %parallel_loop3A_210 = vector.shape_cast %parallel_loop3A_209 : vector<1x16xf32> to vector<16xf32>
      %parallel_loop3A_211 = arith.index_cast %parallel_loop3A_164 : i32 to index
      %parallel_loop3A_212 = arith.constant 48 : index
      %parallel_loop3A_213 = tpu.vector_load %arg9[%parallel_loop3A_211, %parallel_loop3A_212] {strides = array<i32>} : memref<80x128xf32, #tpu.memory_space<vmem>>, vector<1x16xf32>,
      %parallel_loop3A_214 = vector.shape_cast %parallel_loop3A_213 : vector<1x16xf32> to vector<16xf32>
      %parallel_loop3A_215 = arith.mulf %parallel_loop3A_210, %parallel_loop3A_214 : vector<16xf32>
      %parallel_loop3A_216 = arith.index_cast %parallel_loop3A_164 : i32 to index
      %parallel_loop3A_217 = arith.constant 48 : index
      %parallel_loop3A_218 = tpu.vector_load %arg7[%parallel_loop3A_216, %parallel_loop3A_217] {strides = array<i32>} : memref<80x128xf32, #tpu.memory_space<vmem>>, vector<1x16xf32>,
      %parallel_loop3A_219 = vector.shape_cast %parallel_loop3A_218 : vector<1x16xf32> to vector<16xf32>
      %parallel_loop3A_220 = vector.shape_cast %parallel_loop3A_215 : vector<16xf32> to vector<1x16xf32>
      tpu.vector_store %arg7[%parallel_loop3A_216, %parallel_loop3A_217], %parallel_loop3A_220 {strides = array<i32>} : memref<80x128xf32, #tpu.memory_space<vmem>>, vector<1x16xf32>,
      %parallel_loop3A_221 = arith.index_cast %parallel_loop3A_164 : i32 to index
      %parallel_loop3A_222 = arith.constant 64 : index
      %parallel_loop3A_223 = tpu.vector_load %arg7[%parallel_loop3A_221, %parallel_loop3A_222] {strides = array<i32>} : memref<80x128xf32, #tpu.memory_space<vmem>>, vector<1x16xf32>,
      %parallel_loop3A_224 = vector.shape_cast %parallel_loop3A_223 : vector<1x16xf32> to vector<16xf32>
      %parallel_loop3A_225 = arith.index_cast %parallel_loop3A_164 : i32 to index
      %parallel_loop3A_226 = arith.constant 64 : index
      %parallel_loop3A_227 = tpu.vector_load %arg9[%parallel_loop3A_225, %parallel_loop3A_226] {strides = array<i32>} : memref<80x128xf32, #tpu.memory_space<vmem>>, vector<1x16xf32>,
      %parallel_loop3A_228 = vector.shape_cast %parallel_loop3A_227 : vector<1x16xf32> to vector<16xf32>
      %parallel_loop3A_229 = arith.mulf %parallel_loop3A_224, %parallel_loop3A_228 : vector<16xf32>
      %parallel_loop3A_230 = arith.index_cast %parallel_loop3A_164 : i32 to index
      %parallel_loop3A_231 = arith.constant 64 : index
      %parallel_loop3A_232 = tpu.vector_load %arg7[%parallel_loop3A_230, %parallel_loop3A_231] {strides = array<i32>} : memref<80x128xf32, #tpu.memory_space<vmem>>, vector<1x16xf32>,
      %parallel_loop3A_233 = vector.shape_cast %parallel_loop3A_232 : vector<1x16xf32> to vector<16xf32>
      %parallel_loop3A_234 = vector.shape_cast %parallel_loop3A_229 : vector<16xf32> to vector<1x16xf32>
      tpu.vector_store %arg7[%parallel_loop3A_230, %parallel_loop3A_231], %parallel_loop3A_234 {strides = array<i32>} : memref<80x128xf32, #tpu.memory_space<vmem>>, vector<1x16xf32>,
      %parallel_loop3A_235 = arith.index_cast %parallel_loop3A_164 : i32 to index
      %parallel_loop3A_236 = arith.constant 80 : index
      %parallel_loop3A_237 = tpu.vector_load %arg7[%parallel_loop3A_235, %parallel_loop3A_236] {strides = array<i32>} : memref<80x128xf32, #tpu.memory_space<vmem>>, vector<1x16xf32>,
      %parallel_loop3A_238 = vector.shape_cast %parallel_loop3A_237 : vector<1x16xf32> to vector<16xf32>
      %parallel_loop3A_239 = arith.index_cast %parallel_loop3A_164 : i32 to index
      %parallel_loop3A_240 = arith.constant 80 : index
      %parallel_loop3A_241 = tpu.vector_load %arg9[%parallel_loop3A_239, %parallel_loop3A_240] {strides = array<i32>} : memref<80x128xf32, #tpu.memory_space<vmem>>, vector<1x16xf32>,
      %parallel_loop3A_242 = vector.shape_cast %parallel_loop3A_241 : vector<1x16xf32> to vector<16xf32>
      %parallel_loop3A_243 = arith.mulf %parallel_loop3A_238, %parallel_loop3A_242 : vector<16xf32>
      %parallel_loop3A_244 = arith.index_cast %parallel_loop3A_164 : i32 to index
      %parallel_loop3A_245 = arith.constant 80 : index
      %parallel_loop3A_246 = tpu.vector_load %arg7[%parallel_loop3A_244, %parallel_loop3A_245] {strides = array<i32>} : memref<80x128xf32, #tpu.memory_space<vmem>>, vector<1x16xf32>,
      %parallel_loop3A_247 = vector.shape_cast %parallel_loop3A_246 : vector<1x16xf32> to vector<16xf32>
      %parallel_loop3A_248 = vector.shape_cast %parallel_loop3A_243 : vector<16xf32> to vector<1x16xf32>
      tpu.vector_store %arg7[%parallel_loop3A_244, %parallel_loop3A_245], %parallel_loop3A_248 {strides = array<i32>} : memref<80x128xf32, #tpu.memory_space<vmem>>, vector<1x16xf32>,
      %parallel_loop3A_249 = arith.index_cast %parallel_loop3A_164 : i32 to index
      %parallel_loop3A_250 = arith.constant 96 : index
      %parallel_loop3A_251 = tpu.vector_load %arg7[%parallel_loop3A_249, %parallel_loop3A_250] {strides = array<i32>} : memref<80x128xf32, #tpu.memory_space<vmem>>, vector<1x16xf32>,
      %parallel_loop3A_252 = vector.shape_cast %parallel_loop3A_251 : vector<1x16xf32> to vector<16xf32>
      %parallel_loop3A_253 = arith.index_cast %parallel_loop3A_164 : i32 to index
      %parallel_loop3A_254 = arith.constant 96 : index
      %parallel_loop3A_255 = tpu.vector_load %arg9[%parallel_loop3A_253, %parallel_loop3A_254] {strides = array<i32>} : memref<80x128xf32, #tpu.memory_space<vmem>>, vector<1x16xf32>,
      %parallel_loop3A_256 = vector.shape_cast %parallel_loop3A_255 : vector<1x16xf32> to vector<16xf32>
      %parallel_loop3A_257 = arith.mulf %parallel_loop3A_252, %parallel_loop3A_256 : vector<16xf32>
      %parallel_loop3A_258 = arith.index_cast %parallel_loop3A_164 : i32 to index
      %parallel_loop3A_259 = arith.constant 96 : index
      %parallel_loop3A_260 = tpu.vector_load %arg7[%parallel_loop3A_258, %parallel_loop3A_259] {strides = array<i32>} : memref<80x128xf32, #tpu.memory_space<vmem>>, vector<1x16xf32>,
      %parallel_loop3A_261 = vector.shape_cast %parallel_loop3A_260 : vector<1x16xf32> to vector<16xf32>
      %parallel_loop3A_262 = vector.shape_cast %parallel_loop3A_257 : vector<16xf32> to vector<1x16xf32>
      tpu.vector_store %arg7[%parallel_loop3A_258, %parallel_loop3A_259], %parallel_loop3A_262 {strides = array<i32>} : memref<80x128xf32, #tpu.memory_space<vmem>>, vector<1x16xf32>,
      %parallel_loop3A_263 = arith.index_cast %parallel_loop3A_164 : i32 to index
      %parallel_loop3A_264 = arith.constant 112 : index
      %parallel_loop3A_265 = tpu.vector_load %arg7[%parallel_loop3A_263, %parallel_loop3A_264] {strides = array<i32>} : memref<80x128xf32, #tpu.memory_space<vmem>>, vector<1x16xf32>,
      %parallel_loop3A_266 = vector.shape_cast %parallel_loop3A_265 : vector<1x16xf32> to vector<16xf32>
      %parallel_loop3A_267 = arith.index_cast %parallel_loop3A_164 : i32 to index
      %parallel_loop3A_268 = arith.constant 112 : index
      %parallel_loop3A_269 = tpu.vector_load %arg9[%parallel_loop3A_267, %parallel_loop3A_268] {strides = array<i32>} : memref<80x128xf32, #tpu.memory_space<vmem>>, vector<1x16xf32>,
      %parallel_loop3A_270 = vector.shape_cast %parallel_loop3A_269 : vector<1x16xf32> to vector<16xf32>
      %parallel_loop3A_271 = arith.mulf %parallel_loop3A_266, %parallel_loop3A_270 : vector<16xf32>
      %parallel_loop3A_272 = arith.index_cast %parallel_loop3A_164 : i32 to index
      %parallel_loop3A_273 = arith.constant 112 : index
      %parallel_loop3A_274 = tpu.vector_load %arg7[%parallel_loop3A_272, %parallel_loop3A_273] {strides = array<i32>} : memref<80x128xf32, #tpu.memory_space<vmem>>, vector<1x16xf32>,
      %parallel_loop3A_275 = vector.shape_cast %parallel_loop3A_274 : vector<1x16xf32> to vector<16xf32>
      %parallel_loop3A_276 = vector.shape_cast %parallel_loop3A_271 : vector<16xf32> to vector<1x16xf32>
      tpu.vector_store %arg7[%parallel_loop3A_272, %parallel_loop3A_273], %parallel_loop3A_276 {strides = array<i32>} : memref<80x128xf32, #tpu.memory_space<vmem>>, vector<1x16xf32>,
    } {sc.loop_unroll_factor = 4 : i64, sc.parallel_access}
    %mul3A_120 = arith.constant 80 : i32
    %mul3A_121 = arith.muli %sub3A_107, %mul3A_120 : i32
    %add3A_122 = arith.addi %select_n3A, %mul3A_121 : i32
    %dma_wait3A_123 = tpu.memref_slice %arg3[%add3A_122] : memref<320000xi32, #tpu.memory_space<hbm>> -> memref<80xi32, #tpu.memory_space<hbm>>
    %dma_wait3A_124 = tpu.memref_slice %arg3[%add3A_122] : memref<320000xi32, #tpu.memory_space<hbm>> -> memref<80xi32, #tpu.memory_space<hbm>>
    tpu.wait_dma2 semaphore(%arg24 : memref<!tpu.dma_semaphore, #tpu.memory_space<semaphore_mem>>) src(%dma_wait3A_124 : memref<80xi32, #tpu.memory_space<hbm>>) dst(%arg13 : memref<80xi32, #tpu.memory_space<vmem>>)
    %dma_start3A_125 = arith.constant 0 : i32
    %dma_start3A_126 = arith.constant 0 : i32
    %dma_start3A_127 = tpu.memref_slice %arg15[%dma_start3A_125, %dma_start3A_126] : memref<10240x128xf32, #tpu.memory_space<vmem_shared>> -> memref<10240x128xf32, #tpu.memory_space<vmem_shared>>
    tpu.enqueue_indirect_dma source(%arg7 : memref<80x128xf32, #tpu.memory_space<vmem>>) target(%dma_start3A_127 : memref<10240x128xf32, #tpu.memory_space<vmem_shared>>) offsets(%arg13 : memref<80xi32, #tpu.memory_space<vmem>>) semaphore(%arg20 : memref<!tpu.dma_semaphore, #tpu.memory_space<semaphore_mem>>) {add = true}
    %add3A_128 = arith.constant 1 : i32
    %add3A_129 = arith.addi %sub3A_107, %add3A_128 : i32
    %dma_wait3A_130 = arith.constant 0 : i32
    %dma_wait3A_131 = arith.constant 0 : i32
    %dma_wait3A_132 = tpu.memref_slice %arg4[%dma_wait3A_130, %dma_wait3A_131] : memref<10000x128xf32, #tpu.memory_space<hbm>> -> memref<10000x128xf32, #tpu.memory_space<hbm>>
    tpu.wait_indirect_dma semaphore(%arg17 : memref<!tpu.dma_semaphore, #tpu.memory_space<semaphore_mem>>) src(%dma_wait3A_132 : memref<10000x128xf32, #tpu.memory_space<hbm>>) dst(%arg8 : memref<80x128xf32, #tpu.memory_space<vmem>>)
    %mul3A_133 = arith.constant 80 : i32
    %mul3A_134 = arith.muli %add3A_129, %mul3A_133 : i32
    %add3A_135 = arith.addi %select_n3A, %mul3A_134 : i32
    %dma_wait3A_136 = arith.constant 0 : i32
    %dma_wait3A_137 = tpu.memref_slice %arg5[%add3A_135, %dma_wait3A_136] : memref<320000x128xf32, #tpu.memory_space<hbm>> -> memref<80x128xf32, #tpu.memory_space<hbm>>
    %dma_wait3A_138 = arith.constant 0 : i32
    %dma_wait3A_139 = tpu.memref_slice %arg5[%add3A_135, %dma_wait3A_138] : memref<320000x128xf32, #tpu.memory_space<hbm>> -> memref<80x128xf32, #tpu.memory_space<hbm>>
    tpu.wait_dma2 semaphore(%arg19 : memref<!tpu.dma_semaphore, #tpu.memory_space<semaphore_mem>>) src(%dma_wait3A_139 : memref<80x128xf32, #tpu.memory_space<hbm>>) dst(%arg10 : memref<80x128xf32, #tpu.memory_space<vmem>>)
    %parallel_loop3A_140 = arith.constant 0 : i32
    %parallel_loop3A_141 = arith.constant 80 : i32
    %parallel_loop3A_142 = arith.constant 1 : i32
    scf.for %parallel_loop3A_164 = %parallel_loop3A_140 to %parallel_loop3A_141 step %parallel_loop3A_142  : i32 {
      %parallel_loop3A_165 = arith.index_cast %parallel_loop3A_164 : i32 to index
      %parallel_loop3A_166 = arith.constant 0 : index
      %parallel_loop3A_167 = tpu.vector_load %arg8[%parallel_loop3A_165, %parallel_loop3A_166] {strides = array<i32>} : memref<80x128xf32, #tpu.memory_space<vmem>>, vector<1x16xf32>,
      %parallel_loop3A_168 = vector.shape_cast %parallel_loop3A_167 : vector<1x16xf32> to vector<16xf32>
      %parallel_loop3A_169 = arith.index_cast %parallel_loop3A_164 : i32 to index
      %parallel_loop3A_170 = arith.constant 0 : index
      %parallel_loop3A_171 = tpu.vector_load %arg10[%parallel_loop3A_169, %parallel_loop3A_170] {strides = array<i32>} : memref<80x128xf32, #tpu.memory_space<vmem>>, vector<1x16xf32>,
      %parallel_loop3A_172 = vector.shape_cast %parallel_loop3A_171 : vector<1x16xf32> to vector<16xf32>
      %parallel_loop3A_173 = arith.mulf %parallel_loop3A_168, %parallel_loop3A_172 : vector<16xf32>
      %parallel_loop3A_174 = arith.index_cast %parallel_loop3A_164 : i32 to index
      %parallel_loop3A_175 = arith.constant 0 : index
      %parallel_loop3A_176 = tpu.vector_load %arg8[%parallel_loop3A_174, %parallel_loop3A_175] {strides = array<i32>} : memref<80x128xf32, #tpu.memory_space<vmem>>, vector<1x16xf32>,
      %parallel_loop3A_177 = vector.shape_cast %parallel_loop3A_176 : vector<1x16xf32> to vector<16xf32>
      %parallel_loop3A_178 = vector.shape_cast %parallel_loop3A_173 : vector<16xf32> to vector<1x16xf32>
      tpu.vector_store %arg8[%parallel_loop3A_174, %parallel_loop3A_175], %parallel_loop3A_178 {strides = array<i32>} : memref<80x128xf32, #tpu.memory_space<vmem>>, vector<1x16xf32>,
      %parallel_loop3A_179 = arith.index_cast %parallel_loop3A_164 : i32 to index
      %parallel_loop3A_180 = arith.constant 16 : index
      %parallel_loop3A_181 = tpu.vector_load %arg8[%parallel_loop3A_179, %parallel_loop3A_180] {strides = array<i32>} : memref<80x128xf32, #tpu.memory_space<vmem>>, vector<1x16xf32>,
      %parallel_loop3A_182 = vector.shape_cast %parallel_loop3A_181 : vector<1x16xf32> to vector<16xf32>
      %parallel_loop3A_183 = arith.index_cast %parallel_loop3A_164 : i32 to index
      %parallel_loop3A_184 = arith.constant 16 : index
      %parallel_loop3A_185 = tpu.vector_load %arg10[%parallel_loop3A_183, %parallel_loop3A_184] {strides = array<i32>} : memref<80x128xf32, #tpu.memory_space<vmem>>, vector<1x16xf32>,
      %parallel_loop3A_186 = vector.shape_cast %parallel_loop3A_185 : vector<1x16xf32> to vector<16xf32>
      %parallel_loop3A_187 = arith.mulf %parallel_loop3A_182, %parallel_loop3A_186 : vector<16xf32>
      %parallel_loop3A_188 = arith.index_cast %parallel_loop3A_164 : i32 to index
      %parallel_loop3A_189 = arith.constant 16 : index
      %parallel_loop3A_190 = tpu.vector_load %arg8[%parallel_loop3A_188, %parallel_loop3A_189] {strides = array<i32>} : memref<80x128xf32, #tpu.memory_space<vmem>>, vector<1x16xf32>,
      %parallel_loop3A_191 = vector.shape_cast %parallel_loop3A_190 : vector<1x16xf32> to vector<16xf32>
      %parallel_loop3A_192 = vector.shape_cast %parallel_loop3A_187 : vector<16xf32> to vector<1x16xf32>
      tpu.vector_store %arg8[%parallel_loop3A_188, %parallel_loop3A_189], %parallel_loop3A_192 {strides = array<i32>} : memref<80x128xf32, #tpu.memory_space<vmem>>, vector<1x16xf32>,
      %parallel_loop3A_193 = arith.index_cast %parallel_loop3A_164 : i32 to index
      %parallel_loop3A_194 = arith.constant 32 : index
      %parallel_loop3A_195 = tpu.vector_load %arg8[%parallel_loop3A_193, %parallel_loop3A_194] {strides = array<i32>} : memref<80x128xf32, #tpu.memory_space<vmem>>, vector<1x16xf32>,
      %parallel_loop3A_196 = vector.shape_cast %parallel_loop3A_195 : vector<1x16xf32> to vector<16xf32>
      %parallel_loop3A_197 = arith.index_cast %parallel_loop3A_164 : i32 to index
      %parallel_loop3A_198 = arith.constant 32 : index
      %parallel_loop3A_199 = tpu.vector_load %arg10[%parallel_loop3A_197, %parallel_loop3A_198] {strides = array<i32>} : memref<80x128xf32, #tpu.memory_space<vmem>>, vector<1x16xf32>,
      %parallel_loop3A_200 = vector.shape_cast %parallel_loop3A_199 : vector<1x16xf32> to vector<16xf32>
      %parallel_loop3A_201 = arith.mulf %parallel_loop3A_196, %parallel_loop3A_200 : vector<16xf32>
      %parallel_loop3A_202 = arith.index_cast %parallel_loop3A_164 : i32 to index
      %parallel_loop3A_203 = arith.constant 32 : index
      %parallel_loop3A_204 = tpu.vector_load %arg8[%parallel_loop3A_202, %parallel_loop3A_203] {strides = array<i32>} : memref<80x128xf32, #tpu.memory_space<vmem>>, vector<1x16xf32>,
      %parallel_loop3A_205 = vector.shape_cast %parallel_loop3A_204 : vector<1x16xf32> to vector<16xf32>
      %parallel_loop3A_206 = vector.shape_cast %parallel_loop3A_201 : vector<16xf32> to vector<1x16xf32>
      tpu.vector_store %arg8[%parallel_loop3A_202, %parallel_loop3A_203], %parallel_loop3A_206 {strides = array<i32>} : memref<80x128xf32, #tpu.memory_space<vmem>>, vector<1x16xf32>,
      %parallel_loop3A_207 = arith.index_cast %parallel_loop3A_164 : i32 to index
      %parallel_loop3A_208 = arith.constant 48 : index
      %parallel_loop3A_209 = tpu.vector_load %arg8[%parallel_loop3A_207, %parallel_loop3A_208] {strides = array<i32>} : memref<80x128xf32, #tpu.memory_space<vmem>>, vector<1x16xf32>,
      %parallel_loop3A_210 = vector.shape_cast %parallel_loop3A_209 : vector<1x16xf32> to vector<16xf32>
      %parallel_loop3A_211 = arith.index_cast %parallel_loop3A_164 : i32 to index
      %parallel_loop3A_212 = arith.constant 48 : index
      %parallel_loop3A_213 = tpu.vector_load %arg10[%parallel_loop3A_211, %parallel_loop3A_212] {strides = array<i32>} : memref<80x128xf32, #tpu.memory_space<vmem>>, vector<1x16xf32>,
      %parallel_loop3A_214 = vector.shape_cast %parallel_loop3A_213 : vector<1x16xf32> to vector<16xf32>
      %parallel_loop3A_215 = arith.mulf %parallel_loop3A_210, %parallel_loop3A_214 : vector<16xf32>
      %parallel_loop3A_216 = arith.index_cast %parallel_loop3A_164 : i32 to index
      %parallel_loop3A_217 = arith.constant 48 : index
      %parallel_loop3A_218 = tpu.vector_load %arg8[%parallel_loop3A_216, %parallel_loop3A_217] {strides = array<i32>} : memref<80x128xf32, #tpu.memory_space<vmem>>, vector<1x16xf32>,
      %parallel_loop3A_219 = vector.shape_cast %parallel_loop3A_218 : vector<1x16xf32> to vector<16xf32>
      %parallel_loop3A_220 = vector.shape_cast %parallel_loop3A_215 : vector<16xf32> to vector<1x16xf32>
      tpu.vector_store %arg8[%parallel_loop3A_216, %parallel_loop3A_217], %parallel_loop3A_220 {strides = array<i32>} : memref<80x128xf32, #tpu.memory_space<vmem>>, vector<1x16xf32>,
      %parallel_loop3A_221 = arith.index_cast %parallel_loop3A_164 : i32 to index
      %parallel_loop3A_222 = arith.constant 64 : index
      %parallel_loop3A_223 = tpu.vector_load %arg8[%parallel_loop3A_221, %parallel_loop3A_222] {strides = array<i32>} : memref<80x128xf32, #tpu.memory_space<vmem>>, vector<1x16xf32>,
      %parallel_loop3A_224 = vector.shape_cast %parallel_loop3A_223 : vector<1x16xf32> to vector<16xf32>
      %parallel_loop3A_225 = arith.index_cast %parallel_loop3A_164 : i32 to index
      %parallel_loop3A_226 = arith.constant 64 : index
      %parallel_loop3A_227 = tpu.vector_load %arg10[%parallel_loop3A_225, %parallel_loop3A_226] {strides = array<i32>} : memref<80x128xf32, #tpu.memory_space<vmem>>, vector<1x16xf32>,
      %parallel_loop3A_228 = vector.shape_cast %parallel_loop3A_227 : vector<1x16xf32> to vector<16xf32>
      %parallel_loop3A_229 = arith.mulf %parallel_loop3A_224, %parallel_loop3A_228 : vector<16xf32>
      %parallel_loop3A_230 = arith.index_cast %parallel_loop3A_164 : i32 to index
      %parallel_loop3A_231 = arith.constant 64 : index
      %parallel_loop3A_232 = tpu.vector_load %arg8[%parallel_loop3A_230, %parallel_loop3A_231] {strides = array<i32>} : memref<80x128xf32, #tpu.memory_space<vmem>>, vector<1x16xf32>,
      %parallel_loop3A_233 = vector.shape_cast %parallel_loop3A_232 : vector<1x16xf32> to vector<16xf32>
      %parallel_loop3A_234 = vector.shape_cast %parallel_loop3A_229 : vector<16xf32> to vector<1x16xf32>
      tpu.vector_store %arg8[%parallel_loop3A_230, %parallel_loop3A_231], %parallel_loop3A_234 {strides = array<i32>} : memref<80x128xf32, #tpu.memory_space<vmem>>, vector<1x16xf32>,
      %parallel_loop3A_235 = arith.index_cast %parallel_loop3A_164 : i32 to index
      %parallel_loop3A_236 = arith.constant 80 : index
      %parallel_loop3A_237 = tpu.vector_load %arg8[%parallel_loop3A_235, %parallel_loop3A_236] {strides = array<i32>} : memref<80x128xf32, #tpu.memory_space<vmem>>, vector<1x16xf32>,
      %parallel_loop3A_238 = vector.shape_cast %parallel_loop3A_237 : vector<1x16xf32> to vector<16xf32>
      %parallel_loop3A_239 = arith.index_cast %parallel_loop3A_164 : i32 to index
      %parallel_loop3A_240 = arith.constant 80 : index
      %parallel_loop3A_241 = tpu.vector_load %arg10[%parallel_loop3A_239, %parallel_loop3A_240] {strides = array<i32>} : memref<80x128xf32, #tpu.memory_space<vmem>>, vector<1x16xf32>,
      %parallel_loop3A_242 = vector.shape_cast %parallel_loop3A_241 : vector<1x16xf32> to vector<16xf32>
      %parallel_loop3A_243 = arith.mulf %parallel_loop3A_238, %parallel_loop3A_242 : vector<16xf32>
      %parallel_loop3A_244 = arith.index_cast %parallel_loop3A_164 : i32 to index
      %parallel_loop3A_245 = arith.constant 80 : index
      %parallel_loop3A_246 = tpu.vector_load %arg8[%parallel_loop3A_244, %parallel_loop3A_245] {strides = array<i32>} : memref<80x128xf32, #tpu.memory_space<vmem>>, vector<1x16xf32>,
      %parallel_loop3A_247 = vector.shape_cast %parallel_loop3A_246 : vector<1x16xf32> to vector<16xf32>
      %parallel_loop3A_248 = vector.shape_cast %parallel_loop3A_243 : vector<16xf32> to vector<1x16xf32>
      tpu.vector_store %arg8[%parallel_loop3A_244, %parallel_loop3A_245], %parallel_loop3A_248 {strides = array<i32>} : memref<80x128xf32, #tpu.memory_space<vmem>>, vector<1x16xf32>,
      %parallel_loop3A_249 = arith.index_cast %parallel_loop3A_164 : i32 to index
      %parallel_loop3A_250 = arith.constant 96 : index
      %parallel_loop3A_251 = tpu.vector_load %arg8[%parallel_loop3A_249, %parallel_loop3A_250] {strides = array<i32>} : memref<80x128xf32, #tpu.memory_space<vmem>>, vector<1x16xf32>,
      %parallel_loop3A_252 = vector.shape_cast %parallel_loop3A_251 : vector<1x16xf32> to vector<16xf32>
      %parallel_loop3A_253 = arith.index_cast %parallel_loop3A_164 : i32 to index
      %parallel_loop3A_254 = arith.constant 96 : index
      %parallel_loop3A_255 = tpu.vector_load %arg10[%parallel_loop3A_253, %parallel_loop3A_254] {strides = array<i32>} : memref<80x128xf32, #tpu.memory_space<vmem>>, vector<1x16xf32>,
      %parallel_loop3A_256 = vector.shape_cast %parallel_loop3A_255 : vector<1x16xf32> to vector<16xf32>
      %parallel_loop3A_257 = arith.mulf %parallel_loop3A_252, %parallel_loop3A_256 : vector<16xf32>
      %parallel_loop3A_258 = arith.index_cast %parallel_loop3A_164 : i32 to index
      %parallel_loop3A_259 = arith.constant 96 : index
      %parallel_loop3A_260 = tpu.vector_load %arg8[%parallel_loop3A_258, %parallel_loop3A_259] {strides = array<i32>} : memref<80x128xf32, #tpu.memory_space<vmem>>, vector<1x16xf32>,
      %parallel_loop3A_261 = vector.shape_cast %parallel_loop3A_260 : vector<1x16xf32> to vector<16xf32>
      %parallel_loop3A_262 = vector.shape_cast %parallel_loop3A_257 : vector<16xf32> to vector<1x16xf32>
      tpu.vector_store %arg8[%parallel_loop3A_258, %parallel_loop3A_259], %parallel_loop3A_262 {strides = array<i32>} : memref<80x128xf32, #tpu.memory_space<vmem>>, vector<1x16xf32>,
      %parallel_loop3A_263 = arith.index_cast %parallel_loop3A_164 : i32 to index
      %parallel_loop3A_264 = arith.constant 112 : index
      %parallel_loop3A_265 = tpu.vector_load %arg8[%parallel_loop3A_263, %parallel_loop3A_264] {strides = array<i32>} : memref<80x128xf32, #tpu.memory_space<vmem>>, vector<1x16xf32>,
      %parallel_loop3A_266 = vector.shape_cast %parallel_loop3A_265 : vector<1x16xf32> to vector<16xf32>
      %parallel_loop3A_267 = arith.index_cast %parallel_loop3A_164 : i32 to index
      %parallel_loop3A_268 = arith.constant 112 : index
      %parallel_loop3A_269 = tpu.vector_load %arg10[%parallel_loop3A_267, %parallel_loop3A_268] {strides = array<i32>} : memref<80x128xf32, #tpu.memory_space<vmem>>, vector<1x16xf32>,
      %parallel_loop3A_270 = vector.shape_cast %parallel_loop3A_269 : vector<1x16xf32> to vector<16xf32>
      %parallel_loop3A_271 = arith.mulf %parallel_loop3A_266, %parallel_loop3A_270 : vector<16xf32>
      %parallel_loop3A_272 = arith.index_cast %parallel_loop3A_164 : i32 to index
      %parallel_loop3A_273 = arith.constant 112 : index
      %parallel_loop3A_274 = tpu.vector_load %arg8[%parallel_loop3A_272, %parallel_loop3A_273] {strides = array<i32>} : memref<80x128xf32, #tpu.memory_space<vmem>>, vector<1x16xf32>,
      %parallel_loop3A_275 = vector.shape_cast %parallel_loop3A_274 : vector<1x16xf32> to vector<16xf32>
      %parallel_loop3A_276 = vector.shape_cast %parallel_loop3A_271 : vector<16xf32> to vector<1x16xf32>
      tpu.vector_store %arg8[%parallel_loop3A_272, %parallel_loop3A_273], %parallel_loop3A_276 {strides = array<i32>} : memref<80x128xf32, #tpu.memory_space<vmem>>, vector<1x16xf32>,
    } {sc.loop_unroll_factor = 4 : i64, sc.parallel_access}
    %add3A_143 = arith.constant 1 : i32
    %add3A_144 = arith.addi %sub3A_107, %add3A_143 : i32
    %mul3A_145 = arith.constant 80 : i32
    %mul3A_146 = arith.muli %add3A_144, %mul3A_145 : i32
    %add3A_147 = arith.addi %select_n3A, %mul3A_146 : i32
    %dma_wait3A_148 = tpu.memref_slice %arg3[%add3A_147] : memref<320000xi32, #tpu.memory_space<hbm>> -> memref<80xi32, #tpu.memory_space<hbm>>
    %dma_wait3A_149 = tpu.memref_slice %arg3[%add3A_147] : memref<320000xi32, #tpu.memory_space<hbm>> -> memref<80xi32, #tpu.memory_space<hbm>>
    tpu.wait_dma2 semaphore(%arg25 : memref<!tpu.dma_semaphore, #tpu.memory_space<semaphore_mem>>) src(%dma_wait3A_149 : memref<80xi32, #tpu.memory_space<hbm>>) dst(%arg14 : memref<80xi32, #tpu.memory_space<vmem>>)
    %dma_start3A_150 = arith.constant 0 : i32
    %dma_start3A_151 = arith.constant 0 : i32
    %dma_start3A_152 = tpu.memref_slice %arg15[%dma_start3A_150, %dma_start3A_151] : memref<10240x128xf32, #tpu.memory_space<vmem_shared>> -> memref<10240x128xf32, #tpu.memory_space<vmem_shared>>
    tpu.enqueue_indirect_dma source(%arg8 : memref<80x128xf32, #tpu.memory_space<vmem>>) target(%dma_start3A_152 : memref<10240x128xf32, #tpu.memory_space<vmem_shared>>) offsets(%arg14 : memref<80xi32, #tpu.memory_space<vmem>>) semaphore(%arg21 : memref<!tpu.dma_semaphore, #tpu.memory_space<semaphore_mem>>) {add = true}
    %dma_wait3A_153 = arith.constant 0 : i32
    %dma_wait3A_154 = arith.constant 0 : i32
    %dma_wait3A_155 = tpu.memref_slice %arg15[%dma_wait3A_153, %dma_wait3A_154] : memref<10240x128xf32, #tpu.memory_space<vmem_shared>> -> memref<10240x128xf32, #tpu.memory_space<vmem_shared>>
    tpu.wait_indirect_dma semaphore(%arg20 : memref<!tpu.dma_semaphore, #tpu.memory_space<semaphore_mem>>) src(%arg7 : memref<80x128xf32, #tpu.memory_space<vmem>>) dst(%dma_wait3A_155 : memref<10240x128xf32, #tpu.memory_space<vmem_shared>>)
    %dma_wait3A_156 = arith.constant 0 : i32
    %dma_wait3A_157 = arith.constant 0 : i32
    %dma_wait3A_158 = tpu.memref_slice %arg15[%dma_wait3A_156, %dma_wait3A_157] : memref<10240x128xf32, #tpu.memory_space<vmem_shared>> -> memref<10240x128xf32, #tpu.memory_space<vmem_shared>>
    tpu.wait_indirect_dma semaphore(%arg21 : memref<!tpu.dma_semaphore, #tpu.memory_space<semaphore_mem>>) src(%arg8 : memref<80x128xf32, #tpu.memory_space<vmem>>) dst(%dma_wait3A_158 : memref<10240x128xf32, #tpu.memory_space<vmem_shared>>)
    %barrier3A_159 = arith.constant 0 : index
    tpu.barrier barrier_id(%barrier3A_159)
    %mul3A_160 = arith.constant 640 : i32
    %mul3A_161 = arith.muli %arg1, %mul3A_160 : i32
    %mul3A_162 = arith.constant 640 : i32
    %mul3A_163 = arith.muli %arg1, %mul3A_162 : i32
    "tpu.region"() ({
      %run_scoped3A = tpu.sem_alloc : memref<!tpu.dma_semaphore, #tpu.memory_space<semaphore_mem>>
      %dma_start3A_164 = arith.constant 0 : i32
      %dma_start3A_165 = tpu.memref_slice %arg6[%arg0, %mul3A_163, %dma_start3A_164] : memref<2x10240x128xf32, #tpu.memory_space<hbm>> -> memref<1x640x128xf32, #tpu.memory_space<hbm>>
      %dma_start3A_166 = tpu.memref_squeeze %dma_start3A_165 : memref<1x640x128xf32, #tpu.memory_space<hbm>> -> memref<640x128xf32, #tpu.memory_space<hbm>>
      %dma_start3A_167 = arith.constant 0 : i32
      %dma_start3A_168 = tpu.memref_slice %arg15[%mul3A_161, %dma_start3A_167] : memref<10240x128xf32, #tpu.memory_space<vmem_shared>> -> memref<640x128xf32, #tpu.memory_space<vmem_shared>>
      tpu.enqueue_dma source(%dma_start3A_168 : memref<640x128xf32, #tpu.memory_space<vmem_shared>>) target(%dma_start3A_166 : memref<640x128xf32, #tpu.memory_space<hbm>>) target_semaphore(%run_scoped3A : memref<!tpu.dma_semaphore, #tpu.memory_space<semaphore_mem>>)
      %dma_wait3A_169 = arith.constant 0 : i32
      %dma_wait3A_170 = tpu.memref_slice %arg6[%arg0, %mul3A_163, %dma_wait3A_169] : memref<2x10240x128xf32, #tpu.memory_space<hbm>> -> memref<1x640x128xf32, #tpu.memory_space<hbm>>
      %dma_wait3A_171 = tpu.memref_squeeze %dma_wait3A_170 : memref<1x640x128xf32, #tpu.memory_space<hbm>> -> memref<640x128xf32, #tpu.memory_space<hbm>>
      %dma_wait3A_172 = arith.constant 0 : i32
      %dma_wait3A_173 = tpu.memref_slice %arg15[%mul3A_161, %dma_wait3A_172] : memref<10240x128xf32, #tpu.memory_space<vmem_shared>> -> memref<640x128xf32, #tpu.memory_space<vmem_shared>>
      tpu.wait_dma2 semaphore(%run_scoped3A : memref<!tpu.dma_semaphore, #tpu.memory_space<semaphore_mem>>) src(%dma_wait3A_173 : memref<640x128xf32, #tpu.memory_space<vmem_shared>>) dst(%dma_wait3A_171 : memref<640x128xf32, #tpu.memory_space<hbm>>)
      tpu.yield
    }) : () -> ()
    return
  }
}

module attributes {stable_mosaic.version = 14 : i64} {
  func.func @_filter_body(%arg0: i32, %arg1: memref<16000x20xf32, #tpu.memory_space<vmem>>, %arg2: memref<20x128xf32, #tpu.memory_space<vmem>>, %arg3: memref<1x128xf32, #tpu.memory_space<vmem>>, %arg4: memref<128x128xf32, #tpu.memory_space<vmem>>, %arg5: memref<1x128xf32, #tpu.memory_space<vmem>>, %arg6: memref<16000x128xf32, #tpu.memory_space<vmem>>) attributes {dimension_semantics = [#tpu.dimension_semantics<arbitrary>], iteration_bounds = array<i64: 20>, scalar_prefetch = 0 : i64, scratch_operands = 0 : i64, tpu.core_type = #tpu.core_type<tc>, window_params = [{transform_indices = @transform_0, window_bounds = array<i64: 16000, 20>}, {pipeline_mode = #tpu.pipeline_mode<synchronous>, transform_indices = @transform_1, window_bounds = array<i64: 20, 128>}, {pipeline_mode = #tpu.pipeline_mode<synchronous>, transform_indices = @transform_2, window_bounds = array<i64: 1, 128>}, {pipeline_mode = #tpu.pipeline_mode<synchronous>, transform_indices = @transform_3, window_bounds = array<i64: 128, 128>}, {pipeline_mode = #tpu.pipeline_mode<synchronous>, transform_indices = @transform_4, window_bounds = array<i64: 1, 128>}, {transform_indices = @transform_5, window_bounds = array<i64: 16000, 128>}]} {
    %get3A = arith.constant 0 : index
    %get3A_0 = arith.constant 0 : index
    %get3A_1 = vector.load %arg1[%get3A, %get3A_0] : memref<16000x20xf32, #tpu.memory_space<vmem>>, vector<16000x20xf32>
    %get3A_2 = arith.constant 0 : index
    %get3A_3 = arith.constant 0 : index
    %get3A_4 = vector.load %arg2[%get3A_2, %get3A_3] : memref<20x128xf32, #tpu.memory_space<vmem>>, vector<20x128xf32>
    %dot_general3A = arith.constant dense<0.000000e+00> : vector<16000x128xf32>
    %dot_general3A_5 = tpu.matmul %get3A_1, %get3A_4, %dot_general3A {dimension_numbers = #tpu.dot_dimension_numbers<[1], [0], [0], [1], [0, 0, 1, 1], [], []>, transpose_lhs_hint = false} : vector<16000x20xf32>, vector<20x128xf32>, vector<16000x128xf32> -> vector<16000x128xf32>
    %get3A_6 = arith.constant 0 : index
    %get3A_7 = arith.constant 0 : index
    %get3A_8 = vector.load %arg3[%get3A_6, %get3A_7] : memref<1x128xf32, #tpu.memory_space<vmem>>, vector<1x128xf32>
    %add3A = vector.broadcast %get3A_8 : vector<1x128xf32> to vector<16000x128xf32>
    %add3A_9 = arith.addf %dot_general3A_5, %add3A : vector<16000x128xf32>
    %logistic3A = arith.negf %add3A_9 : vector<16000x128xf32>
    %logistic3A_10 = math.exp %logistic3A : vector<16000x128xf32>
    %logistic3A_11 = arith.constant 1.000000e+00 : f32
    %logistic3A_12 = vector.broadcast %logistic3A_11 : f32 to vector<16000x128xf32>
    %logistic3A_13 = arith.addf %logistic3A_12, %logistic3A_10 : vector<16000x128xf32>
    %logistic3A_14 = arith.divf %logistic3A_12, %logistic3A_13 : vector<16000x128xf32>
    %mul3A = arith.mulf %add3A_9, %logistic3A_14 : vector<16000x128xf32>
    %get3A_15 = arith.constant 0 : index
    %get3A_16 = arith.constant 0 : index
    %get3A_17 = vector.load %arg4[%get3A_15, %get3A_16] : memref<128x128xf32, #tpu.memory_space<vmem>>, vector<128x128xf32>
    %dot_general3A_18 = arith.constant dense<0.000000e+00> : vector<16000x128xf32>
    %dot_general3A_19 = tpu.matmul %mul3A, %get3A_17, %dot_general3A_18 {dimension_numbers = #tpu.dot_dimension_numbers<[1], [0], [0], [1], [0, 0, 1, 1], [], []>, transpose_lhs_hint = false} : vector<16000x128xf32>, vector<128x128xf32>, vector<16000x128xf32> -> vector<16000x128xf32>
    %get3A_20 = arith.constant 0 : index
    %get3A_21 = arith.constant 0 : index
    %get3A_22 = vector.load %arg5[%get3A_20, %get3A_21] : memref<1x128xf32, #tpu.memory_space<vmem>>, vector<1x128xf32>
    %add3A_23 = vector.broadcast %get3A_22 : vector<1x128xf32> to vector<16000x128xf32>
    %add3A_24 = arith.addf %dot_general3A_19, %add3A_23 : vector<16000x128xf32>
    %swap3A = arith.constant 0 : index
    %swap3A_25 = arith.constant 0 : index
    %swap3A_26 = vector.load %arg6[%swap3A, %swap3A_25] : memref<16000x128xf32, #tpu.memory_space<vmem>>, vector<16000x128xf32>
    tpu.vector_store %arg6[%swap3A, %swap3A_25], %add3A_24 {strides = array<i32>} : memref<16000x128xf32, #tpu.memory_space<vmem>>, vector<16000x128xf32>,
    return
  }
  func.func @transform_0(%arg0: i32) -> (i32, i32) {
    %c0_i32 = arith.constant 0 : i32
    %c0_i32_0 = arith.constant 0 : i32
    return %arg0, %c0_i32 : i32, i32
  }
  func.func @transform_1(%arg0: i32) -> (i32, i32) {
    %c0_i32 = arith.constant 0 : i32
    %c0_i32_0 = arith.constant 0 : i32
    %c0_i32_1 = arith.constant 0 : i32
    return %c0_i32, %c0_i32_0 : i32, i32
  }
  func.func @transform_2(%arg0: i32) -> (i32, i32) {
    %c0_i32 = arith.constant 0 : i32
    %c0_i32_0 = arith.constant 0 : i32
    %c0_i32_1 = arith.constant 0 : i32
    return %c0_i32, %c0_i32_0 : i32, i32
  }
  func.func @transform_3(%arg0: i32) -> (i32, i32) {
    %c0_i32 = arith.constant 0 : i32
    %c0_i32_0 = arith.constant 0 : i32
    %c0_i32_1 = arith.constant 0 : i32
    return %c0_i32, %c0_i32_0 : i32, i32
  }
  func.func @transform_4(%arg0: i32) -> (i32, i32) {
    %c0_i32 = arith.constant 0 : i32
    %c0_i32_0 = arith.constant 0 : i32
    %c0_i32_1 = arith.constant 0 : i32
    return %c0_i32, %c0_i32_0 : i32, i32
  }
  func.func @transform_5(%arg0: i32) -> (i32, i32) {
    %c0_i32 = arith.constant 0 : i32
    %c0_i32_0 = arith.constant 0 : i32
    return %arg0, %c0_i32 : i32, i32
  }
}

module attributes {stable_mosaic.version = 14 : i64} {
  func.func @_update_body(%arg0: memref<10000x128xf32, #tpu.memory_space<vmem>>, %arg1: memref<2x10240x128xf32, #tpu.memory_space<vmem>>, %arg2: memref<128x128xf32, #tpu.memory_space<vmem>>, %arg3: memref<1x128xf32, #tpu.memory_space<vmem>>, %arg4: memref<128x128xf32, #tpu.memory_space<vmem>>, %arg5: memref<1x128xf32, #tpu.memory_space<vmem>>, %arg6: memref<1x128xf32, #tpu.memory_space<vmem>>, %arg7: memref<1x128xf32, #tpu.memory_space<vmem>>, %arg8: memref<10000x128xf32, #tpu.memory_space<vmem>>) attributes {dimension_semantics = [], scalar_prefetch = 0 : i64, scratch_operands = 0 : i64, tpu.core_type = #tpu.core_type<tc>} {
    %get3A = arith.constant 0 : index
    %get3A_0 = arith.constant 0 : index
    %get3A_1 = arith.constant 0 : index
    %get3A_2 = vector.load %arg1[%get3A, %get3A_0, %get3A_1] : memref<2x10240x128xf32, #tpu.memory_space<vmem>>, vector<1x10000x128xf32>
    %get3A_3 = vector.shape_cast %get3A_2 : vector<1x10000x128xf32> to vector<10000x128xf32>
    %get3A_4 = arith.constant 1 : index
    %get3A_5 = arith.constant 0 : index
    %get3A_6 = arith.constant 0 : index
    %get3A_7 = vector.load %arg1[%get3A_4, %get3A_5, %get3A_6] : memref<2x10240x128xf32, #tpu.memory_space<vmem>>, vector<1x10000x128xf32>
    %get3A_8 = vector.shape_cast %get3A_7 : vector<1x10000x128xf32> to vector<10000x128xf32>
    %add3A = arith.addf %get3A_3, %get3A_8 : vector<10000x128xf32>
    %get3A_9 = arith.constant 0 : index
    %get3A_10 = arith.constant 0 : index
    %get3A_11 = vector.load %arg2[%get3A_9, %get3A_10] : memref<128x128xf32, #tpu.memory_space<vmem>>, vector<128x128xf32>
    %dot_general3A = arith.constant dense<0.000000e+00> : vector<10000x128xf32>
    %dot_general3A_12 = tpu.matmul %add3A, %get3A_11, %dot_general3A {dimension_numbers = #tpu.dot_dimension_numbers<[1], [0], [0], [1], [0, 0, 1, 1], [], []>, transpose_lhs_hint = false} : vector<10000x128xf32>, vector<128x128xf32>, vector<10000x128xf32> -> vector<10000x128xf32>
    %get3A_13 = arith.constant 0 : index
    %get3A_14 = arith.constant 0 : index
    %get3A_15 = vector.load %arg3[%get3A_13, %get3A_14] : memref<1x128xf32, #tpu.memory_space<vmem>>, vector<1x128xf32>
    %add3A_16 = vector.broadcast %get3A_15 : vector<1x128xf32> to vector<10000x128xf32>
    %add3A_17 = arith.addf %dot_general3A_12, %add3A_16 : vector<10000x128xf32>
    %logistic3A = arith.negf %add3A_17 : vector<10000x128xf32>
    %logistic3A_18 = math.exp %logistic3A : vector<10000x128xf32>
    %logistic3A_19 = arith.constant 1.000000e+00 : f32
    %logistic3A_20 = vector.broadcast %logistic3A_19 : f32 to vector<10000x128xf32>
    %logistic3A_21 = arith.addf %logistic3A_20, %logistic3A_18 : vector<10000x128xf32>
    %logistic3A_22 = arith.divf %logistic3A_20, %logistic3A_21 : vector<10000x128xf32>
    %mul3A = arith.mulf %add3A_17, %logistic3A_22 : vector<10000x128xf32>
    %get3A_23 = arith.constant 0 : index
    %get3A_24 = arith.constant 0 : index
    %get3A_25 = vector.load %arg4[%get3A_23, %get3A_24] : memref<128x128xf32, #tpu.memory_space<vmem>>, vector<128x128xf32>
    %dot_general3A_26 = arith.constant dense<0.000000e+00> : vector<10000x128xf32>
    %dot_general3A_27 = tpu.matmul %mul3A, %get3A_25, %dot_general3A_26 {dimension_numbers = #tpu.dot_dimension_numbers<[1], [0], [0], [1], [0, 0, 1, 1], [], []>, transpose_lhs_hint = false} : vector<10000x128xf32>, vector<128x128xf32>, vector<10000x128xf32> -> vector<10000x128xf32>
    %get3A_28 = arith.constant 0 : index
    %get3A_29 = arith.constant 0 : index
    %get3A_30 = vector.load %arg5[%get3A_28, %get3A_29] : memref<1x128xf32, #tpu.memory_space<vmem>>, vector<1x128xf32>
    %add3A_31 = vector.broadcast %get3A_30 : vector<1x128xf32> to vector<10000x128xf32>
    %add3A_32 = arith.addf %dot_general3A_27, %add3A_31 : vector<10000x128xf32>
    %reduce_sum3A = arith.constant dense<0.000000e+00> : vector<128xf32>
    %reduce_sum3A_33 = vector.multi_reduction <add>, %add3A_32, %reduce_sum3A [0] : vector<10000x128xf32> to vector<128xf32>
    %broadcast_in_dim3A = vector.shape_cast %reduce_sum3A_33 : vector<128xf32> to vector<1x128xf32>
    %div3A = arith.constant 1.000000e+04 : f32
    %div3A_34 = vector.broadcast %div3A : f32 to vector<1x128xf32>
    %div3A_35 = arith.divf %broadcast_in_dim3A, %div3A_34 : vector<1x128xf32>
    %sub3A = vector.broadcast %div3A_35 : vector<1x128xf32> to vector<10000x128xf32>
    %sub3A_36 = arith.subf %add3A_32, %sub3A : vector<10000x128xf32>
    %sub3A_37 = vector.broadcast %div3A_35 : vector<1x128xf32> to vector<10000x128xf32>
    %sub3A_38 = arith.subf %add3A_32, %sub3A_37 : vector<10000x128xf32>
    %mul3A_39 = arith.mulf %sub3A_36, %sub3A_38 : vector<10000x128xf32>
    %reduce_sum3A_40 = arith.constant dense<0.000000e+00> : vector<128xf32>
    %reduce_sum3A_41 = vector.multi_reduction <add>, %mul3A_39, %reduce_sum3A_40 [0] : vector<10000x128xf32> to vector<128xf32>
    %broadcast_in_dim3A_42 = vector.shape_cast %reduce_sum3A_41 : vector<128xf32> to vector<1x128xf32>
    %div3A_43 = arith.constant 1.000000e+04 : f32
    %div3A_44 = vector.broadcast %div3A_43 : f32 to vector<1x128xf32>
    %div3A_45 = arith.divf %broadcast_in_dim3A_42, %div3A_44 : vector<1x128xf32>
    %get3A_46 = arith.constant 0 : index
    %get3A_47 = arith.constant 0 : index
    %get3A_48 = vector.load %arg6[%get3A_46, %get3A_47] : memref<1x128xf32, #tpu.memory_space<vmem>>, vector<1x128xf32>
    %sub3A_49 = vector.broadcast %div3A_35 : vector<1x128xf32> to vector<10000x128xf32>
    %sub3A_50 = arith.subf %add3A_32, %sub3A_49 : vector<10000x128xf32>
    %mul3A_51 = vector.broadcast %get3A_48 : vector<1x128xf32> to vector<10000x128xf32>
    %mul3A_52 = arith.mulf %mul3A_51, %sub3A_50 : vector<10000x128xf32>
    %add3A_53 = arith.constant 9.99999974E-6 : f32
    %add3A_54 = vector.broadcast %add3A_53 : f32 to vector<1x128xf32>
    %add3A_55 = arith.addf %div3A_45, %add3A_54 : vector<1x128xf32>
    %rsqrt3A = math.rsqrt %add3A_55 : vector<1x128xf32>
    %mul3A_56 = vector.broadcast %rsqrt3A : vector<1x128xf32> to vector<10000x128xf32>
    %mul3A_57 = arith.mulf %mul3A_52, %mul3A_56 : vector<10000x128xf32>
    %get3A_58 = arith.constant 0 : index
    %get3A_59 = arith.constant 0 : index
    %get3A_60 = vector.load %arg7[%get3A_58, %get3A_59] : memref<1x128xf32, #tpu.memory_space<vmem>>, vector<1x128xf32>
    %add3A_61 = vector.broadcast %get3A_60 : vector<1x128xf32> to vector<10000x128xf32>
    %add3A_62 = arith.addf %mul3A_57, %add3A_61 : vector<10000x128xf32>
    %get3A_63 = arith.constant 0 : index
    %get3A_64 = arith.constant 0 : index
    %get3A_65 = vector.load %arg0[%get3A_63, %get3A_64] : memref<10000x128xf32, #tpu.memory_space<vmem>>, vector<10000x128xf32>
    %add3A_66 = arith.addf %get3A_65, %add3A_62 : vector<10000x128xf32>
    %swap3A = arith.constant 0 : index
    %swap3A_67 = arith.constant 0 : index
    %swap3A_68 = vector.load %arg8[%swap3A, %swap3A_67] : memref<10000x128xf32, #tpu.memory_space<vmem>>, vector<10000x128xf32>
    tpu.vector_store %arg8[%swap3A, %swap3A_67], %add3A_66 {strides = array<i32>} : memref<10000x128xf32, #tpu.memory_space<vmem>>, vector<10000x128xf32>,
    return
  }
}

</mosaic_0001>

<sc_bundles>
// kernel: kernel.5.cloned.1.call-start
scs
__scs_entry_jumppad:
0x0: {  	(pc) =	sbr.rel $0x88, $3  }
0x1: {  	(tag) =	ssettag $0x0;
	lr =	simm.s32 $0x1  }
0x2: {  	[smem:$0x3F94] =	sst lr;
	_ =	strace $0xD0000000  }
0x3: {  	_ = 	snop  }
0x4: {  	_ = 	snop  }
0x5: {  	_ = 	snop  }
0x6: {  	_ = 	snop  }
0x7: {  	_ = 	snop  }
__scs_overlays_trampoline_lowered:
0x8: {  	[smem:$0x3FA3] =	sst s0  }
0x9: {  	[smem:$0x3FA4] =	sst s1  }
0xa: {  	[smem:$0x3FA5] =	sst s2  }
0xb: {  	[smem:$0x3FA6] =	sst s3  }
0xc: {  	[smem:$0x3FA7] =	sst s4  }
0xd: {  	[smem:$0x3FA8] =	sst s5  }
0xe: {  	[smem:$0x3FA9] =	sst s6  }
0xf: {  	[smem:$0x3FAA] =	sst s7  }
0x10: {  	[smem:$0x3FAB] =	sst s8  }
0x11: {  	[smem:$0x3FAC] =	sst s9;
	s0 =	simm.s32 @!p0 $0x0  }
0x12: {  	s1 =	sld [smem:$0x3F92];
	s0 =	simm.s32 @p0 $0x1  }
0x13: {  	[smem:$0x3FAD] =	sst s0;
	s0 =	simm.s32 @!p1 $0x0  }
0x14: {  	s2 =	sld [smem:$0x3F91];
	s0 =	simm.s32 @p1 $0x1  }
0x15: {  	[smem:$0x3FAE] =	sst s0;
	s0 =	simm.s32 @!p2 $0x0  }
0x16: {  	s3 =	sld [smem:$0x3FDB];
	s0 =	simm.s32 @p2 $0x1  }
0x17: {  	s4 =	simm.s32 $0x1BF5;
	[smem:$0x3FB0] =	sst s0  }
0x18: {  	s0 =	sld [smem:$0x3F93];
	_ =	swait.ge [sflag:s4], $0x0  }
0x19: {  	s7 =	sld [smem:$0x3F94]  }
0x1a: {  	s8 =	sadd.s32 $0xFFFFE003, lr  }
0x1b: {  	s9 =	sadd.s32 $0xFFFFFEF7, lr;
	s5 =	simm.s32 $0xFFFFFFFF;
	p2 =	slt.u32 s8, $0xFFFFF086  }
0x1c: {  	p1 =	slt.u32 s9, $0xF7A;
	s5 =	simm.s32 @!p2 $0x0  }
0x1d: {  	s5 =	simm.s32 @p1 $0x1;
	p0 =	seq.s32 s7, s2  }
0x1e: {  	s7 =	smul.u32 @!p0 $0xF7A, s2;
	p2 =	seq.s32 @!p0 s5, $0x0  }
0x1f: {  	s9 =	smul.u32 $0xF7A, s1;
	s8 =	simm.s32 @!p0 $0x1BF5;
	p2 =	por !p2, p0  }
0x20: {  	[sflag:s8] =	ssyncset.s32 @!p0 $0xFFFFF086;
	s6 =	sadd.s32 @!p0 s3, s7;
	s7 =	simm.s32 @!p0 $0x108  }
0x21: {  	s3 =	sadd.s32 s3, s9;
	s6 =	sadd.s32 @!p0 $0x88, s6;
	s7 =	simm.s32 @p2 $0x1082  }
0x22: {  	[simem:s7], [sflag:s8] =	dma.local @!p0 [hbm:s6], $0xF7A  }
0x23: {  	s9 =	sor.u32 $0xD0000000, s2;
	s6 =	simm.s32 $0x108;
	_ =	swait.ge @!p0 [sflag:s8], $0x0  }
0x24: {  	s3 =	sadd.s32 $0x88, s3;
	s6 =	simm.s32 @!p1 $0x1082;
	[sflag:s4] =	ssyncset.s32 $0xFFFFF086  }
0x25: {  	[simem:s6], [sflag:s4] =	dma.local [hbm:s3], $0xF7A  }
0x26: {  	[smem:$0x3F94] =	sst s1;
	(tag) =	ssettag s2;
	_ =	strace s9  }
0x27: {  	s1 =	sld [smem:$0x3FA4]  }
0x28: {  	s2 =	sld [smem:$0x3FA5]  }
0x29: {  	s4 =	sld [smem:$0x3FA7]  }
0x2a: {  	p0 =	seq.s32 s5, $0x0;
	s5 =	sld [smem:$0x3FA8]  }
0x2b: {  	s6 =	sld [smem:$0x3FA9]  }
0x2c: {  	s7 =	sld [smem:$0x3FAA]  }
0x2d: {  	s3 =	simm.s32 $0x108;
	s8 =	sld [smem:$0x3FAB]  }
0x2e: {  	s3 =	simm.s32 @!p0 $0x1082;
	s9 =	sld [smem:$0x3FAC]  }
0x2f: {  	lr =	sadd.s32 s0, s3;
	s0 =	sld [smem:$0x3FA3]  }
0x30: {  	s3 =	sld [smem:$0x3FA6]  }
0x31: {  	[smem:$0x3FAF] =	sst s10  }
0x32: {  	s10 =	sld [smem:$0x3FAD];
	_ =	sdelay $0x3  }
0x33: {  	p0 =	seq.s32 s10, $0x1;
	s10 =	sld [smem:$0x3FAF];
	_ =	sdelay $0x3  }
0x34: {  	[smem:$0x3FAF] =	sst s10  }
0x35: {  	s10 =	sld [smem:$0x3FAE];
	_ =	sdelay $0x3  }
0x36: {  	p1 =	seq.s32 s10, $0x1;
	s10 =	sld [smem:$0x3FAF];
	_ =	sdelay $0x3  }
0x37: {  	[smem:$0x3FAF] =	sst s10  }
0x38: {  	s10 =	sld [smem:$0x3FB0]  }
0x39: {  	_ = 	snop;
	(pc) =	sbr.ind lr, $3  }
0x3a: {  	_ = 	snop  }
0x3b: {  	_ = 	snop  }
0x3c: {  	p2 =	seq.s32 s10, $0x1;
	s10 =	sld [smem:$0x3FAF]  }
0x3d: {  	_ =	shalt  }
0x3e: {  	_ =	shalt  }
0x3f: {  	_ =	shalt  }
0x40: {  	_ =	shalt  }
0x41: {  	_ =	shalt  }
0x42: {  	_ =	shalt  }
0x43: {  	_ =	shalt  }
0x44: {  	_ =	shalt  }
0x45: {  	_ =	shalt  }
0x46: {  	_ =	shalt  }
0x47: {  	_ =	shalt  }
0x48: {  	_ =	shalt  }
0x49: {  	_ =	shalt  }
0x4a: {  	_ =	shalt  }
0x4b: {  	_ =	shalt  }
0x4c: {  	_ =	shalt  }
0x4d: {  	_ =	shalt  }
0x4e: {  	_ =	shalt  }
0x4f: {  	_ =	shalt  }
0x50: {  	_ =	shalt  }
0x51: {  	_ =	shalt  }
0x52: {  	_ =	shalt  }
0x53: {  	_ =	shalt  }
0x54: {  	_ =	shalt  }
0x55: {  	_ =	shalt  }
0x56: {  	_ =	shalt  }
0x57: {  	_ =	shalt  }
0x58: {  	_ =	shalt  }
0x59: {  	_ =	shalt  }
0x5a: {  	_ =	shalt  }
0x5b: {  	_ =	shalt  }
0x5c: {  	_ =	shalt  }
0x5d: {  	_ =	shalt  }
0x5e: {  	_ =	shalt  }
0x5f: {  	_ =	shalt  }
0x60: {  	_ =	shalt  }
0x61: {  	_ =	shalt  }
0x62: {  	_ =	shalt  }
0x63: {  	_ =	shalt  }
0x64: {  	_ =	shalt  }
0x65: {  	_ =	shalt  }
0x66: {  	_ =	shalt  }
0x67: {  	_ =	shalt  }
0x68: {  	_ =	shalt  }
0x69: {  	_ =	shalt  }
0x6a: {  	_ =	shalt  }
0x6b: {  	_ =	shalt  }
0x6c: {  	_ =	shalt  }
0x6d: {  	_ =	shalt  }
0x6e: {  	_ =	shalt  }
0x6f: {  	_ =	shalt  }
0x70: {  	_ =	shalt  }
0x71: {  	_ =	shalt  }
0x72: {  	_ =	shalt  }
0x73: {  	_ =	shalt  }
0x74: {  	_ =	shalt  }
0x75: {  	_ =	shalt  }
0x76: {  	_ =	shalt  }
0x77: {  	_ =	shalt  }
0x78: {  	_ =	shalt  }
0x79: {  	_ =	shalt  }
0x7a: {  	_ =	shalt  }
0x7b: {  	_ =	shalt  }
0x7c: {  	_ =	shalt  }
0x7d: {  	_ =	shalt  }
0x7e: {  	_ =	shalt  }
0x7f: {  	_ =	shalt  }
0x80: {  	_ =	shalt  }
0x81: {  	_ =	shalt  }
0x82: {  	_ =	shalt  }
0x83: {  	_ =	shalt  }
0x84: {  	_ =	shalt  }
0x85: {  	_ =	shalt  }
0x86: {  	_ =	shalt  }
0x87: {  	_ =	shalt  }
.Lfunc_end0:
.L_simem_size_0:
called_computation_lowered:
.L_overlay_start_0:
0x88: {  	s2 =	sld [smem:$0x3FD9]  }
0x89: {  	s3 =	sld [smem:$0x3FFE];
	_ =	sdelay $0x1  }
0x8a: {  	s1 =	srdreg.scid  }
0x8b: {  	s0 =	sand.u32 $0x1, s1  }
0x8c: {  	s17 =	sshll.u32 s0, $0xA;
	s2 =	sadd.s32 s3, s2  }
0x8d: {  	s2 =	sadd.s32 s2, s17  }
0x8e: {  	[smem:$0x3FBB] =	sst s2  }
0x8f: {  	_ = 	snop  }
0x90: {  	s2 =	sld [smem:$0x3FC9]  }
0x91: {  	s18 =	sld [smem:$0x3FD0];
	(tm) =	ssettm $0x1  }
0x92: {  	s4 =	sld [smem:$0x3FFB];
	_ =	sdelay $0x3  }
0x93: {  	_ =	strace s4  }
0x94: {  	s4 =	sld [smem:$0x3FFC];
	_ =	sdelay $0x3  }
0x95: {  	_ =	strace s4  }
0x96: {  	s4 =	sld [smem:$0x3FFD];
	_ =	sdelay $0x3  }
0x97: {  	_ =	strace s4  }
0x98: {  	_ =	strace $0x8FFFFFFF  }
0x99: {  	s19 =	sld [smem:$0x3FDB];
	_ =	sdelay $0x1  }
0x9a: {  	s5 =	simm.s32 $_scs_section_size  }
0x9b: {  	s6 =	simm.s32 $_size__tile_overlayer_lowered;
	s7 =	simm.s32 $_tile_overlayer_lowered  }
0x9c: {  	s22 =	simm.s32 $0x1BFF;
	s21 =	sshll.u32 s7, $0x1;
	s4 =	sadd.s32 s5, s19  }
0x9d: {  	s8 =	simm.s32 $0x0;
	s20 =	sshll.u32 s6, $0x1;
	s6 =	sadd.s32 s21, s4  }
0x9e: {  	[timem:s8], [sflag:s22] =	dma.local [hbm:s6], s20  }
0x9f: {  	_ =	swait.ge [sflag:s22], s20  }
0xa0: {  	s5 =	ssub.s32 $0x0, s20;
	[sflag:s22] =	ssyncset.done $0x0  }
0xa1: {  	[sflag:s22] =	ssyncadd.s32 s5;
	_ =	sdelay $0x1  }
0xa2: {  	s23 =	simm.s32 $0x1B8B  }
0xa3: {  	_ =	swait.ge [sflag:s23], $0x1  }
0xa4: {  	[sflag:s23] =	ssyncset.done $0x0  }
0xa5: {  	s25 =	simm.s32 $0x1B8E;
	s24 =	sld [smem:$0x3FFE];
	[sflag:s23] =	ssyncadd.s32 $0xFFFFFFFF  }
0xa6: {  	s26 =	simm.s32 $execute0_lowered;
	[smem:$0x3FD2] =	sst s25  }
0xa7: {  	s6 =	sshll.u32 s26, $0x1;
	_ =	strace $0x80000046;
	[dreg:$0x1] =	wrdreg $0xFFFFFFFF  }
0xa8: {  	s28 =	simm.s32 $_size_execute0_lowered;
	s4 =	sadd.s32 s4, s6;
	[dreg:$0x0] =	wrdreg $0x0  }
0xa9: {  	s6 =	sshll.u32 s28, $0x1;
	[dreg:$0x2] =	wrdreg s4  }
0xaa: {  	[dreg:$0x3] =	wrdreg s6  }
0xab: {  	[dreg:$0x4] =	wrdreg $0xC0  }
0xac: {  	_ =	task [dreg:s8], $0x5FFFF  }
0xad: {  	[dreg:$0x1] =	wrdreg $0xFFFFFFFF  }
0xae: {  	[dreg:$0x0] =	wrdreg $0x60  }
0xaf: {  	[dreg:$0x2] =	wrdreg s24  }
0xb0: {  	[dreg:$0x3] =	wrdreg s18  }
0xb1: {  	[dreg:$0x4] =	wrdreg s2  }
0xb2: {  	[dreg:$0x5] =	wrdreg $0xA2000  }
0xb3: {  	[dreg:$0x6] =	wrdreg $0x9  }
0xb4: {  	_ =	task.clear_ibuf [dreg:s8], $0x7FFFF;
	_ =	strace $0x90000046  }
0xb5: {  	s29 =	simm.s32 $0x9;
	_ =	strace $0x80000048  }
0xb6: {  	_ =	swait.ge [sflag:s29], $0x1  }
0xb7: {  	[sflag:s29] =	ssyncadd.s32 $0xFFFFFFFF  }
0xb8: {  	_ =	strace $0x90000048  }
0xb9: {  	_ =	sfence  }
0xba: {  	s30 =	sld [smem:$0x0];
	_ =	sdelay $0x2  }
0xbb: {  	s31 =	sshll.u32 s1, $0xD;
	s1 =	sshrl.u32 s1, $0x2  }
0xbc: {  	s3 =	sand.u32 $0x4000, s31;
	s1 =	sadd.s32 s1, s30  }
0xbd: {  	s0 =	sor.u32 s3, s0;
	s1 =	sshll.u32 s1, $0x11  }
0xbe: {  	s0 =	sor.u32 s1, s0  }
0xbf: {  	s0 =	sadd.s32 $0x8F2B, s0  }
0xc0: {  	[sflag:s0] =	ssyncadd.remote.s32 $0x1  }
0xc1: {  	_ =	sfence.sel $0xFFFF  }
0xc2: {  	[dreg:$0x0] =	wrdreg $0xFFFFFFFF;
	(pc) =	sbr.abs _section_cstart, $3  }
0xc3: {  	[dreg:$0x1] =	wrdreg $0xFFFFFFFF  }
0xc4: {  	_ =	task.clear_ibuf [dreg:s8], $0x2FFFF;
	_ =	strace $0x9FFFFFFF  }
0xc5: {  	(tm) =	ssettm $0x7FFFFFFF  }
tec
execute0_lowered:
.L_overlay_start_1:
0x0: {  	(tag) =	ssettag $0x1  }
0x1: {  	s0 =	rddreg [dreg:$0x0]  }
0x2: {  	s10 =	rddreg [dreg:$0x1]  }
0x3: {  	s1 =	srdreg.scid;
	s4 =	rddreg [dreg:$0x3]  }
0x4: {  	s11 =	stileid.u32;
	s5 =	simm.s32 $0x0;
	s29 =	simm.s32 $0xA000  }
0x5: {  	s30 =	simm.s32 $0xA100;
	s31 =	simm.s32 $0xA080;
	s3 =	smul.u32 $0x14000, s11  }
0x6: {  	s1 =	sand.u32 $0x1, s1;
	[smem:$0x7FF] =	sst s5;
	s25 =	smul.u32 $0x50000, s11  }
0x7: {  	s6 =	sadd.s32 $0x1400, s0;
	s7 =	sadd.s32 $0x4ED200, s0;
	s2 =	smul.u32 $0x140000, s1  }
0x8: {  	s8 =	sshll.u32 s11, $0x1;
	p0 =	slt.u32 s11, $0x8;
	s11 =	simm.s32 $0x8  }
0x9: {  	_ =	strace $0x80000047;
	s26 =	ssub.s32 $0x2, s1;
	s2 =	sadd.s32 s3, s2  }
0xa: {  	s1 =	sor.u32 s1, s8;
	s3 =	sshrl.u32 s25, $0x2;
	s2 =	sshrl.u32 s2, $0x3  }
0xb: {  	s9 =	sshrl.u32 s26, $0x1;
	s13 =	sadd.s32 s3, s4;
	s0 =	sadd.s32 s2, s0  }
0xc: {  	s2 =	ssub.s32 s26, s9;
	s9 =	sadd.s32 $0x2800, s13;
	[dreg:$0x5] =	wrdreg s13  }
0xd: {  	s8 =	simm.s32 $0xB;
	s12 =	sadd.s32 $0x5000, s13;
	[dreg:$0x6] =	wrdreg s9  }
0xe: {  	s28 =	smul.u32 $0x2760, s1;
	s14 =	sadd.s32 $0x7800, s13;
	[dreg:$0x7] =	wrdreg s12  }
0xf: {  	s1 =	smul.u32 $0x26C0, s1;
	s15 =	sadd.s32 $0xA000, s13;
	[dreg:$0x8] =	wrdreg s14  }
0x10: {  	s3 =	sadd.s32 $0xFFFFF600, s28;
	s16 =	sadd.s32 $0xC800, s13;
	[dreg:$0x9] =	wrdreg s15  }
0x11: {  	s3 =	smov.u32 @p0 s1;
	s17 =	sadd.s32 $0xF000, s13;
	[dreg:$0xa] =	wrdreg s16  }
0x12: {  	s28 =	sadd.s32 $0x11800, s13;
	[dreg:$0xb] =	wrdreg s17;
	s18 =	sshrl.u32 s3, $0x3  }
0x13: {  	s19 =	sadd.s32 $0x50, s3;
	s23 =	sshll.u32 s3, $0x4;
	s25 =	sadd.s32 $0xA0, s3  }
0x14: {  	s0 =	sadd.s32 $0xB200, s0;
	s26 =	smax.u32 s2, $0x1;
	[dreg:$0x15] =	wrdreg s28  }
0x15: {  	s2 =	simm.s32 $0x7;
	s9 =	simm.s32 $0x50;
	s12 =	simm.s32 $0x2800  }
0x16: {  	s14 =	simm.s32 $0x1;
	s15 =	simm.s32 $0x3;
	[dreg:$0x12] =	wrdreg s25  }
0x17: {  	s16 =	simm.s32 $0x9;
	s17 =	simm.s32 $0x2;
	[dreg:$0x13] =	wrdreg s0  }
0x18: {  	s20 =	sadd.s32 s6, s18;
	s1 =	sadd.s32 s10, s18;
	[dreg:$0x14] =	wrdreg s26  }
0x19: {  	s21 =	sshrl.u32 s19, $0x3;
	s24 =	sshll.u32 s19, $0x4;
	[dreg:$0xc] =	wrdreg s20  }
0x1a: {  	s18 =	simm.s32 $0x4;
	[dreg:$0xd] =	wrdreg s1;
	s22 =	sadd.s32 s6, s21  }
0x1b: {  	s19 =	simm.s32 $0xA;
	s1 =	sadd.s32 s10, s21;
	[dreg:$0xe] =	wrdreg s22  }
0x1c: {  	s20 =	simm.s32 $0x3D;
	s21 =	simm.s32 $0x5;
	[dreg:$0xf] =	wrdreg s1  }
0x1d: {  	s1 =	sadd.s32 s7, s23;
	s20 =	simm.s32 @!p0 $0x3E;
	s23 =	sadd.s32 $0xF0, s3  }
0x1e: {  	s3 =	simm.s32 $0x0;
	[dreg:$0x10] =	wrdreg s1;
	s1 =	sadd.s32 s7, s24  }
0x1f: {  	v0 =	vimm.f32 $0.0e+00;
	s24 =	simm.s32 $0x6;
	[dreg:$0x11] =	wrdreg s1;
	s1 =	simm.s32 $0xA180  }
.LBB2_1:
0x20: {  	[dreg:$0x16] =	wrdreg s3;
	s0 =	simm.s32 $0x0;
	s3 =	simm.s32 $0x200  }
.LBB2_2:
0x21: {  	p0 =	sne.s32 s3, $0x9E00;
	[tilespmem:s0+$0x70] =	vst v0  }
0x22: {  	[tilespmem:s0+$0x0] =	vst v0  }
0x23: {  	[tilespmem:s0+$0x10] =	vst v0  }
.Ltmp0:
0x24: {  	[tilespmem:s0+$0x20] =	vst v0;
	(pc) =	sbr.rel @p0 .LBB2_2-.Ltmp0, $4  }
0x25: {  	[tilespmem:s0+$0x30] =	vst v0  }
0x26: {  	[tilespmem:s0+$0x40] =	vst v0  }
0x27: {  	[tilespmem:s0+$0x50] =	vst v0  }
0x28: {  	[tilespmem:s0+$0x60] =	vst v0;
	s0 =	sshra.s32 s3, $0x2;
	s3 =	sadd.s32 $0x200, s3  }
0x29: {  	[tilespmem:s0+$0x70] =	vst v0  }
0x2a: {  	[tilespmem:s0+$0x0] =	vst v0  }
0x2b: {  	[tilespmem:s0+$0x10] =	vst v0  }
0x2c: {  	[tilespmem:s0+$0x20] =	vst v0  }
0x2d: {  	[tilespmem:s0+$0x30] =	vst v0  }
0x2e: {  	[tilespmem:s0+$0x40] =	vst v0  }
0x2f: {  	[tilespmem:s0+$0x50] =	vst v0  }
0x30: {  	[tilespmem:s0+$0x60] =	vst v0;
	s26 =	simm.s32 $0x0  }
0x31: {  	[spmem:s13] =	stream.linear.scatter [tilespmem:s26], [sflag:$0xB], $0x2800, $0x38;
	[tilespmem:$0x1E200] =	vst v63  }
0x32: {  	_ =	swait.ge [sflag:s8], $0x2800  }
0x33: {  	[sflag:s8] =	ssyncset.done $0x0  }
0x34: {  	s25 =	rddreg [dreg:$0x6];
	[sflag:s8] =	ssyncadd.s32 $0xFFFFD800  }
0x35: {  	[spmem:s25] =	stream.linear.scatter [tilespmem:s26], [sflag:$0xB], $0x2800, $0x38;
	[tilespmem:$0x1E200] =	vst v63  }
0x36: {  	_ =	swait.ge [sflag:s8], $0x2800  }
0x37: {  	[sflag:s8] =	ssyncset.done $0x0  }
0x38: {  	s28 =	rddreg [dreg:$0x7];
	[sflag:s8] =	ssyncadd.s32 $0xFFFFD800  }
0x39: {  	[spmem:s28] =	stream.linear.scatter [tilespmem:s26], [sflag:$0xB], $0x2800, $0x38;
	[tilespmem:$0x1E200] =	vst v63  }
0x3a: {  	_ =	swait.ge [sflag:s8], $0x2800  }
0x3b: {  	[sflag:s8] =	ssyncset.done $0x0  }
0x3c: {  	s3 =	rddreg [dreg:$0x8];
	[sflag:s8] =	ssyncadd.s32 $0xFFFFD800  }
0x3d: {  	[spmem:s3] =	stream.linear.scatter [tilespmem:s26], [sflag:$0xB], $0x2800, $0x38;
	[tilespmem:$0x1E200] =	vst v63  }
0x3e: {  	_ =	swait.ge [sflag:s8], $0x2800  }
0x3f: {  	[sflag:s8] =	ssyncset.done $0x0  }
0x40: {  	s10 =	rddreg [dreg:$0x9];
	[sflag:s8] =	ssyncadd.s32 $0xFFFFD800  }
0x41: {  	[spmem:s10] =	stream.linear.scatter [tilespmem:s26], [sflag:$0xB], $0x2800, $0x38;
	[tilespmem:$0x1E200] =	vst v63  }
0x42: {  	_ =	swait.ge [sflag:s8], $0x2800  }
0x43: {  	[sflag:s8] =	ssyncset.done $0x0  }
0x44: {  	s13 =	rddreg [dreg:$0xa];
	[sflag:s8] =	ssyncadd.s32 $0xFFFFD800  }
0x45: {  	[spmem:s13] =	stream.linear.scatter [tilespmem:s26], [sflag:$0xB], $0x2800, $0x38;
	[tilespmem:$0x1E200] =	vst v63  }
0x46: {  	_ =	swait.ge [sflag:s8], $0x2800  }
0x47: {  	[sflag:s8] =	ssyncset.done $0x0  }
0x48: {  	s22 =	rddreg [dreg:$0xb];
	[sflag:s8] =	ssyncadd.s32 $0xFFFFD800  }
0x49: {  	[spmem:s22] =	stream.linear.scatter [tilespmem:s26], [sflag:$0xB], $0x2800, $0x38;
	[tilespmem:$0x1E200] =	vst v63  }
0x4a: {  	_ =	swait.ge [sflag:s8], $0x2800  }
0x4b: {  	[sflag:s8] =	ssyncset.done $0x0  }
0x4c: {  	s25 =	rddreg [dreg:$0x15];
	[sflag:s8] =	ssyncadd.s32 $0xFFFFD800  }
0x4d: {  	[spmem:s25] =	stream.linear.scatter [tilespmem:s26], [sflag:$0xB], $0x2800, $0x38;
	[tilespmem:$0x1E200] =	vst v63  }
0x4e: {  	_ =	swait.ge [sflag:s8], $0x2800  }
0x4f: {  	[sflag:s8] =	ssyncset.done $0x0  }
0x50: {  	[sflag:s8] =	ssyncadd.s32 $0xFFFFD800  }
0x51: {  	[bflag:$0x0] =	sbarrier.arrive $0xFFFF  }
0x52: {  	s28 =	rddreg [dreg:$0xc]  }
0x53: {  	[tilespmem:s29], [sflag:$0x7] =	stream.linear.gather [hbm4b:s28+s26], $0x50, $0x38;
	[tilespmem:$0x1E200] =	vst v63  }
0x54: {  	s3 =	rddreg [dreg:$0xd]  }
0x55: {  	[tilespmem:s30], [sflag:$0x9] =	stream.linear.gather [hbm4b:s3+s26], $0x50, $0x38;
	[tilespmem:$0x1E200] =	vst v63  }
0x56: {  	s8 =	rddreg [dreg:$0xe]  }
0x57: {  	[tilespmem:s31], [sflag:$0x8] =	stream.linear.gather [hbm4b:s8+s26], $0x50, $0x38;
	[tilespmem:$0x1E200] =	vst v63  }
0x58: {  	s10 =	rddreg [dreg:$0xf]  }
0x59: {  	[tilespmem:s1], [sflag:$0xA] =	stream.linear.gather [hbm4b:s10+s26], $0x50, $0x38;
	[tilespmem:$0x1E200] =	vst v63  }
0x5a: {  	_ =	swait.ge [sflag:s2], $0x50  }
0x5b: {  	[sflag:s2] =	ssyncset.done $0x0  }
0x5c: {  	[sflag:s2] =	ssyncadd.s32 $0xFFFFFFB0  }
0x5d: {  	s13 =	rddreg [dreg:$0x2]  }
0x5e: {  	[tilespmem:s26], [sflag:$0x1] =	stream.indirect.gather [hbm4b:s13+s9], $0x80, s29, s9, $0xb8;
	[tilespmem:$0x1E200] =	vst v63  }
0x5f: {  	s22 =	simm.s32 $0x5000;
	s3 =	rddreg [dreg:$0x10]  }
0x60: {  	[tilespmem:s22], [sflag:$0x3] =	stream.linear.gather [hbm4b:s3+s26], $0x2800, $0x38;
	[tilespmem:$0x1E200] =	vst v63  }
0x61: {  	_ =	swait.ge [sflag:s11], $0x50  }
0x62: {  	[sflag:s11] =	ssyncset.done $0x0  }
0x63: {  	[sflag:s11] =	ssyncadd.s32 $0xFFFFFFB0  }
0x64: {  	[tilespmem:s12], [sflag:$0x2] =	stream.indirect.gather [hbm4b:s13+s9], $0x80, s31, s9, $0xb8;
	[tilespmem:$0x1E200] =	vst v63  }
0x65: {  	s28 =	simm.s32 $0x7800;
	s25 =	rddreg [dreg:$0x11]  }
0x66: {  	[tilespmem:s28], [sflag:$0x4] =	stream.linear.gather [hbm4b:s25+s26], $0x2800, $0x38;
	[tilespmem:$0x1E200] =	vst v63  }
.LBB2_4:
0x67: {  	_ =	swait.ge [sflag:s14], $0x2800  }
0x68: {  	[sflag:s14] =	ssyncset.done $0x0  }
0x69: {  	[sflag:s14] =	ssyncadd.s32 $0xFFFFD800  }
0x6a: {  	s10 =	smul.u32 $0xA0, s26;
	_ =	swait.ge [sflag:s15], $0x2800  }
0x6b: {  	s0 =	rddreg [dreg:$0x12]  }
0x6c: {  	s8 =	sadd.s32 s10, s0  }
0x6d: {  	[sflag:s15] =	ssyncset.done $0x0;
	s25 =	sshrl.u32 s8, $0x3  }
0x6e: {  	s28 =	simm.s32 $0x100;
	[sflag:s15] =	ssyncadd.s32 $0xFFFFD800;
	s22 =	sadd.s32 s6, s25  }
0x6f: {  	[tilespmem:s29], [sflag:$0x7] =	stream.linear.gather [hbm4b:s22+s5], $0x50, $0x38;
	[tilespmem:$0x1E200] =	vst v63  }
0x70: {  	s13 =	simm.s32 $0x5100;
	v1 =	vld [tilespmem:s28+$0x80]  }
0x71: {  	v2 =	vld [tilespmem:s13+$0x80]  }
0x72: {  	v3 =	vld [tilespmem:s28+$0xFFFFFF80]  }
0x73: {  	v4 =	vld [tilespmem:s13+$0xFFFFFF80]  }
0x74: {  	v5 =	vld [tilespmem:s28+$0x0]  }
0x75: {  	v6 =	vld [tilespmem:s13+$0x0]  }
0x76: {  	v7 =	vld [tilespmem:s28+$0xFFFFFF00];
	v1 =	vmul.f32 v2, v1  }
0x77: {  	v2 =	vld [tilespmem:s13+$0xFFFFFF00]  }
0x78: {  	[tilespmem:s28+$0x80] =	vst v1;
	v1 =	vld [tilespmem:s28+$0x90]  }
0x79: {  	v3 =	vmul.f32 v4, v3;
	v4 =	vld [tilespmem:s13+$0x90]  }
0x7a: {  	v8 =	vld [tilespmem:s28+$0xFFFFFF10]  }
0x7b: {  	[tilespmem:s28+$0xFFFFFF80] =	vst v3;
	v3 =	vmul.f32 v6, v5;
	v5 =	vld [tilespmem:s28+$0xFFFFFF90]  }
0x7c: {  	v6 =	vld [tilespmem:s13+$0xFFFFFF90];
	v2 =	vmul.f32 v2, v7  }
0x7d: {  	[tilespmem:s28+$0x0] =	vst v3;
	v3 =	vld [tilespmem:s28+$0x10]  }
0x7e: {  	v7 =	vld [tilespmem:s13+$0x10];
	[tilespmem:s28+$0xFFFFFF00] =	vst v2;
	v1 =	vmul.f32 v4, v1  }
0x7f: {  	v2 =	vld [tilespmem:s13+$0xFFFFFF10]  }
0x80: {  	[tilespmem:s28+$0x90] =	vst v1;
	v1 =	vld [tilespmem:s28+$0xA0]  }
0x81: {  	v4 =	vmul.f32 v6, v5;
	v5 =	vld [tilespmem:s13+$0xA0]  }
0x82: {  	v6 =	vld [tilespmem:s28+$0xFFFFFF20]  }
0x83: {  	[tilespmem:s28+$0xFFFFFF90] =	vst v4;
	v3 =	vmul.f32 v7, v3;
	v4 =	vld [tilespmem:s28+$0xFFFFFFA0]  }
0x84: {  	v7 =	vld [tilespmem:s13+$0xFFFFFFA0];
	v2 =	vmul.f32 v2, v8  }
0x85: {  	[tilespmem:s28+$0x10] =	vst v3;
	v3 =	vld [tilespmem:s28+$0x20]  }
0x86: {  	v8 =	vld [tilespmem:s13+$0x20];
	[tilespmem:s28+$0xFFFFFF10] =	vst v2;
	v1 =	vmul.f32 v5, v1  }
0x87: {  	v2 =	vld [tilespmem:s13+$0xFFFFFF20]  }
0x88: {  	[tilespmem:s28+$0xA0] =	vst v1;
	v1 =	vld [tilespmem:s28+$0xB0]  }
0x89: {  	v4 =	vmul.f32 v7, v4;
	v5 =	vld [tilespmem:s13+$0xB0]  }
0x8a: {  	v7 =	vld [tilespmem:s28+$0xFFFFFF30]  }
0x8b: {  	[tilespmem:s28+$0xFFFFFFA0] =	vst v4;
	v3 =	vmul.f32 v8, v3;
	v4 =	vld [tilespmem:s28+$0xFFFFFFB0]  }
0x8c: {  	v8 =	vld [tilespmem:s13+$0xFFFFFFB0];
	v2 =	vmul.f32 v2, v6  }
0x8d: {  	[tilespmem:s28+$0x20] =	vst v3;
	v3 =	vld [tilespmem:s28+$0x30]  }
0x8e: {  	v6 =	vld [tilespmem:s13+$0x30];
	[tilespmem:s28+$0xFFFFFF20] =	vst v2;
	v1 =	vmul.f32 v5, v1  }
0x8f: {  	v2 =	vld [tilespmem:s13+$0xFFFFFF30]  }
0x90: {  	[tilespmem:s28+$0xB0] =	vst v1;
	v1 =	vld [tilespmem:s28+$0xC0]  }
0x91: {  	v4 =	vmul.f32 v8, v4;
	v5 =	vld [tilespmem:s13+$0xC0]  }
0x92: {  	v8 =	vld [tilespmem:s28+$0xFFFFFF40]  }
0x93: {  	[tilespmem:s28+$0xFFFFFFB0] =	vst v4;
	v3 =	vmul.f32 v6, v3;
	v4 =	vld [tilespmem:s28+$0xFFFFFFC0]  }
0x94: {  	v6 =	vld [tilespmem:s13+$0xFFFFFFC0];
	v2 =	vmul.f32 v2, v7  }
0x95: {  	[tilespmem:s28+$0x30] =	vst v3;
	v3 =	vld [tilespmem:s28+$0x40]  }
0x96: {  	v7 =	vld [tilespmem:s13+$0x40];
	[tilespmem:s28+$0xFFFFFF30] =	vst v2;
	v1 =	vmul.f32 v5, v1  }
0x97: {  	v2 =	vld [tilespmem:s13+$0xFFFFFF40]  }
0x98: {  	[tilespmem:s28+$0xC0] =	vst v1;
	v1 =	vld [tilespmem:s28+$0xD0]  }
0x99: {  	v4 =	vmul.f32 v6, v4;
	v5 =	vld [tilespmem:s13+$0xD0]  }
0x9a: {  	v6 =	vld [tilespmem:s28+$0xFFFFFF50]  }
0x9b: {  	[tilespmem:s28+$0xFFFFFFC0] =	vst v4;
	v3 =	vmul.f32 v7, v3;
	v4 =	vld [tilespmem:s28+$0xFFFFFFD0]  }
0x9c: {  	v7 =	vld [tilespmem:s13+$0xFFFFFFD0];
	v2 =	vmul.f32 v2, v8  }
0x9d: {  	[tilespmem:s28+$0x40] =	vst v3;
	v3 =	vld [tilespmem:s28+$0x50]  }
0x9e: {  	v8 =	vld [tilespmem:s13+$0x50];
	[tilespmem:s28+$0xFFFFFF40] =	vst v2;
	v1 =	vmul.f32 v5, v1  }
0x9f: {  	v2 =	vld [tilespmem:s13+$0xFFFFFF50]  }
0xa0: {  	[tilespmem:s28+$0xD0] =	vst v1;
	v1 =	vld [tilespmem:s28+$0xE0]  }
0xa1: {  	v4 =	vmul.f32 v7, v4;
	v5 =	vld [tilespmem:s13+$0xE0]  }
0xa2: {  	v7 =	vld [tilespmem:s28+$0xFFFFFF60]  }
0xa3: {  	[tilespmem:s28+$0xFFFFFFD0] =	vst v4;
	v3 =	vmul.f32 v8, v3;
	v4 =	vld [tilespmem:s28+$0xFFFFFFE0]  }
0xa4: {  	v8 =	vld [tilespmem:s13+$0xFFFFFFE0];
	v2 =	vmul.f32 v2, v6  }
0xa5: {  	[tilespmem:s28+$0x50] =	vst v3;
	v3 =	vld [tilespmem:s28+$0x60]  }
0xa6: {  	v6 =	vld [tilespmem:s13+$0x60];
	[tilespmem:s28+$0xFFFFFF50] =	vst v2;
	v1 =	vmul.f32 v5, v1  }
0xa7: {  	v5 =	vld [tilespmem:s13+$0xFFFFFF60]  }
0xa8: {  	v9 =	vld [tilespmem:s28+$0xF0];
	[tilespmem:s28+$0xE0] =	vst v1  }
0xa9: {  	v2 =	vmul.f32 v8, v4;
	v8 =	vld [tilespmem:s13+$0xF0]  }
0xaa: {  	v1 =	vld [tilespmem:s28+$0xFFFFFF70]  }
0xab: {  	[tilespmem:s28+$0xFFFFFFE0] =	vst v2;
	v3 =	vmul.f32 v6, v3;
	v2 =	vld [tilespmem:s28+$0xFFFFFFF0]  }
0xac: {  	v4 =	vld [tilespmem:s13+$0xFFFFFFF0];
	v5 =	vmul.f32 v5, v7  }
0xad: {  	[tilespmem:s28+$0x60] =	vst v3;
	v3 =	vld [tilespmem:s28+$0x70]  }
0xae: {  	[tilespmem:s28+$0xFFFFFF60] =	vst v5;
	v5 =	vld [tilespmem:s13+$0x70];
	v7 =	vmul.f32 v8, v9  }
0xaf: {  	s3 =	simm.s32 $0x300;
	s0 =	simm.s32 $0x0;
	v6 =	vld [tilespmem:s13+$0xFFFFFF70]  }
.LBB2_5:
0xb0: {  	v8 =	vld [tilespmem:s3+$0x80];
	[tilespmem:s28+$0xF0] =	vst v7;
	s13 =	sadd.s32 $0x200, s13  }
0xb1: {  	s0 =	sadd.s32 $0x4, s0;
	v7 =	vld [tilespmem:s13+$0x80];
	v2 =	vmul.f32 v4, v2  }
0xb2: {  	p0 =	slt.u32 s0, $0x4C;
	v4 =	vld [tilespmem:s13+$0xFFFFFF00]  }
0xb3: {  	v9 =	vld [tilespmem:s3+$0xFFFFFF80];
	[tilespmem:s28+$0xFFFFFFF0] =	vst v2;
	v2 =	vmul.f32 v5, v3  }
0xb4: {  	v3 =	vld [tilespmem:s13+$0xFFFFFF80];
	v1 =	vmul.f32 v6, v1  }
0xb5: {  	v5 =	vld [tilespmem:s3+$0x0];
	[tilespmem:s28+$0x70] =	vst v2  }
0xb6: {  	v2 =	vld [tilespmem:s13+$0x0];
	v6 =	vmul.f32 v7, v8;
	[tilespmem:s28+$0xFFFFFF70] =	vst v1;
	s28 =	smov.u32 s3  }
0xb7: {  	v1 =	vld [tilespmem:s3+$0xFFFFFF00]  }
0xb8: {  	[tilespmem:s3+$0x80] =	vst v6;
	v6 =	vld [tilespmem:s3+$0x90]  }
0xb9: {  	v3 =	vmul.f32 v3, v9;
	v7 =	vld [tilespmem:s13+$0x90]  }
0xba: {  	v8 =	vld [tilespmem:s3+$0xFFFFFF10]  }
0xbb: {  	[tilespmem:s3+$0xFFFFFF80] =	vst v3;
	v3 =	vld [tilespmem:s3+$0xFFFFFF90];
	v2 =	vmul.f32 v2, v5  }
0xbc: {  	v1 =	vmul.f32 v4, v1;
	v4 =	vld [tilespmem:s13+$0xFFFFFF90]  }
0xbd: {  	[tilespmem:s3+$0x0] =	vst v2;
	v2 =	vld [tilespmem:s3+$0x10]  }
0xbe: {  	[tilespmem:s3+$0xFFFFFF00] =	vst v1;
	v1 =	vld [tilespmem:s13+$0x10];
	v5 =	vmul.f32 v7, v6  }
0xbf: {  	v6 =	vld [tilespmem:s13+$0xFFFFFF10]  }
0xc0: {  	[tilespmem:s3+$0x90] =	vst v5;
	v5 =	vld [tilespmem:s3+$0xA0]  }
0xc1: {  	v3 =	vmul.f32 v4, v3;
	v4 =	vld [tilespmem:s13+$0xA0]  }
0xc2: {  	v7 =	vld [tilespmem:s3+$0xFFFFFF20]  }
0xc3: {  	[tilespmem:s3+$0xFFFFFF90] =	vst v3;
	v3 =	vld [tilespmem:s3+$0xFFFFFFA0];
	v1 =	vmul.f32 v1, v2  }
0xc4: {  	v2 =	vmul.f32 v6, v8;
	v6 =	vld [tilespmem:s13+$0xFFFFFFA0]  }
0xc5: {  	[tilespmem:s3+$0x10] =	vst v1;
	v1 =	vld [tilespmem:s3+$0x20]  }
0xc6: {  	[tilespmem:s3+$0xFFFFFF10] =	vst v2;
	v2 =	vld [tilespmem:s13+$0x20];
	v4 =	vmul.f32 v4, v5  }
0xc7: {  	v5 =	vld [tilespmem:s13+$0xFFFFFF20]  }
0xc8: {  	[tilespmem:s3+$0xA0] =	vst v4;
	v4 =	vld [tilespmem:s3+$0xB0]  }
0xc9: {  	v3 =	vmul.f32 v6, v3;
	v6 =	vld [tilespmem:s13+$0xB0]  }
0xca: {  	v8 =	vld [tilespmem:s3+$0xFFFFFF30]  }
0xcb: {  	[tilespmem:s3+$0xFFFFFFA0] =	vst v3;
	v3 =	vld [tilespmem:s3+$0xFFFFFFB0];
	v1 =	vmul.f32 v2, v1  }
0xcc: {  	v2 =	vmul.f32 v5, v7;
	v5 =	vld [tilespmem:s13+$0xFFFFFFB0]  }
0xcd: {  	[tilespmem:s3+$0x20] =	vst v1;
	v1 =	vld [tilespmem:s3+$0x30]  }
0xce: {  	[tilespmem:s3+$0xFFFFFF20] =	vst v2;
	v2 =	vld [tilespmem:s13+$0x30];
	v4 =	vmul.f32 v6, v4  }
0xcf: {  	v6 =	vld [tilespmem:s13+$0xFFFFFF30]  }
0xd0: {  	[tilespmem:s3+$0xB0] =	vst v4;
	v4 =	vld [tilespmem:s3+$0xC0]  }
0xd1: {  	v3 =	vmul.f32 v5, v3;
	v5 =	vld [tilespmem:s13+$0xC0]  }
0xd2: {  	v7 =	vld [tilespmem:s3+$0xFFFFFF40]  }
0xd3: {  	[tilespmem:s3+$0xFFFFFFB0] =	vst v3;
	v3 =	vld [tilespmem:s3+$0xFFFFFFC0];
	v1 =	vmul.f32 v2, v1  }
0xd4: {  	v2 =	vmul.f32 v6, v8;
	v6 =	vld [tilespmem:s13+$0xFFFFFFC0]  }
0xd5: {  	[tilespmem:s3+$0x30] =	vst v1;
	v1 =	vld [tilespmem:s3+$0x40]  }
0xd6: {  	[tilespmem:s3+$0xFFFFFF30] =	vst v2;
	v2 =	vld [tilespmem:s13+$0x40];
	v4 =	vmul.f32 v5, v4  }
0xd7: {  	v5 =	vld [tilespmem:s13+$0xFFFFFF40]  }
0xd8: {  	[tilespmem:s3+$0xC0] =	vst v4;
	v4 =	vld [tilespmem:s3+$0xD0]  }
0xd9: {  	v3 =	vmul.f32 v6, v3;
	v6 =	vld [tilespmem:s13+$0xD0]  }
0xda: {  	v8 =	vld [tilespmem:s3+$0xFFFFFF50]  }
0xdb: {  	[tilespmem:s3+$0xFFFFFFC0] =	vst v3;
	v3 =	vld [tilespmem:s3+$0xFFFFFFD0];
	v1 =	vmul.f32 v2, v1  }
0xdc: {  	v2 =	vmul.f32 v5, v7;
	v5 =	vld [tilespmem:s13+$0xFFFFFFD0]  }
0xdd: {  	[tilespmem:s3+$0x40] =	vst v1;
	v1 =	vld [tilespmem:s3+$0x50]  }
0xde: {  	[tilespmem:s3+$0xFFFFFF40] =	vst v2;
	v2 =	vld [tilespmem:s13+$0x50];
	v4 =	vmul.f32 v6, v4  }
0xdf: {  	v6 =	vld [tilespmem:s13+$0xFFFFFF50]  }
0xe0: {  	[tilespmem:s3+$0xD0] =	vst v4;
	v4 =	vld [tilespmem:s3+$0xE0]  }
0xe1: {  	v3 =	vmul.f32 v5, v3;
	v5 =	vld [tilespmem:s13+$0xE0]  }
0xe2: {  	v7 =	vld [tilespmem:s3+$0xFFFFFF60]  }
0xe3: {  	[tilespmem:s3+$0xFFFFFFD0] =	vst v3;
	v3 =	vld [tilespmem:s3+$0xFFFFFFE0];
	v1 =	vmul.f32 v2, v1  }
0xe4: {  	v2 =	vmul.f32 v6, v8;
	v6 =	vld [tilespmem:s13+$0xFFFFFFE0]  }
0xe5: {  	[tilespmem:s3+$0x50] =	vst v1;
	v8 =	vld [tilespmem:s3+$0x60]  }
0xe6: {  	[tilespmem:s3+$0xFFFFFF50] =	vst v2;
	v9 =	vld [tilespmem:s13+$0x60];
	v1 =	vmul.f32 v5, v4  }
0xe7: {  	v4 =	vld [tilespmem:s13+$0xFFFFFF60]  }
0xe8: {  	[tilespmem:s3+$0xE0] =	vst v1;
	v10 =	vld [tilespmem:s3+$0xF0]  }
0xe9: {  	v2 =	vmul.f32 v6, v3;
	v6 =	vld [tilespmem:s13+$0xF0]  }
0xea: {  	v1 =	vld [tilespmem:s3+$0xFFFFFF70]  }
.Ltmp1:
0xeb: {  	[tilespmem:s3+$0xFFFFFFE0] =	vst v2;
	v2 =	vld [tilespmem:s3+$0xFFFFFFF0];
	v3 =	vmul.f32 v9, v8;
	(pc) =	sbr.rel @p0 .LBB2_5-.Ltmp1, $4  }
0xec: {  	v5 =	vmul.f32 v4, v7;
	v4 =	vld [tilespmem:s13+$0xFFFFFFF0]  }
0xed: {  	[tilespmem:s3+$0x60] =	vst v3;
	v3 =	vld [tilespmem:s3+$0x70]  }
0xee: {  	[tilespmem:s3+$0xFFFFFF60] =	vst v5;
	v5 =	vld [tilespmem:s13+$0x70];
	v7 =	vmul.f32 v6, v10  }
0xef: {  	s3 =	sadd.s32 $0x200, s3;
	v6 =	vld [tilespmem:s13+$0xFFFFFF70]  }
0xf0: {  	_ =	sdelay $0x1  }
0xf1: {  	v2 =	vmul.f32 v4, v2  }
0xf2: {  	[tilespmem:s28+$0xF0] =	vst v7;
	v3 =	vmul.f32 v5, v3  }
0xf3: {  	[tilespmem:s28+$0xFFFFFFF0] =	vst v2;
	v1 =	vmul.f32 v6, v1  }
0xf4: {  	[tilespmem:s28+$0x70] =	vst v3  }
0xf5: {  	[tilespmem:s28+$0xFFFFFF70] =	vst v1  }
0xf6: {  	_ =	swait.ge [sflag:s16], $0x50  }
0xf7: {  	[sflag:s16] =	ssyncset.done $0x0  }
0xf8: {  	[sflag:s16] =	ssyncadd.s32 $0xFFFFFFB0  }
0xf9: {  	[spmem:s4] =	stream.indirect.scatter.add.f32 [tilespmem:s5], [sflag:$0x5], $0x80, s30, s9, $0xb8;
	[tilespmem:$0x1E200] =	vst v63  }
0xfa: {  	_ =	swait.ge [sflag:s17], $0x2800  }
0xfb: {  	[sflag:s17] =	ssyncset.done $0x0  }
0xfc: {  	[sflag:s17] =	ssyncadd.s32 $0xFFFFD800  }
0xfd: {  	s28 =	sadd.s32 s10, s23;
	_ =	swait.ge [sflag:s18], $0x2800  }
0xfe: {  	s10 =	sshrl.u32 s28, $0x3;
	[sflag:s18] =	ssyncset.done $0x0  }
0xff: {  	s13 =	simm.s32 $0x2900;
	s0 =	sadd.s32 s6, s10;
	[sflag:s18] =	ssyncadd.s32 $0xFFFFD800  }
0x100: {  	[tilespmem:s31], [sflag:$0x8] =	stream.linear.gather [hbm4b:s0+s5], $0x50, $0x38;
	[tilespmem:$0x1E200] =	vst v63  }
0x101: {  	s0 =	simm.s32 $0x7900;
	v1 =	vld [tilespmem:s13+$0x80]  }
0x102: {  	v2 =	vld [tilespmem:s0+$0x80]  }
0x103: {  	v3 =	vld [tilespmem:s13+$0xFFFFFF80]  }
0x104: {  	v4 =	vld [tilespmem:s0+$0xFFFFFF80]  }
0x105: {  	v5 =	vld [tilespmem:s13+$0x0]  }
0x106: {  	v6 =	vld [tilespmem:s0+$0x0]  }
0x107: {  	v7 =	vld [tilespmem:s13+$0xFFFFFF00];
	v1 =	vmul.f32 v2, v1  }
0x108: {  	v2 =	vld [tilespmem:s0+$0xFFFFFF00]  }
0x109: {  	[tilespmem:s13+$0x80] =	vst v1;
	v1 =	vld [tilespmem:s13+$0x90]  }
0x10a: {  	v3 =	vmul.f32 v4, v3;
	v4 =	vld [tilespmem:s0+$0x90]  }
0x10b: {  	v8 =	vld [tilespmem:s13+$0xFFFFFF10]  }
0x10c: {  	[tilespmem:s13+$0xFFFFFF80] =	vst v3;
	v3 =	vmul.f32 v6, v5;
	v5 =	vld [tilespmem:s13+$0xFFFFFF90]  }
0x10d: {  	v6 =	vld [tilespmem:s0+$0xFFFFFF90];
	v2 =	vmul.f32 v2, v7  }
0x10e: {  	[tilespmem:s13+$0x0] =	vst v3;
	v3 =	vld [tilespmem:s13+$0x10]  }
0x10f: {  	v7 =	vld [tilespmem:s0+$0x10];
	[tilespmem:s13+$0xFFFFFF00] =	vst v2;
	v1 =	vmul.f32 v4, v1  }
0x110: {  	v2 =	vld [tilespmem:s0+$0xFFFFFF10]  }
0x111: {  	[tilespmem:s13+$0x90] =	vst v1;
	v1 =	vld [tilespmem:s13+$0xA0]  }
0x112: {  	v4 =	vmul.f32 v6, v5;
	v5 =	vld [tilespmem:s0+$0xA0]  }
0x113: {  	v6 =	vld [tilespmem:s13+$0xFFFFFF20]  }
0x114: {  	[tilespmem:s13+$0xFFFFFF90] =	vst v4;
	v3 =	vmul.f32 v7, v3;
	v4 =	vld [tilespmem:s13+$0xFFFFFFA0]  }
0x115: {  	v7 =	vld [tilespmem:s0+$0xFFFFFFA0];
	v2 =	vmul.f32 v2, v8  }
0x116: {  	[tilespmem:s13+$0x10] =	vst v3;
	v3 =	vld [tilespmem:s13+$0x20]  }
0x117: {  	v8 =	vld [tilespmem:s0+$0x20];
	[tilespmem:s13+$0xFFFFFF10] =	vst v2;
	v1 =	vmul.f32 v5, v1  }
0x118: {  	v2 =	vld [tilespmem:s0+$0xFFFFFF20]  }
0x119: {  	[tilespmem:s13+$0xA0] =	vst v1;
	v1 =	vld [tilespmem:s13+$0xB0]  }
0x11a: {  	v4 =	vmul.f32 v7, v4;
	v5 =	vld [tilespmem:s0+$0xB0]  }
0x11b: {  	v7 =	vld [tilespmem:s13+$0xFFFFFF30]  }
0x11c: {  	[tilespmem:s13+$0xFFFFFFA0] =	vst v4;
	v3 =	vmul.f32 v8, v3;
	v4 =	vld [tilespmem:s13+$0xFFFFFFB0]  }
0x11d: {  	v8 =	vld [tilespmem:s0+$0xFFFFFFB0];
	v2 =	vmul.f32 v2, v6  }
0x11e: {  	[tilespmem:s13+$0x20] =	vst v3;
	v3 =	vld [tilespmem:s13+$0x30]  }
0x11f: {  	v6 =	vld [tilespmem:s0+$0x30];
	[tilespmem:s13+$0xFFFFFF20] =	vst v2;
	v1 =	vmul.f32 v5, v1  }
0x120: {  	v2 =	vld [tilespmem:s0+$0xFFFFFF30]  }
0x121: {  	[tilespmem:s13+$0xB0] =	vst v1;
	v1 =	vld [tilespmem:s13+$0xC0]  }
0x122: {  	v4 =	vmul.f32 v8, v4;
	v5 =	vld [tilespmem:s0+$0xC0]  }
0x123: {  	v8 =	vld [tilespmem:s13+$0xFFFFFF40]  }
0x124: {  	[tilespmem:s13+$0xFFFFFFB0] =	vst v4;
	v3 =	vmul.f32 v6, v3;
	v4 =	vld [tilespmem:s13+$0xFFFFFFC0]  }
0x125: {  	v6 =	vld [tilespmem:s0+$0xFFFFFFC0];
	v2 =	vmul.f32 v2, v7  }
0x126: {  	[tilespmem:s13+$0x30] =	vst v3;
	v3 =	vld [tilespmem:s13+$0x40]  }
0x127: {  	v7 =	vld [tilespmem:s0+$0x40];
	[tilespmem:s13+$0xFFFFFF30] =	vst v2;
	v1 =	vmul.f32 v5, v1  }
0x128: {  	v2 =	vld [tilespmem:s0+$0xFFFFFF40]  }
0x129: {  	[tilespmem:s13+$0xC0] =	vst v1;
	v1 =	vld [tilespmem:s13+$0xD0]  }
0x12a: {  	v4 =	vmul.f32 v6, v4;
	v5 =	vld [tilespmem:s0+$0xD0]  }
0x12b: {  	v6 =	vld [tilespmem:s13+$0xFFFFFF50]  }
0x12c: {  	[tilespmem:s13+$0xFFFFFFC0] =	vst v4;
	v3 =	vmul.f32 v7, v3;
	v4 =	vld [tilespmem:s13+$0xFFFFFFD0]  }
0x12d: {  	v7 =	vld [tilespmem:s0+$0xFFFFFFD0];
	v2 =	vmul.f32 v2, v8  }
0x12e: {  	[tilespmem:s13+$0x40] =	vst v3;
	v3 =	vld [tilespmem:s13+$0x50]  }
0x12f: {  	v8 =	vld [tilespmem:s0+$0x50];
	[tilespmem:s13+$0xFFFFFF40] =	vst v2;
	v1 =	vmul.f32 v5, v1  }
0x130: {  	v2 =	vld [tilespmem:s0+$0xFFFFFF50]  }
0x131: {  	[tilespmem:s13+$0xD0] =	vst v1;
	v1 =	vld [tilespmem:s13+$0xE0]  }
0x132: {  	v4 =	vmul.f32 v7, v4;
	v5 =	vld [tilespmem:s0+$0xE0]  }
0x133: {  	v7 =	vld [tilespmem:s13+$0xFFFFFF60]  }
0x134: {  	[tilespmem:s13+$0xFFFFFFD0] =	vst v4;
	v3 =	vmul.f32 v8, v3;
	v4 =	vld [tilespmem:s13+$0xFFFFFFE0]  }
0x135: {  	v8 =	vld [tilespmem:s0+$0xFFFFFFE0];
	v2 =	vmul.f32 v2, v6  }
0x136: {  	[tilespmem:s13+$0x50] =	vst v3;
	v3 =	vld [tilespmem:s13+$0x60]  }
0x137: {  	v6 =	vld [tilespmem:s0+$0x60];
	[tilespmem:s13+$0xFFFFFF50] =	vst v2;
	v1 =	vmul.f32 v5, v1  }
0x138: {  	v5 =	vld [tilespmem:s0+$0xFFFFFF60]  }
0x139: {  	v9 =	vld [tilespmem:s13+$0xF0];
	[tilespmem:s13+$0xE0] =	vst v1  }
0x13a: {  	v2 =	vmul.f32 v8, v4;
	v8 =	vld [tilespmem:s0+$0xF0]  }
0x13b: {  	v1 =	vld [tilespmem:s13+$0xFFFFFF70]  }
0x13c: {  	[tilespmem:s13+$0xFFFFFFE0] =	vst v2;
	v3 =	vmul.f32 v6, v3;
	v2 =	vld [tilespmem:s13+$0xFFFFFFF0]  }
0x13d: {  	v4 =	vld [tilespmem:s0+$0xFFFFFFF0];
	v5 =	vmul.f32 v5, v7  }
0x13e: {  	[tilespmem:s13+$0x60] =	vst v3;
	v3 =	vld [tilespmem:s13+$0x70]  }
0x13f: {  	[tilespmem:s13+$0xFFFFFF60] =	vst v5;
	v5 =	vld [tilespmem:s0+$0x70];
	v7 =	vmul.f32 v8, v9  }
0x140: {  	s3 =	simm.s32 $0x0;
	s22 =	simm.s32 $0x2B00;
	v6 =	vld [tilespmem:s0+$0xFFFFFF70]  }
.LBB2_7:
0x141: {  	v8 =	vld [tilespmem:s22+$0x80];
	[tilespmem:s13+$0xF0] =	vst v7;
	s0 =	sadd.s32 $0x200, s0  }
0x142: {  	s3 =	sadd.s32 $0x4, s3;
	v7 =	vld [tilespmem:s0+$0x80];
	v2 =	vmul.f32 v4, v2  }
0x143: {  	p0 =	slt.u32 s3, $0x4C;
	v4 =	vld [tilespmem:s0+$0xFFFFFF00]  }
0x144: {  	v9 =	vld [tilespmem:s22+$0xFFFFFF80];
	[tilespmem:s13+$0xFFFFFFF0] =	vst v2;
	v2 =	vmul.f32 v5, v3  }
0x145: {  	v3 =	vld [tilespmem:s0+$0xFFFFFF80];
	v1 =	vmul.f32 v6, v1  }
0x146: {  	v5 =	vld [tilespmem:s22+$0x0];
	[tilespmem:s13+$0x70] =	vst v2  }
0x147: {  	v2 =	vld [tilespmem:s0+$0x0];
	v6 =	vmul.f32 v7, v8;
	[tilespmem:s13+$0xFFFFFF70] =	vst v1;
	s13 =	smov.u32 s22  }
0x148: {  	v1 =	vld [tilespmem:s22+$0xFFFFFF00]  }
0x149: {  	[tilespmem:s22+$0x80] =	vst v6;
	v6 =	vld [tilespmem:s22+$0x90]  }
0x14a: {  	v3 =	vmul.f32 v3, v9;
	v7 =	vld [tilespmem:s0+$0x90]  }
0x14b: {  	v8 =	vld [tilespmem:s22+$0xFFFFFF10]  }
0x14c: {  	[tilespmem:s22+$0xFFFFFF80] =	vst v3;
	v3 =	vld [tilespmem:s22+$0xFFFFFF90];
	v2 =	vmul.f32 v2, v5  }
0x14d: {  	v1 =	vmul.f32 v4, v1;
	v4 =	vld [tilespmem:s0+$0xFFFFFF90]  }
0x14e: {  	[tilespmem:s22+$0x0] =	vst v2;
	v2 =	vld [tilespmem:s22+$0x10]  }
0x14f: {  	[tilespmem:s22+$0xFFFFFF00] =	vst v1;
	v1 =	vld [tilespmem:s0+$0x10];
	v5 =	vmul.f32 v7, v6  }
0x150: {  	v6 =	vld [tilespmem:s0+$0xFFFFFF10]  }
0x151: {  	[tilespmem:s22+$0x90] =	vst v5;
	v5 =	vld [tilespmem:s22+$0xA0]  }
0x152: {  	v3 =	vmul.f32 v4, v3;
	v4 =	vld [tilespmem:s0+$0xA0]  }
0x153: {  	v7 =	vld [tilespmem:s22+$0xFFFFFF20]  }
0x154: {  	[tilespmem:s22+$0xFFFFFF90] =	vst v3;
	v3 =	vld [tilespmem:s22+$0xFFFFFFA0];
	v1 =	vmul.f32 v1, v2  }
0x155: {  	v2 =	vmul.f32 v6, v8;
	v6 =	vld [tilespmem:s0+$0xFFFFFFA0]  }
0x156: {  	[tilespmem:s22+$0x10] =	vst v1;
	v1 =	vld [tilespmem:s22+$0x20]  }
0x157: {  	[tilespmem:s22+$0xFFFFFF10] =	vst v2;
	v2 =	vld [tilespmem:s0+$0x20];
	v4 =	vmul.f32 v4, v5  }
0x158: {  	v5 =	vld [tilespmem:s0+$0xFFFFFF20]  }
0x159: {  	[tilespmem:s22+$0xA0] =	vst v4;
	v4 =	vld [tilespmem:s22+$0xB0]  }
0x15a: {  	v3 =	vmul.f32 v6, v3;
	v6 =	vld [tilespmem:s0+$0xB0]  }
0x15b: {  	v8 =	vld [tilespmem:s22+$0xFFFFFF30]  }
0x15c: {  	[tilespmem:s22+$0xFFFFFFA0] =	vst v3;
	v3 =	vld [tilespmem:s22+$0xFFFFFFB0];
	v1 =	vmul.f32 v2, v1  }
0x15d: {  	v2 =	vmul.f32 v5, v7;
	v5 =	vld [tilespmem:s0+$0xFFFFFFB0]  }
0x15e: {  	[tilespmem:s22+$0x20] =	vst v1;
	v1 =	vld [tilespmem:s22+$0x30]  }
0x15f: {  	[tilespmem:s22+$0xFFFFFF20] =	vst v2;
	v2 =	vld [tilespmem:s0+$0x30];
	v4 =	vmul.f32 v6, v4  }
0x160: {  	v6 =	vld [tilespmem:s0+$0xFFFFFF30]  }
0x161: {  	[tilespmem:s22+$0xB0] =	vst v4;
	v4 =	vld [tilespmem:s22+$0xC0]  }
0x162: {  	v3 =	vmul.f32 v5, v3;
	v5 =	vld [tilespmem:s0+$0xC0]  }
0x163: {  	v7 =	vld [tilespmem:s22+$0xFFFFFF40]  }
0x164: {  	[tilespmem:s22+$0xFFFFFFB0] =	vst v3;
	v3 =	vld [tilespmem:s22+$0xFFFFFFC0];
	v1 =	vmul.f32 v2, v1  }
0x165: {  	v2 =	vmul.f32 v6, v8;
	v6 =	vld [tilespmem:s0+$0xFFFFFFC0]  }
0x166: {  	[tilespmem:s22+$0x30] =	vst v1;
	v1 =	vld [tilespmem:s22+$0x40]  }
0x167: {  	[tilespmem:s22+$0xFFFFFF30] =	vst v2;
	v2 =	vld [tilespmem:s0+$0x40];
	v4 =	vmul.f32 v5, v4  }
0x168: {  	v5 =	vld [tilespmem:s0+$0xFFFFFF40]  }
0x169: {  	[tilespmem:s22+$0xC0] =	vst v4;
	v4 =	vld [tilespmem:s22+$0xD0]  }
0x16a: {  	v3 =	vmul.f32 v6, v3;
	v6 =	vld [tilespmem:s0+$0xD0]  }
0x16b: {  	v8 =	vld [tilespmem:s22+$0xFFFFFF50]  }
0x16c: {  	[tilespmem:s22+$0xFFFFFFC0] =	vst v3;
	v3 =	vld [tilespmem:s22+$0xFFFFFFD0];
	v1 =	vmul.f32 v2, v1  }
0x16d: {  	v2 =	vmul.f32 v5, v7;
	v5 =	vld [tilespmem:s0+$0xFFFFFFD0]  }
0x16e: {  	[tilespmem:s22+$0x40] =	vst v1;
	v1 =	vld [tilespmem:s22+$0x50]  }
0x16f: {  	[tilespmem:s22+$0xFFFFFF40] =	vst v2;
	v2 =	vld [tilespmem:s0+$0x50];
	v4 =	vmul.f32 v6, v4  }
0x170: {  	v6 =	vld [tilespmem:s0+$0xFFFFFF50]  }
0x171: {  	[tilespmem:s22+$0xD0] =	vst v4;
	v4 =	vld [tilespmem:s22+$0xE0]  }
0x172: {  	v3 =	vmul.f32 v5, v3;
	v5 =	vld [tilespmem:s0+$0xE0]  }
0x173: {  	v7 =	vld [tilespmem:s22+$0xFFFFFF60]  }
0x174: {  	[tilespmem:s22+$0xFFFFFFD0] =	vst v3;
	v3 =	vld [tilespmem:s22+$0xFFFFFFE0];
	v1 =	vmul.f32 v2, v1  }
0x175: {  	v2 =	vmul.f32 v6, v8;
	v6 =	vld [tilespmem:s0+$0xFFFFFFE0]  }
0x176: {  	[tilespmem:s22+$0x50] =	vst v1;
	v8 =	vld [tilespmem:s22+$0x60]  }
0x177: {  	[tilespmem:s22+$0xFFFFFF50] =	vst v2;
	v9 =	vld [tilespmem:s0+$0x60];
	v1 =	vmul.f32 v5, v4  }
0x178: {  	v4 =	vld [tilespmem:s0+$0xFFFFFF60]  }
0x179: {  	[tilespmem:s22+$0xE0] =	vst v1;
	v10 =	vld [tilespmem:s22+$0xF0]  }
0x17a: {  	v2 =	vmul.f32 v6, v3;
	v6 =	vld [tilespmem:s0+$0xF0]  }
0x17b: {  	v1 =	vld [tilespmem:s22+$0xFFFFFF70]  }
.Ltmp2:
0x17c: {  	[tilespmem:s22+$0xFFFFFFE0] =	vst v2;
	v2 =	vld [tilespmem:s22+$0xFFFFFFF0];
	v3 =	vmul.f32 v9, v8;
	(pc) =	sbr.rel @p0 .LBB2_7-.Ltmp2, $4  }
0x17d: {  	v5 =	vmul.f32 v4, v7;
	v4 =	vld [tilespmem:s0+$0xFFFFFFF0]  }
0x17e: {  	[tilespmem:s22+$0x60] =	vst v3;
	v3 =	vld [tilespmem:s22+$0x70]  }
0x17f: {  	[tilespmem:s22+$0xFFFFFF60] =	vst v5;
	v5 =	vld [tilespmem:s0+$0x70];
	v7 =	vmul.f32 v6, v10  }
0x180: {  	s22 =	sadd.s32 $0x200, s22;
	v6 =	vld [tilespmem:s0+$0xFFFFFF70]  }
0x181: {  	_ =	sdelay $0x1  }
0x182: {  	v2 =	vmul.f32 v4, v2  }
0x183: {  	[tilespmem:s13+$0xF0] =	vst v7;
	v3 =	vmul.f32 v5, v3  }
0x184: {  	[tilespmem:s13+$0xFFFFFFF0] =	vst v2;
	v1 =	vmul.f32 v6, v1  }
0x185: {  	[tilespmem:s13+$0x70] =	vst v3  }
0x186: {  	[tilespmem:s13+$0xFFFFFF70] =	vst v1  }
0x187: {  	_ =	swait.ge [sflag:s19], $0x50  }
0x188: {  	[sflag:s19] =	ssyncset.done $0x0  }
0x189: {  	[sflag:s19] =	ssyncadd.s32 $0xFFFFFFB0  }
0x18a: {  	[spmem:s4] =	stream.indirect.scatter.add.f32 [tilespmem:s12], [sflag:$0x6], $0x80, s1, s9, $0xb8;
	[tilespmem:$0x1E200] =	vst v63  }
0x18b: {  	_ =	swait.ge [sflag:s21], $0x2800  }
0x18c: {  	[sflag:s21] =	ssyncset.done $0x0  }
0x18d: {  	[sflag:s21] =	ssyncadd.s32 $0xFFFFD800  }
0x18e: {  	s3 =	rddreg [dreg:$0x1]  }
0x18f: {  	s0 =	sadd.s32 s3, s25  }
0x190: {  	[tilespmem:s30], [sflag:$0x9] =	stream.linear.gather [hbm4b:s0+s5], $0x50, $0x38;
	[tilespmem:$0x1E200] =	vst v63  }
0x191: {  	_ =	swait.ge [sflag:s2], $0x50  }
0x192: {  	[sflag:s2] =	ssyncset.done $0x0  }
0x193: {  	[sflag:s2] =	ssyncadd.s32 $0xFFFFFFB0  }
0x194: {  	s22 =	sshll.u32 s8, $0x4;
	s13 =	rddreg [dreg:$0x2]  }
0x195: {  	[tilespmem:s5], [sflag:$0x1] =	stream.indirect.gather [hbm4b:s13+s9], $0x80, s29, s9, $0xb8;
	[tilespmem:$0x1E200] =	vst v63  }
0x196: {  	s25 =	simm.s32 $0x5000;
	s0 =	sadd.s32 s7, s22  }
0x197: {  	[tilespmem:s25], [sflag:$0x3] =	stream.linear.gather [hbm4b:s0+s5], $0x2800, $0x38;
	[tilespmem:$0x1E200] =	vst v63  }
0x198: {  	_ =	swait.ge [sflag:s24], $0x2800  }
0x199: {  	[sflag:s24] =	ssyncset.done $0x0  }
0x19a: {  	s26 =	sadd.s32 $0x1, s26;
	s22 =	sadd.s32 s3, s10;
	[sflag:s24] =	ssyncadd.s32 $0xFFFFD800  }
0x19b: {  	[tilespmem:s1], [sflag:$0xA] =	stream.linear.gather [hbm4b:s22+s5], $0x50, $0x38;
	[tilespmem:$0x1E200] =	vst v63  }
0x19c: {  	p0 =	sne.s32 s26, s20;
	_ =	swait.ge [sflag:s11], $0x50  }
.Ltmp3:
0x19d: {  	[sflag:s11] =	ssyncset.done $0x0;
	(pc) =	sbr.rel @p0 .LBB2_4-.Ltmp3, $4  }
0x19e: {  	s25 =	sshll.u32 s28, $0x4;
	[sflag:s11] =	ssyncadd.s32 $0xFFFFFFB0  }
0x19f: {  	[tilespmem:s12], [sflag:$0x2] =	stream.indirect.gather [hbm4b:s13+s9], $0x80, s31, s9, $0xb8;
	[tilespmem:$0x1E200] =	vst v63  }
0x1a0: {  	s28 =	simm.s32 $0x7800;
	s0 =	sadd.s32 s7, s25  }
0x1a1: {  	[tilespmem:s28], [sflag:$0x4] =	stream.linear.gather [hbm4b:s0+s5], $0x2800, $0x38;
	[tilespmem:$0x1E200] =	vst v63  }
0x1a2: {  	_ =	swait.ge [sflag:s14], $0x2800  }
0x1a3: {  	[sflag:s14] =	ssyncset.done $0x0  }
0x1a4: {  	[sflag:s14] =	ssyncadd.s32 $0xFFFFD800  }
0x1a5: {  	_ =	swait.ge [sflag:s15], $0x2800  }
0x1a6: {  	[sflag:s15] =	ssyncset.done $0x0  }
0x1a7: {  	s8 =	simm.s32 $0x100;
	[sflag:s15] =	ssyncadd.s32 $0xFFFFD800  }
0x1a8: {  	s0 =	simm.s32 $0x5100;
	v1 =	vld [tilespmem:s8+$0x80]  }
0x1a9: {  	v2 =	vld [tilespmem:s0+$0x80]  }
0x1aa: {  	v3 =	vld [tilespmem:s8+$0xFFFFFF80]  }
0x1ab: {  	v4 =	vld [tilespmem:s0+$0xFFFFFF80]  }
0x1ac: {  	v5 =	vld [tilespmem:s8+$0x0]  }
0x1ad: {  	v6 =	vld [tilespmem:s0+$0x0]  }
0x1ae: {  	v7 =	vld [tilespmem:s8+$0xFFFFFF00];
	v1 =	vmul.f32 v2, v1  }
0x1af: {  	v2 =	vld [tilespmem:s0+$0xFFFFFF00]  }
0x1b0: {  	[tilespmem:s8+$0x80] =	vst v1;
	v1 =	vld [tilespmem:s8+$0x90]  }
0x1b1: {  	v3 =	vmul.f32 v4, v3;
	v4 =	vld [tilespmem:s0+$0x90]  }
0x1b2: {  	v8 =	vld [tilespmem:s8+$0xFFFFFF10]  }
0x1b3: {  	[tilespmem:s8+$0xFFFFFF80] =	vst v3;
	v3 =	vmul.f32 v6, v5;
	v5 =	vld [tilespmem:s8+$0xFFFFFF90]  }
0x1b4: {  	v6 =	vld [tilespmem:s0+$0xFFFFFF90];
	v2 =	vmul.f32 v2, v7  }
0x1b5: {  	[tilespmem:s8+$0x0] =	vst v3;
	v3 =	vld [tilespmem:s8+$0x10]  }
0x1b6: {  	v7 =	vld [tilespmem:s0+$0x10];
	[tilespmem:s8+$0xFFFFFF00] =	vst v2;
	v1 =	vmul.f32 v4, v1  }
0x1b7: {  	v2 =	vld [tilespmem:s0+$0xFFFFFF10]  }
0x1b8: {  	[tilespmem:s8+$0x90] =	vst v1;
	v1 =	vld [tilespmem:s8+$0xA0]  }
0x1b9: {  	v4 =	vmul.f32 v6, v5;
	v5 =	vld [tilespmem:s0+$0xA0]  }
0x1ba: {  	v6 =	vld [tilespmem:s8+$0xFFFFFF20]  }
0x1bb: {  	[tilespmem:s8+$0xFFFFFF90] =	vst v4;
	v3 =	vmul.f32 v7, v3;
	v4 =	vld [tilespmem:s8+$0xFFFFFFA0]  }
0x1bc: {  	v7 =	vld [tilespmem:s0+$0xFFFFFFA0];
	v2 =	vmul.f32 v2, v8  }
0x1bd: {  	[tilespmem:s8+$0x10] =	vst v3;
	v3 =	vld [tilespmem:s8+$0x20]  }
0x1be: {  	v8 =	vld [tilespmem:s0+$0x20];
	[tilespmem:s8+$0xFFFFFF10] =	vst v2;
	v1 =	vmul.f32 v5, v1  }
0x1bf: {  	v2 =	vld [tilespmem:s0+$0xFFFFFF20]  }
0x1c0: {  	[tilespmem:s8+$0xA0] =	vst v1;
	v1 =	vld [tilespmem:s8+$0xB0]  }
0x1c1: {  	v4 =	vmul.f32 v7, v4;
	v5 =	vld [tilespmem:s0+$0xB0]  }
0x1c2: {  	v7 =	vld [tilespmem:s8+$0xFFFFFF30]  }
0x1c3: {  	[tilespmem:s8+$0xFFFFFFA0] =	vst v4;
	v3 =	vmul.f32 v8, v3;
	v4 =	vld [tilespmem:s8+$0xFFFFFFB0]  }
0x1c4: {  	v8 =	vld [tilespmem:s0+$0xFFFFFFB0];
	v2 =	vmul.f32 v2, v6  }
0x1c5: {  	[tilespmem:s8+$0x20] =	vst v3;
	v3 =	vld [tilespmem:s8+$0x30]  }
0x1c6: {  	v6 =	vld [tilespmem:s0+$0x30];
	[tilespmem:s8+$0xFFFFFF20] =	vst v2;
	v1 =	vmul.f32 v5, v1  }
0x1c7: {  	v2 =	vld [tilespmem:s0+$0xFFFFFF30]  }
0x1c8: {  	[tilespmem:s8+$0xB0] =	vst v1;
	v1 =	vld [tilespmem:s8+$0xC0]  }
0x1c9: {  	v4 =	vmul.f32 v8, v4;
	v5 =	vld [tilespmem:s0+$0xC0]  }
0x1ca: {  	v8 =	vld [tilespmem:s8+$0xFFFFFF40]  }
0x1cb: {  	[tilespmem:s8+$0xFFFFFFB0] =	vst v4;
	v3 =	vmul.f32 v6, v3;
	v4 =	vld [tilespmem:s8+$0xFFFFFFC0]  }
0x1cc: {  	v6 =	vld [tilespmem:s0+$0xFFFFFFC0];
	v2 =	vmul.f32 v2, v7  }
0x1cd: {  	[tilespmem:s8+$0x30] =	vst v3;
	v3 =	vld [tilespmem:s8+$0x40]  }
0x1ce: {  	v7 =	vld [tilespmem:s0+$0x40];
	[tilespmem:s8+$0xFFFFFF30] =	vst v2;
	v1 =	vmul.f32 v5, v1  }
0x1cf: {  	v2 =	vld [tilespmem:s0+$0xFFFFFF40]  }
0x1d0: {  	[tilespmem:s8+$0xC0] =	vst v1;
	v1 =	vld [tilespmem:s8+$0xD0]  }
0x1d1: {  	v4 =	vmul.f32 v6, v4;
	v5 =	vld [tilespmem:s0+$0xD0]  }
0x1d2: {  	v6 =	vld [tilespmem:s8+$0xFFFFFF50]  }
0x1d3: {  	[tilespmem:s8+$0xFFFFFFC0] =	vst v4;
	v3 =	vmul.f32 v7, v3;
	v4 =	vld [tilespmem:s8+$0xFFFFFFD0]  }
0x1d4: {  	v7 =	vld [tilespmem:s0+$0xFFFFFFD0];
	v2 =	vmul.f32 v2, v8  }
0x1d5: {  	[tilespmem:s8+$0x40] =	vst v3;
	v3 =	vld [tilespmem:s8+$0x50]  }
0x1d6: {  	v8 =	vld [tilespmem:s0+$0x50];
	[tilespmem:s8+$0xFFFFFF40] =	vst v2;
	v1 =	vmul.f32 v5, v1  }
0x1d7: {  	v2 =	vld [tilespmem:s0+$0xFFFFFF50]  }
0x1d8: {  	[tilespmem:s8+$0xD0] =	vst v1;
	v1 =	vld [tilespmem:s8+$0xE0]  }
0x1d9: {  	v4 =	vmul.f32 v7, v4;
	v5 =	vld [tilespmem:s0+$0xE0]  }
0x1da: {  	v7 =	vld [tilespmem:s8+$0xFFFFFF60]  }
0x1db: {  	[tilespmem:s8+$0xFFFFFFD0] =	vst v4;
	v3 =	vmul.f32 v8, v3;
	v4 =	vld [tilespmem:s8+$0xFFFFFFE0]  }
0x1dc: {  	v8 =	vld [tilespmem:s0+$0xFFFFFFE0];
	v2 =	vmul.f32 v2, v6  }
0x1dd: {  	[tilespmem:s8+$0x50] =	vst v3;
	v3 =	vld [tilespmem:s8+$0x60]  }
0x1de: {  	v6 =	vld [tilespmem:s0+$0x60];
	[tilespmem:s8+$0xFFFFFF50] =	vst v2;
	v1 =	vmul.f32 v5, v1  }
0x1df: {  	v5 =	vld [tilespmem:s0+$0xFFFFFF60]  }
0x1e0: {  	v9 =	vld [tilespmem:s8+$0xF0];
	[tilespmem:s8+$0xE0] =	vst v1  }
0x1e1: {  	v2 =	vmul.f32 v8, v4;
	v8 =	vld [tilespmem:s0+$0xF0]  }
0x1e2: {  	v1 =	vld [tilespmem:s8+$0xFFFFFF70]  }
0x1e3: {  	[tilespmem:s8+$0xFFFFFFE0] =	vst v2;
	v3 =	vmul.f32 v6, v3;
	v2 =	vld [tilespmem:s8+$0xFFFFFFF0]  }
0x1e4: {  	v4 =	vld [tilespmem:s0+$0xFFFFFFF0];
	v5 =	vmul.f32 v5, v7  }
0x1e5: {  	[tilespmem:s8+$0x60] =	vst v3;
	v3 =	vld [tilespmem:s8+$0x70]  }
0x1e6: {  	[tilespmem:s8+$0xFFFFFF60] =	vst v5;
	v5 =	vld [tilespmem:s0+$0x70];
	v7 =	vmul.f32 v8, v9  }
0x1e7: {  	s3 =	simm.s32 $0x0;
	s10 =	simm.s32 $0x300;
	v6 =	vld [tilespmem:s0+$0xFFFFFF70]  }
.LBB2_10:
0x1e8: {  	v8 =	vld [tilespmem:s10+$0x80];
	[tilespmem:s8+$0xF0] =	vst v7;
	s0 =	sadd.s32 $0x200, s0  }
0x1e9: {  	s3 =	sadd.s32 $0x4, s3;
	v7 =	vld [tilespmem:s0+$0x80];
	v2 =	vmul.f32 v4, v2  }
0x1ea: {  	p0 =	slt.u32 s3, $0x4C;
	v4 =	vld [tilespmem:s0+$0xFFFFFF00]  }
0x1eb: {  	v9 =	vld [tilespmem:s10+$0xFFFFFF80];
	[tilespmem:s8+$0xFFFFFFF0] =	vst v2;
	v2 =	vmul.f32 v5, v3  }
0x1ec: {  	v3 =	vld [tilespmem:s0+$0xFFFFFF80];
	v1 =	vmul.f32 v6, v1  }
0x1ed: {  	v5 =	vld [tilespmem:s10+$0x0];
	[tilespmem:s8+$0x70] =	vst v2  }
0x1ee: {  	v2 =	vld [tilespmem:s0+$0x0];
	v6 =	vmul.f32 v7, v8;
	[tilespmem:s8+$0xFFFFFF70] =	vst v1;
	s8 =	smov.u32 s10  }
0x1ef: {  	v1 =	vld [tilespmem:s10+$0xFFFFFF00]  }
0x1f0: {  	[tilespmem:s10+$0x80] =	vst v6;
	v6 =	vld [tilespmem:s10+$0x90]  }
0x1f1: {  	v3 =	vmul.f32 v3, v9;
	v7 =	vld [tilespmem:s0+$0x90]  }
0x1f2: {  	v8 =	vld [tilespmem:s10+$0xFFFFFF10]  }
0x1f3: {  	[tilespmem:s10+$0xFFFFFF80] =	vst v3;
	v3 =	vld [tilespmem:s10+$0xFFFFFF90];
	v2 =	vmul.f32 v2, v5  }
0x1f4: {  	v1 =	vmul.f32 v4, v1;
	v4 =	vld [tilespmem:s0+$0xFFFFFF90]  }
0x1f5: {  	[tilespmem:s10+$0x0] =	vst v2;
	v2 =	vld [tilespmem:s10+$0x10]  }
0x1f6: {  	[tilespmem:s10+$0xFFFFFF00] =	vst v1;
	v1 =	vld [tilespmem:s0+$0x10];
	v5 =	vmul.f32 v7, v6  }
0x1f7: {  	v6 =	vld [tilespmem:s0+$0xFFFFFF10]  }
0x1f8: {  	[tilespmem:s10+$0x90] =	vst v5;
	v5 =	vld [tilespmem:s10+$0xA0]  }
0x1f9: {  	v3 =	vmul.f32 v4, v3;
	v4 =	vld [tilespmem:s0+$0xA0]  }
0x1fa: {  	v7 =	vld [tilespmem:s10+$0xFFFFFF20]  }
0x1fb: {  	[tilespmem:s10+$0xFFFFFF90] =	vst v3;
	v3 =	vld [tilespmem:s10+$0xFFFFFFA0];
	v1 =	vmul.f32 v1, v2  }
0x1fc: {  	v2 =	vmul.f32 v6, v8;
	v6 =	vld [tilespmem:s0+$0xFFFFFFA0]  }
0x1fd: {  	[tilespmem:s10+$0x10] =	vst v1;
	v1 =	vld [tilespmem:s10+$0x20]  }
0x1fe: {  	[tilespmem:s10+$0xFFFFFF10] =	vst v2;
	v2 =	vld [tilespmem:s0+$0x20];
	v4 =	vmul.f32 v4, v5  }
0x1ff: {  	v5 =	vld [tilespmem:s0+$0xFFFFFF20]  }
0x200: {  	[tilespmem:s10+$0xA0] =	vst v4;
	v4 =	vld [tilespmem:s10+$0xB0]  }
0x201: {  	v3 =	vmul.f32 v6, v3;
	v6 =	vld [tilespmem:s0+$0xB0]  }
0x202: {  	v8 =	vld [tilespmem:s10+$0xFFFFFF30]  }
0x203: {  	[tilespmem:s10+$0xFFFFFFA0] =	vst v3;
	v3 =	vld [tilespmem:s10+$0xFFFFFFB0];
	v1 =	vmul.f32 v2, v1  }
0x204: {  	v2 =	vmul.f32 v5, v7;
	v5 =	vld [tilespmem:s0+$0xFFFFFFB0]  }
0x205: {  	[tilespmem:s10+$0x20] =	vst v1;
	v1 =	vld [tilespmem:s10+$0x30]  }
0x206: {  	[tilespmem:s10+$0xFFFFFF20] =	vst v2;
	v2 =	vld [tilespmem:s0+$0x30];
	v4 =	vmul.f32 v6, v4  }
0x207: {  	v6 =	vld [tilespmem:s0+$0xFFFFFF30]  }
0x208: {  	[tilespmem:s10+$0xB0] =	vst v4;
	v4 =	vld [tilespmem:s10+$0xC0]  }
0x209: {  	v3 =	vmul.f32 v5, v3;
	v5 =	vld [tilespmem:s0+$0xC0]  }
0x20a: {  	v7 =	vld [tilespmem:s10+$0xFFFFFF40]  }
0x20b: {  	[tilespmem:s10+$0xFFFFFFB0] =	vst v3;
	v3 =	vld [tilespmem:s10+$0xFFFFFFC0];
	v1 =	vmul.f32 v2, v1  }
0x20c: {  	v2 =	vmul.f32 v6, v8;
	v6 =	vld [tilespmem:s0+$0xFFFFFFC0]  }
0x20d: {  	[tilespmem:s10+$0x30] =	vst v1;
	v1 =	vld [tilespmem:s10+$0x40]  }
0x20e: {  	[tilespmem:s10+$0xFFFFFF30] =	vst v2;
	v2 =	vld [tilespmem:s0+$0x40];
	v4 =	vmul.f32 v5, v4  }
0x20f: {  	v5 =	vld [tilespmem:s0+$0xFFFFFF40]  }
0x210: {  	[tilespmem:s10+$0xC0] =	vst v4;
	v4 =	vld [tilespmem:s10+$0xD0]  }
0x211: {  	v3 =	vmul.f32 v6, v3;
	v6 =	vld [tilespmem:s0+$0xD0]  }
0x212: {  	v8 =	vld [tilespmem:s10+$0xFFFFFF50]  }
0x213: {  	[tilespmem:s10+$0xFFFFFFC0] =	vst v3;
	v3 =	vld [tilespmem:s10+$0xFFFFFFD0];
	v1 =	vmul.f32 v2, v1  }
0x214: {  	v2 =	vmul.f32 v5, v7;
	v5 =	vld [tilespmem:s0+$0xFFFFFFD0]  }
0x215: {  	[tilespmem:s10+$0x40] =	vst v1;
	v1 =	vld [tilespmem:s10+$0x50]  }
0x216: {  	[tilespmem:s10+$0xFFFFFF40] =	vst v2;
	v2 =	vld [tilespmem:s0+$0x50];
	v4 =	vmul.f32 v6, v4  }
0x217: {  	v6 =	vld [tilespmem:s0+$0xFFFFFF50]  }
0x218: {  	[tilespmem:s10+$0xD0] =	vst v4;
	v4 =	vld [tilespmem:s10+$0xE0]  }
0x219: {  	v3 =	vmul.f32 v5, v3;
	v5 =	vld [tilespmem:s0+$0xE0]  }
0x21a: {  	v7 =	vld [tilespmem:s10+$0xFFFFFF60]  }
0x21b: {  	[tilespmem:s10+$0xFFFFFFD0] =	vst v3;
	v3 =	vld [tilespmem:s10+$0xFFFFFFE0];
	v1 =	vmul.f32 v2, v1  }
0x21c: {  	v2 =	vmul.f32 v6, v8;
	v6 =	vld [tilespmem:s0+$0xFFFFFFE0]  }
0x21d: {  	[tilespmem:s10+$0x50] =	vst v1;
	v8 =	vld [tilespmem:s10+$0x60]  }
0x21e: {  	[tilespmem:s10+$0xFFFFFF50] =	vst v2;
	v9 =	vld [tilespmem:s0+$0x60];
	v1 =	vmul.f32 v5, v4  }
0x21f: {  	v4 =	vld [tilespmem:s0+$0xFFFFFF60]  }
0x220: {  	[tilespmem:s10+$0xE0] =	vst v1;
	v10 =	vld [tilespmem:s10+$0xF0]  }
0x221: {  	v2 =	vmul.f32 v6, v3;
	v6 =	vld [tilespmem:s0+$0xF0]  }
0x222: {  	v1 =	vld [tilespmem:s10+$0xFFFFFF70]  }
.Ltmp4:
0x223: {  	[tilespmem:s10+$0xFFFFFFE0] =	vst v2;
	v2 =	vld [tilespmem:s10+$0xFFFFFFF0];
	v3 =	vmul.f32 v9, v8;
	(pc) =	sbr.rel @p0 .LBB2_10-.Ltmp4, $4  }
0x224: {  	v5 =	vmul.f32 v4, v7;
	v4 =	vld [tilespmem:s0+$0xFFFFFFF0]  }
0x225: {  	[tilespmem:s10+$0x60] =	vst v3;
	v3 =	vld [tilespmem:s10+$0x70]  }
0x226: {  	[tilespmem:s10+$0xFFFFFF60] =	vst v5;
	v5 =	vld [tilespmem:s0+$0x70];
	v7 =	vmul.f32 v6, v10  }
0x227: {  	s10 =	sadd.s32 $0x200, s10;
	v6 =	vld [tilespmem:s0+$0xFFFFFF70]  }
0x228: {  	_ =	sdelay $0x1  }
0x229: {  	v2 =	vmul.f32 v4, v2  }
0x22a: {  	[tilespmem:s8+$0xF0] =	vst v7;
	v3 =	vmul.f32 v5, v3  }
0x22b: {  	[tilespmem:s8+$0xFFFFFFF0] =	vst v2;
	v1 =	vmul.f32 v6, v1  }
0x22c: {  	[tilespmem:s8+$0x70] =	vst v3  }
0x22d: {  	[tilespmem:s8+$0xFFFFFF70] =	vst v1  }
0x22e: {  	_ =	swait.ge [sflag:s16], $0x50  }
0x22f: {  	[sflag:s16] =	ssyncset.done $0x0  }
0x230: {  	[sflag:s16] =	ssyncadd.s32 $0xFFFFFFB0  }
0x231: {  	[spmem:s4] =	stream.indirect.scatter.add.f32 [tilespmem:s5], [sflag:$0x5], $0x80, s30, s9, $0xb8;
	[tilespmem:$0x1E200] =	vst v63  }
0x232: {  	_ =	swait.ge [sflag:s17], $0x2800  }
0x233: {  	[sflag:s17] =	ssyncset.done $0x0  }
0x234: {  	[sflag:s17] =	ssyncadd.s32 $0xFFFFD800  }
0x235: {  	_ =	swait.ge [sflag:s18], $0x2800  }
0x236: {  	[sflag:s18] =	ssyncset.done $0x0  }
0x237: {  	s8 =	simm.s32 $0x2900;
	[sflag:s18] =	ssyncadd.s32 $0xFFFFD800  }
0x238: {  	s0 =	simm.s32 $0x7900;
	v1 =	vld [tilespmem:s8+$0x80]  }
0x239: {  	v2 =	vld [tilespmem:s0+$0x80]  }
0x23a: {  	v3 =	vld [tilespmem:s8+$0xFFFFFF80]  }
0x23b: {  	v4 =	vld [tilespmem:s0+$0xFFFFFF80]  }
0x23c: {  	v5 =	vld [tilespmem:s8+$0x0]  }
0x23d: {  	v6 =	vld [tilespmem:s0+$0x0]  }
0x23e: {  	v7 =	vld [tilespmem:s8+$0xFFFFFF00];
	v1 =	vmul.f32 v2, v1  }
0x23f: {  	v2 =	vld [tilespmem:s0+$0xFFFFFF00]  }
0x240: {  	[tilespmem:s8+$0x80] =	vst v1;
	v1 =	vld [tilespmem:s8+$0x90]  }
0x241: {  	v3 =	vmul.f32 v4, v3;
	v4 =	vld [tilespmem:s0+$0x90]  }
0x242: {  	v8 =	vld [tilespmem:s8+$0xFFFFFF10]  }
0x243: {  	[tilespmem:s8+$0xFFFFFF80] =	vst v3;
	v3 =	vmul.f32 v6, v5;
	v5 =	vld [tilespmem:s8+$0xFFFFFF90]  }
0x244: {  	v6 =	vld [tilespmem:s0+$0xFFFFFF90];
	v2 =	vmul.f32 v2, v7  }
0x245: {  	[tilespmem:s8+$0x0] =	vst v3;
	v3 =	vld [tilespmem:s8+$0x10]  }
0x246: {  	v7 =	vld [tilespmem:s0+$0x10];
	[tilespmem:s8+$0xFFFFFF00] =	vst v2;
	v1 =	vmul.f32 v4, v1  }
0x247: {  	v2 =	vld [tilespmem:s0+$0xFFFFFF10]  }
0x248: {  	[tilespmem:s8+$0x90] =	vst v1;
	v1 =	vld [tilespmem:s8+$0xA0]  }
0x249: {  	v4 =	vmul.f32 v6, v5;
	v5 =	vld [tilespmem:s0+$0xA0]  }
0x24a: {  	v6 =	vld [tilespmem:s8+$0xFFFFFF20]  }
0x24b: {  	[tilespmem:s8+$0xFFFFFF90] =	vst v4;
	v3 =	vmul.f32 v7, v3;
	v4 =	vld [tilespmem:s8+$0xFFFFFFA0]  }
0x24c: {  	v7 =	vld [tilespmem:s0+$0xFFFFFFA0];
	v2 =	vmul.f32 v2, v8  }
0x24d: {  	[tilespmem:s8+$0x10] =	vst v3;
	v3 =	vld [tilespmem:s8+$0x20]  }
0x24e: {  	v8 =	vld [tilespmem:s0+$0x20];
	[tilespmem:s8+$0xFFFFFF10] =	vst v2;
	v1 =	vmul.f32 v5, v1  }
0x24f: {  	v2 =	vld [tilespmem:s0+$0xFFFFFF20]  }
0x250: {  	[tilespmem:s8+$0xA0] =	vst v1;
	v1 =	vld [tilespmem:s8+$0xB0]  }
0x251: {  	v4 =	vmul.f32 v7, v4;
	v5 =	vld [tilespmem:s0+$0xB0]  }
0x252: {  	v7 =	vld [tilespmem:s8+$0xFFFFFF30]  }
0x253: {  	[tilespmem:s8+$0xFFFFFFA0] =	vst v4;
	v3 =	vmul.f32 v8, v3;
	v4 =	vld [tilespmem:s8+$0xFFFFFFB0]  }
0x254: {  	v8 =	vld [tilespmem:s0+$0xFFFFFFB0];
	v2 =	vmul.f32 v2, v6  }
0x255: {  	[tilespmem:s8+$0x20] =	vst v3;
	v3 =	vld [tilespmem:s8+$0x30]  }
0x256: {  	v6 =	vld [tilespmem:s0+$0x30];
	[tilespmem:s8+$0xFFFFFF20] =	vst v2;
	v1 =	vmul.f32 v5, v1  }
0x257: {  	v2 =	vld [tilespmem:s0+$0xFFFFFF30]  }
0x258: {  	[tilespmem:s8+$0xB0] =	vst v1;
	v1 =	vld [tilespmem:s8+$0xC0]  }
0x259: {  	v4 =	vmul.f32 v8, v4;
	v5 =	vld [tilespmem:s0+$0xC0]  }
0x25a: {  	v8 =	vld [tilespmem:s8+$0xFFFFFF40]  }
0x25b: {  	[tilespmem:s8+$0xFFFFFFB0] =	vst v4;
	v3 =	vmul.f32 v6, v3;
	v4 =	vld [tilespmem:s8+$0xFFFFFFC0]  }
0x25c: {  	v6 =	vld [tilespmem:s0+$0xFFFFFFC0];
	v2 =	vmul.f32 v2, v7  }
0x25d: {  	[tilespmem:s8+$0x30] =	vst v3;
	v3 =	vld [tilespmem:s8+$0x40]  }
0x25e: {  	v7 =	vld [tilespmem:s0+$0x40];
	[tilespmem:s8+$0xFFFFFF30] =	vst v2;
	v1 =	vmul.f32 v5, v1  }
0x25f: {  	v2 =	vld [tilespmem:s0+$0xFFFFFF40]  }
0x260: {  	[tilespmem:s8+$0xC0] =	vst v1;
	v1 =	vld [tilespmem:s8+$0xD0]  }
0x261: {  	v4 =	vmul.f32 v6, v4;
	v5 =	vld [tilespmem:s0+$0xD0]  }
0x262: {  	v6 =	vld [tilespmem:s8+$0xFFFFFF50]  }
0x263: {  	[tilespmem:s8+$0xFFFFFFC0] =	vst v4;
	v3 =	vmul.f32 v7, v3;
	v4 =	vld [tilespmem:s8+$0xFFFFFFD0]  }
0x264: {  	v7 =	vld [tilespmem:s0+$0xFFFFFFD0];
	v2 =	vmul.f32 v2, v8  }
0x265: {  	[tilespmem:s8+$0x40] =	vst v3;
	v3 =	vld [tilespmem:s8+$0x50]  }
0x266: {  	v8 =	vld [tilespmem:s0+$0x50];
	[tilespmem:s8+$0xFFFFFF40] =	vst v2;
	v1 =	vmul.f32 v5, v1  }
0x267: {  	v2 =	vld [tilespmem:s0+$0xFFFFFF50]  }
0x268: {  	[tilespmem:s8+$0xD0] =	vst v1;
	v1 =	vld [tilespmem:s8+$0xE0]  }
0x269: {  	v4 =	vmul.f32 v7, v4;
	v5 =	vld [tilespmem:s0+$0xE0]  }
0x26a: {  	v7 =	vld [tilespmem:s8+$0xFFFFFF60]  }
0x26b: {  	[tilespmem:s8+$0xFFFFFFD0] =	vst v4;
	v3 =	vmul.f32 v8, v3;
	v4 =	vld [tilespmem:s8+$0xFFFFFFE0]  }
0x26c: {  	v8 =	vld [tilespmem:s0+$0xFFFFFFE0];
	v2 =	vmul.f32 v2, v6  }
0x26d: {  	[tilespmem:s8+$0x50] =	vst v3;
	v3 =	vld [tilespmem:s8+$0x60]  }
0x26e: {  	v6 =	vld [tilespmem:s0+$0x60];
	[tilespmem:s8+$0xFFFFFF50] =	vst v2;
	v1 =	vmul.f32 v5, v1  }
0x26f: {  	v5 =	vld [tilespmem:s0+$0xFFFFFF60]  }
0x270: {  	v9 =	vld [tilespmem:s8+$0xF0];
	[tilespmem:s8+$0xE0] =	vst v1  }
0x271: {  	v2 =	vmul.f32 v8, v4;
	v8 =	vld [tilespmem:s0+$0xF0]  }
0x272: {  	v1 =	vld [tilespmem:s8+$0xFFFFFF70]  }
0x273: {  	[tilespmem:s8+$0xFFFFFFE0] =	vst v2;
	v3 =	vmul.f32 v6, v3;
	v2 =	vld [tilespmem:s8+$0xFFFFFFF0]  }
0x274: {  	v4 =	vld [tilespmem:s0+$0xFFFFFFF0];
	v5 =	vmul.f32 v5, v7  }
0x275: {  	[tilespmem:s8+$0x60] =	vst v3;
	v3 =	vld [tilespmem:s8+$0x70]  }
0x276: {  	[tilespmem:s8+$0xFFFFFF60] =	vst v5;
	v5 =	vld [tilespmem:s0+$0x70];
	v7 =	vmul.f32 v8, v9  }
0x277: {  	s3 =	simm.s32 $0x0;
	s10 =	simm.s32 $0x2B00;
	v6 =	vld [tilespmem:s0+$0xFFFFFF70];
	s13 =	rddreg [dreg:$0x5]  }
.LBB2_12:
0x278: {  	v8 =	vld [tilespmem:s10+$0x80];
	[tilespmem:s8+$0xF0] =	vst v7;
	s0 =	sadd.s32 $0x200, s0  }
0x279: {  	s3 =	sadd.s32 $0x4, s3;
	v7 =	vld [tilespmem:s0+$0x80];
	v2 =	vmul.f32 v4, v2  }
0x27a: {  	p0 =	slt.u32 s3, $0x4C;
	v4 =	vld [tilespmem:s0+$0xFFFFFF00]  }
0x27b: {  	v9 =	vld [tilespmem:s10+$0xFFFFFF80];
	[tilespmem:s8+$0xFFFFFFF0] =	vst v2;
	v2 =	vmul.f32 v5, v3  }
0x27c: {  	v3 =	vld [tilespmem:s0+$0xFFFFFF80];
	v1 =	vmul.f32 v6, v1  }
0x27d: {  	v5 =	vld [tilespmem:s10+$0x0];
	[tilespmem:s8+$0x70] =	vst v2  }
0x27e: {  	v2 =	vld [tilespmem:s0+$0x0];
	v6 =	vmul.f32 v7, v8;
	[tilespmem:s8+$0xFFFFFF70] =	vst v1;
	s8 =	smov.u32 s10  }
0x27f: {  	v1 =	vld [tilespmem:s10+$0xFFFFFF00]  }
0x280: {  	[tilespmem:s10+$0x80] =	vst v6;
	v6 =	vld [tilespmem:s10+$0x90]  }
0x281: {  	v3 =	vmul.f32 v3, v9;
	v7 =	vld [tilespmem:s0+$0x90]  }
0x282: {  	v8 =	vld [tilespmem:s10+$0xFFFFFF10]  }
0x283: {  	[tilespmem:s10+$0xFFFFFF80] =	vst v3;
	v3 =	vld [tilespmem:s10+$0xFFFFFF90];
	v2 =	vmul.f32 v2, v5  }
0x284: {  	v1 =	vmul.f32 v4, v1;
	v4 =	vld [tilespmem:s0+$0xFFFFFF90]  }
0x285: {  	[tilespmem:s10+$0x0] =	vst v2;
	v2 =	vld [tilespmem:s10+$0x10]  }
0x286: {  	[tilespmem:s10+$0xFFFFFF00] =	vst v1;
	v1 =	vld [tilespmem:s0+$0x10];
	v5 =	vmul.f32 v7, v6  }
0x287: {  	v6 =	vld [tilespmem:s0+$0xFFFFFF10]  }
0x288: {  	[tilespmem:s10+$0x90] =	vst v5;
	v5 =	vld [tilespmem:s10+$0xA0]  }
0x289: {  	v3 =	vmul.f32 v4, v3;
	v4 =	vld [tilespmem:s0+$0xA0]  }
0x28a: {  	v7 =	vld [tilespmem:s10+$0xFFFFFF20]  }
0x28b: {  	[tilespmem:s10+$0xFFFFFF90] =	vst v3;
	v3 =	vld [tilespmem:s10+$0xFFFFFFA0];
	v1 =	vmul.f32 v1, v2  }
0x28c: {  	v2 =	vmul.f32 v6, v8;
	v6 =	vld [tilespmem:s0+$0xFFFFFFA0]  }
0x28d: {  	[tilespmem:s10+$0x10] =	vst v1;
	v1 =	vld [tilespmem:s10+$0x20]  }
0x28e: {  	[tilespmem:s10+$0xFFFFFF10] =	vst v2;
	v2 =	vld [tilespmem:s0+$0x20];
	v4 =	vmul.f32 v4, v5  }
0x28f: {  	v5 =	vld [tilespmem:s0+$0xFFFFFF20]  }
0x290: {  	[tilespmem:s10+$0xA0] =	vst v4;
	v4 =	vld [tilespmem:s10+$0xB0]  }
0x291: {  	v3 =	vmul.f32 v6, v3;
	v6 =	vld [tilespmem:s0+$0xB0]  }
0x292: {  	v8 =	vld [tilespmem:s10+$0xFFFFFF30]  }
0x293: {  	[tilespmem:s10+$0xFFFFFFA0] =	vst v3;
	v3 =	vld [tilespmem:s10+$0xFFFFFFB0];
	v1 =	vmul.f32 v2, v1  }
0x294: {  	v2 =	vmul.f32 v5, v7;
	v5 =	vld [tilespmem:s0+$0xFFFFFFB0]  }
0x295: {  	[tilespmem:s10+$0x20] =	vst v1;
	v1 =	vld [tilespmem:s10+$0x30]  }
0x296: {  	[tilespmem:s10+$0xFFFFFF20] =	vst v2;
	v2 =	vld [tilespmem:s0+$0x30];
	v4 =	vmul.f32 v6, v4  }
0x297: {  	v6 =	vld [tilespmem:s0+$0xFFFFFF30]  }
0x298: {  	[tilespmem:s10+$0xB0] =	vst v4;
	v4 =	vld [tilespmem:s10+$0xC0]  }
0x299: {  	v3 =	vmul.f32 v5, v3;
	v5 =	vld [tilespmem:s0+$0xC0]  }
0x29a: {  	v7 =	vld [tilespmem:s10+$0xFFFFFF40]  }
0x29b: {  	[tilespmem:s10+$0xFFFFFFB0] =	vst v3;
	v3 =	vld [tilespmem:s10+$0xFFFFFFC0];
	v1 =	vmul.f32 v2, v1  }
0x29c: {  	v2 =	vmul.f32 v6, v8;
	v6 =	vld [tilespmem:s0+$0xFFFFFFC0]  }
0x29d: {  	[tilespmem:s10+$0x30] =	vst v1;
	v1 =	vld [tilespmem:s10+$0x40]  }
0x29e: {  	[tilespmem:s10+$0xFFFFFF30] =	vst v2;
	v2 =	vld [tilespmem:s0+$0x40];
	v4 =	vmul.f32 v5, v4  }
0x29f: {  	v5 =	vld [tilespmem:s0+$0xFFFFFF40]  }
0x2a0: {  	[tilespmem:s10+$0xC0] =	vst v4;
	v4 =	vld [tilespmem:s10+$0xD0]  }
0x2a1: {  	v3 =	vmul.f32 v6, v3;
	v6 =	vld [tilespmem:s0+$0xD0]  }
0x2a2: {  	v8 =	vld [tilespmem:s10+$0xFFFFFF50]  }
0x2a3: {  	[tilespmem:s10+$0xFFFFFFC0] =	vst v3;
	v3 =	vld [tilespmem:s10+$0xFFFFFFD0];
	v1 =	vmul.f32 v2, v1  }
0x2a4: {  	v2 =	vmul.f32 v5, v7;
	v5 =	vld [tilespmem:s0+$0xFFFFFFD0]  }
0x2a5: {  	[tilespmem:s10+$0x40] =	vst v1;
	v1 =	vld [tilespmem:s10+$0x50]  }
0x2a6: {  	[tilespmem:s10+$0xFFFFFF40] =	vst v2;
	v2 =	vld [tilespmem:s0+$0x50];
	v4 =	vmul.f32 v6, v4  }
0x2a7: {  	v6 =	vld [tilespmem:s0+$0xFFFFFF50]  }
0x2a8: {  	[tilespmem:s10+$0xD0] =	vst v4;
	v4 =	vld [tilespmem:s10+$0xE0]  }
0x2a9: {  	v3 =	vmul.f32 v5, v3;
	v5 =	vld [tilespmem:s0+$0xE0]  }
0x2aa: {  	v7 =	vld [tilespmem:s10+$0xFFFFFF60]  }
0x2ab: {  	[tilespmem:s10+$0xFFFFFFD0] =	vst v3;
	v3 =	vld [tilespmem:s10+$0xFFFFFFE0];
	v1 =	vmul.f32 v2, v1  }
0x2ac: {  	v2 =	vmul.f32 v6, v8;
	v6 =	vld [tilespmem:s0+$0xFFFFFFE0]  }
0x2ad: {  	[tilespmem:s10+$0x50] =	vst v1;
	v8 =	vld [tilespmem:s10+$0x60]  }
0x2ae: {  	[tilespmem:s10+$0xFFFFFF50] =	vst v2;
	v9 =	vld [tilespmem:s0+$0x60];
	v1 =	vmul.f32 v5, v4  }
0x2af: {  	v4 =	vld [tilespmem:s0+$0xFFFFFF60]  }
0x2b0: {  	[tilespmem:s10+$0xE0] =	vst v1;
	v10 =	vld [tilespmem:s10+$0xF0]  }
0x2b1: {  	v2 =	vmul.f32 v6, v3;
	v6 =	vld [tilespmem:s0+$0xF0]  }
0x2b2: {  	v1 =	vld [tilespmem:s10+$0xFFFFFF70]  }
.Ltmp5:
0x2b3: {  	[tilespmem:s10+$0xFFFFFFE0] =	vst v2;
	v2 =	vld [tilespmem:s10+$0xFFFFFFF0];
	v3 =	vmul.f32 v9, v8;
	(pc) =	sbr.rel @p0 .LBB2_12-.Ltmp5, $4  }
0x2b4: {  	v5 =	vmul.f32 v4, v7;
	v4 =	vld [tilespmem:s0+$0xFFFFFFF0]  }
0x2b5: {  	[tilespmem:s10+$0x60] =	vst v3;
	v3 =	vld [tilespmem:s10+$0x70]  }
0x2b6: {  	[tilespmem:s10+$0xFFFFFF60] =	vst v5;
	v5 =	vld [tilespmem:s0+$0x70];
	v7 =	vmul.f32 v6, v10  }
0x2b7: {  	s10 =	sadd.s32 $0x200, s10;
	v6 =	vld [tilespmem:s0+$0xFFFFFF70]  }
0x2b8: {  	_ =	sdelay $0x1  }
0x2b9: {  	v2 =	vmul.f32 v4, v2  }
0x2ba: {  	[tilespmem:s8+$0xF0] =	vst v7;
	v3 =	vmul.f32 v5, v3  }
0x2bb: {  	[tilespmem:s8+$0xFFFFFFF0] =	vst v2;
	v1 =	vmul.f32 v6, v1  }
0x2bc: {  	[tilespmem:s8+$0x70] =	vst v3  }
0x2bd: {  	[tilespmem:s8+$0xFFFFFF70] =	vst v1  }
0x2be: {  	_ =	swait.ge [sflag:s19], $0x50  }
0x2bf: {  	[sflag:s19] =	ssyncset.done $0x0  }
0x2c0: {  	[sflag:s19] =	ssyncadd.s32 $0xFFFFFFB0  }
0x2c1: {  	[spmem:s4] =	stream.indirect.scatter.add.f32 [tilespmem:s12], [sflag:$0x6], $0x80, s1, s9, $0xb8;
	[tilespmem:$0x1E200] =	vst v63  }
0x2c2: {  	_ =	swait.ge [sflag:s21], $0x2800  }
0x2c3: {  	[sflag:s21] =	ssyncset.done $0x0  }
0x2c4: {  	[sflag:s21] =	ssyncadd.s32 $0xFFFFD800  }
0x2c5: {  	_ =	swait.ge [sflag:s24], $0x2800  }
0x2c6: {  	[sflag:s24] =	ssyncset.done $0x0  }
0x2c7: {  	s0 =	stileid.u32;
	[sflag:s24] =	ssyncadd.s32 $0xFFFFD800  }
0x2c8: {  	s3 =	sshrl.u32 s13, $0x3;
	s0 =	sshll.u32 s0, $0x6;
	[bflag:$0x0] =	sbarrier.arrive $0xFFFF  }
0x2c9: {  	s0 =	sor.u32 $0x1C0B, s0;
	s8 =	simm.s32 $0xB;
	s25 =	rddreg [dreg:$0x13]  }
0x2ca: {  	[hbm:s25], [sflag:s0] =	dma.local [spmem:s3], $0x2800  }
0x2cb: {  	_ =	swait.ge [sflag:s8], $0x2800  }
0x2cc: {  	s26 =	rddreg [dreg:$0x16]  }
0x2cd: {  	s28 =	rddreg [dreg:$0x14];
	s3 =	sadd.s32 $0x1, s26  }
0x2ce: {  	p0 =	sne.s32 s3, s28  }
.Ltmp6:
0x2cf: {  	_ = 	snop;
	(pc) =	sbr.rel @p0 .LBB2_1-.Ltmp6, $3  }
0x2d0: {  	_ =	sdelay $0x1  }
0x2d1: {  	[sflag:s8] =	ssyncset.done $0x0  }
0x2d2: {  	[sflag:s8] =	ssyncadd.s32 $0xFFFFD800  }
0x2d3: {  	_ =	sfence.sel $0x180000  }
0x2d4: {  	[bflag:$0x0] =	sbarrier.arrive $0xFFFF  }
0x2d5: {  	_ =	strace $0x90000047  }
0x2d6: {  	s0 =	stileid.u32;
	[bflag:$0x2] =	sbarrier.arrive $0xFFFF  }
0x2d7: {  	p0 =	sne.s32 s0, $0x0;
	s0 =	rddreg [dreg:$0x4]  }
0x2d8: {  	s0 =	sadd.s32 @!p0 $0x100000, s0  }
0x2d9: {  	[sflag:s0] =	ssyncadd.tile.s32 @!p0 $0x1;
	_ =	shalt  }
.Lfunc_end2:
_tile_overlayer_lowered:
.L_overlay_start_2:
0x2da: {  	(tag) =	ssettag $0x2  }
0x2db: {  	s0 =	rddreg [dreg:$0x0];
	s2 =	stileid.u32  }
0x2dc: {  	s1 =	rddreg [dreg:$0x1];
	p0 =	sne.s32 s2, $0x0  }
0x2dd: {  	s3 =	rddreg [dreg:$0x2];
	[bflag:$0x3] =	sbarrier.arrive $0xFFFF;
	s2 =	simm.s32 @!p0 $0x1C0B  }
0x2de: {  	[timem:s3], [sflag:s2] =	dma.local @!p0 [hbm:s0], s1  }
0x2df: {  	s0 =	simm.s32 @!p0 $0xB  }
0x2e0: {  	_ =	swait.ge @!p0 [sflag:s0], s1  }
0x2e1: {  	s1 =	ssub.s32 @!p0 $0x0, s1;
	[sflag:s0] =	ssyncset.done @!p0 $0x0  }
0x2e2: {  	[sflag:s0] =	ssyncadd.s32 @!p0 s1  }
0x2e3: {  	[bflag:$0x3] =	sbarrier.arrive $0xFFFF  }
0x2e4: {  	_ =	shalt  }

</sc_bundles>
